<compile_context>
chip_gen: v7x
topology: tpu7x:2x2x1
jax: 0.10.2.dev20260603
libtpu: 0.0.44.dev20260713+nightly
codegen_flags: <defaults>
</compile_context>

<pallas_src>
import functools

import jax
import jax.numpy as jnp
from jax import lax
from jax.experimental import pallas as pl
from jax.experimental.pallas import tpu as pltpu
from jax.experimental.pallas import tpu_sc as plsc

_STRIP = 1024


@functools.lru_cache(maxsize=None)
def _build(N, S, D):
    info = plsc.get_sparse_core_info()
    nc = info.num_cores
    nw = nc * info.num_subcores
    B = N * S
    n_strips = B // _STRIP
    strips_per_w = n_strips // nw
    assert n_strips % nw == 0 and N % (4 * 128) == 0 and D == 32

    mesh = plsc.VectorSubcoreMesh(core_axis_name="c", subcore_axis_name="s")

    @functools.partial(
        pl.kernel,
        mesh=mesh,
        compiler_params=pltpu.CompilerParams(
            use_tc_tiling_on_sc=False, needs_layout_passes=False),
        out_type=jax.ShapeDtypeStruct((B * D,), jnp.float32),
        scratch_types=[
            pltpu.VMEM((_STRIP,), jnp.int32),
            pltpu.VMEM((_STRIP,), jnp.int32),
            pltpu.VMEM((_STRIP, D), jnp.float32),
            pltpu.VMEM((_STRIP, D), jnp.float32),
            pltpu.VMEM((_STRIP * D,), jnp.float32),
            pltpu.SemaphoreType.DMA,
            pltpu.SemaphoreType.DMA,
        ],
    )
    def gather_kernel(idx_hbm, table_hbm, out_hbm,
                      idx0, idx1, rows0, rows1, o_v, sem0, sem1):
        wid = lax.axis_index("s") * nc + lax.axis_index("c")
        u0 = wid * strips_per_w
        lanes = lax.iota(jnp.int32, 16)
        colv = [(lanes + k) & 15 for k in range(16)]
        pf = [(cv >> 3) * 8192 + (cv & 7) * 128 for cv in colv]
        idx_bufs = (idx0, idx1)
        row_bufs = (rows0, rows1)
        sems = (sem0, sem1)

        def start(j, b):
            idx_v, rows_v, sem = idx_bufs[b], row_bufs[b], sems[b]
            off = pl.multiple_of((u0 + j) * _STRIP, _STRIP)
            pltpu.sync_copy(idx_hbm.at[pl.ds(off, _STRIP)], idx_v)
            pltpu.async_copy(table_hbm.at[idx_v], rows_v, sem)

        def wait(b):
            pltpu.make_async_copy(
                table_hbm.at[idx_bufs[b]], row_bufs[b], sems[b]).wait()

        def transpose_strip(rows_v):
            def body(g, _):
                m0 = g * 16
                tl0 = (m0 >> 7) * 1024 + (m0 & 127)
                tlvec = jnp.broadcast_to(tl0, (16,)) + lanes
                rowv = jnp.broadcast_to(m0, (16,)) + lanes
                for c0 in (0, 16):
                    for k in range(16):
                        col = colv[k] + c0 if c0 else colv[k]
                        v = plsc.load_gather(rows_v, [rowv, col])
                        pv = pf[k] + tlvec
                        if c0:
                            pv = pv + 16384
                        plsc.store_scatter(o_v, [pv], v)
                return 0

            lax.fori_loop(0, 64, body, 0)

        def writeout(j):
            u = u0 + j
            s_id = u // 4
            q = u % 4
            for i in range(4):
                off = pl.multiple_of(
                    (128 * s_id + 32 * i + 8 * q) * 1024, 8192)
                pltpu.sync_copy(o_v.at[pl.ds(i * 8192, 8192)],
                                out_hbm.at[pl.ds(off, 8192)])

        start(0, 0)
        start(1, 1)

        def ring_body(k, _):
            for b in range(2):
                j = k * 2 + b
                wait(b)
                transpose_strip(row_bufs[b])
                writeout(j)

                @pl.when(j + 2 < strips_per_w)
                def _():
                    start(j + 2, b)

            return 0

        lax.fori_loop(0, strips_per_w // 2, ring_body, 0)
        if strips_per_w % 2:
            j_last = strips_per_w - 1
            wait(0)
            transpose_strip(row_bufs[0])
            writeout(j_last)

    return gather_kernel


def kernel(token_ids, weight):
    n, s = token_ids.shape
    d = weight.shape[1]
    idx = token_ids.T.reshape(n * s).astype(jnp.int32)
    out = _build(n, s, d)(idx, weight)
    o4 = out.reshape(s, d // 8, n // 128, 8, 128)
    return o4.transpose(2, 4, 0, 1, 3).reshape(n, s, d)

# --- scband reference (transcript-rebuilt; emitter-appended) ---
"""Pipeline reference for scband-embedding-26980984554229 (READ-ONLY COPY).

The authoritative reference and input builder live on the scoring server;
editing this copy changes nothing except your own understanding.
"""

import jax, jax.numpy as jnp
import numpy as np

NUM_EMBEDDINGS = 1000000
EMBEDDING_DIM = 32

def setup_inputs(seed: int = 0) -> dict:
    key = jax.random.key(seed)
    k_idx, k_w = jax.random.split(key)
    token_ids = jax.random.randint(k_idx, (4096, 200), 0, NUM_EMBEDDINGS, dtype=jnp.int64 if jax.config.jax_enable_x64 else jnp.int32)
    # trunc_normal init (mean=0, std=1, a=-3, b=3)
    weight = jax.random.truncated_normal(k_w, -3.0, 3.0, (NUM_EMBEDDINGS, EMBEDDING_DIM), dtype=jnp.float32)
    return {"token_ids": token_ids, "weight": weight}

def reference(token_ids, weight):
    # torch.embedding(weight, token_ids) == gather rows of weight by token_ids
    return jnp.take(weight, token_ids, axis=0)

if __name__ == "__main__":
    import jax
    _d = setup_inputs()
    print(jax.jit(kernel)(*tuple(_d.values())))

</pallas_src>

<mosaic_0001>
#map = affine_map<(d0, d1) -> (0)>
#map1 = affine_map<(d0, d1) -> (0, 0)>
module attributes {stable_mosaic.version = 14 : i64} {
  func.func @gather_kernel(%arg0: i32, %arg1: i32, %arg2: memref<819200xi32, #tpu.memory_space<hbm>>, %arg3: memref<1000000x32xf32, #tpu.memory_space<hbm>>, %arg4: memref<26214400xf32, #tpu.memory_space<hbm>>, %arg5: memref<1024xi32, #tpu.memory_space<vmem>>, %arg6: memref<1024xi32, #tpu.memory_space<vmem>>, %arg7: memref<1024x32xf32, #tpu.memory_space<vmem>>, %arg8: memref<1024x32xf32, #tpu.memory_space<vmem>>, %arg9: memref<32768xf32, #tpu.memory_space<vmem>>, %arg10: memref<!tpu.dma_semaphore, #tpu.memory_space<semaphore_mem>>, %arg11: memref<!tpu.dma_semaphore, #tpu.memory_space<semaphore_mem>>) attributes {dimension_semantics = [#tpu.dimension_semantics<core_parallel>, #tpu.dimension_semantics<subcore_parallel>], iteration_bounds = array<i64: 2, 16>, scalar_prefetch = 0 : i64, scratch_operands = 7 : i64, tpu.core_type = #tpu.core_type<sc_vector_subcore>, window_params = [{transform_indices = #map}, {transform_indices = #map1}, {transform_indices = #map}]} {
    %mul3A = arith.constant 2 : i32
    %mul3A_0 = arith.muli %arg1, %mul3A : i32
    %add3A = arith.addi %mul3A_0, %arg0 : i32
    %mul3A_1 = arith.constant 25 : i32
    %mul3A_2 = arith.muli %add3A, %mul3A_1 : i32
    %iota3A = tpu.iota {dimensions = array<i32: 0>} : vector<16xi32>
    %add3A_3 = arith.constant 0 : i32
    %add3A_4 = vector.broadcast %add3A_3 : i32 to vector<16xi32>
    %add3A_5 = arith.addi %iota3A, %add3A_4 : vector<16xi32>
    %and3A = arith.constant 15 : i32
    %and3A_6 = vector.broadcast %and3A : i32 to vector<16xi32>
    %and3A_7 = arith.andi %add3A_5, %and3A_6 : vector<16xi32>
    %add3A_8 = arith.constant 1 : i32
    %add3A_9 = vector.broadcast %add3A_8 : i32 to vector<16xi32>
    %add3A_10 = arith.addi %iota3A, %add3A_9 : vector<16xi32>
    %and3A_11 = arith.constant 15 : i32
    %and3A_12 = vector.broadcast %and3A_11 : i32 to vector<16xi32>
    %and3A_13 = arith.andi %add3A_10, %and3A_12 : vector<16xi32>
    %add3A_14 = arith.constant 2 : i32
    %add3A_15 = vector.broadcast %add3A_14 : i32 to vector<16xi32>
    %add3A_16 = arith.addi %iota3A, %add3A_15 : vector<16xi32>
    %and3A_17 = arith.constant 15 : i32
    %and3A_18 = vector.broadcast %and3A_17 : i32 to vector<16xi32>
    %and3A_19 = arith.andi %add3A_16, %and3A_18 : vector<16xi32>
    %add3A_20 = arith.constant 3 : i32
    %add3A_21 = vector.broadcast %add3A_20 : i32 to vector<16xi32>
    %add3A_22 = arith.addi %iota3A, %add3A_21 : vector<16xi32>
    %and3A_23 = arith.constant 15 : i32
    %and3A_24 = vector.broadcast %and3A_23 : i32 to vector<16xi32>
    %and3A_25 = arith.andi %add3A_22, %and3A_24 : vector<16xi32>
    %add3A_26 = arith.constant 4 : i32
    %add3A_27 = vector.broadcast %add3A_26 : i32 to vector<16xi32>
    %add3A_28 = arith.addi %iota3A, %add3A_27 : vector<16xi32>
    %and3A_29 = arith.constant 15 : i32
    %and3A_30 = vector.broadcast %and3A_29 : i32 to vector<16xi32>
    %and3A_31 = arith.andi %add3A_28, %and3A_30 : vector<16xi32>
    %add3A_32 = arith.constant 5 : i32
    %add3A_33 = vector.broadcast %add3A_32 : i32 to vector<16xi32>
    %add3A_34 = arith.addi %iota3A, %add3A_33 : vector<16xi32>
    %and3A_35 = arith.constant 15 : i32
    %and3A_36 = vector.broadcast %and3A_35 : i32 to vector<16xi32>
    %and3A_37 = arith.andi %add3A_34, %and3A_36 : vector<16xi32>
    %add3A_38 = arith.constant 6 : i32
    %add3A_39 = vector.broadcast %add3A_38 : i32 to vector<16xi32>
    %add3A_40 = arith.addi %iota3A, %add3A_39 : vector<16xi32>
    %and3A_41 = arith.constant 15 : i32
    %and3A_42 = vector.broadcast %and3A_41 : i32 to vector<16xi32>
    %and3A_43 = arith.andi %add3A_40, %and3A_42 : vector<16xi32>
    %add3A_44 = arith.constant 7 : i32
    %add3A_45 = vector.broadcast %add3A_44 : i32 to vector<16xi32>
    %add3A_46 = arith.addi %iota3A, %add3A_45 : vector<16xi32>
    %and3A_47 = arith.constant 15 : i32
    %and3A_48 = vector.broadcast %and3A_47 : i32 to vector<16xi32>
    %and3A_49 = arith.andi %add3A_46, %and3A_48 : vector<16xi32>
    %add3A_50 = arith.constant 8 : i32
    %add3A_51 = vector.broadcast %add3A_50 : i32 to vector<16xi32>
    %add3A_52 = arith.addi %iota3A, %add3A_51 : vector<16xi32>
    %and3A_53 = arith.constant 15 : i32
    %and3A_54 = vector.broadcast %and3A_53 : i32 to vector<16xi32>
    %and3A_55 = arith.andi %add3A_52, %and3A_54 : vector<16xi32>
    %add3A_56 = arith.constant 9 : i32
    %add3A_57 = vector.broadcast %add3A_56 : i32 to vector<16xi32>
    %add3A_58 = arith.addi %iota3A, %add3A_57 : vector<16xi32>
    %and3A_59 = arith.constant 15 : i32
    %and3A_60 = vector.broadcast %and3A_59 : i32 to vector<16xi32>
    %and3A_61 = arith.andi %add3A_58, %and3A_60 : vector<16xi32>
    %add3A_62 = arith.constant 10 : i32
    %add3A_63 = vector.broadcast %add3A_62 : i32 to vector<16xi32>
    %add3A_64 = arith.addi %iota3A, %add3A_63 : vector<16xi32>
    %and3A_65 = arith.constant 15 : i32
    %and3A_66 = vector.broadcast %and3A_65 : i32 to vector<16xi32>
    %and3A_67 = arith.andi %add3A_64, %and3A_66 : vector<16xi32>
    %add3A_68 = arith.constant 11 : i32
    %add3A_69 = vector.broadcast %add3A_68 : i32 to vector<16xi32>
    %add3A_70 = arith.addi %iota3A, %add3A_69 : vector<16xi32>
    %and3A_71 = arith.constant 15 : i32
    %and3A_72 = vector.broadcast %and3A_71 : i32 to vector<16xi32>
    %and3A_73 = arith.andi %add3A_70, %and3A_72 : vector<16xi32>
    %add3A_74 = arith.constant 12 : i32
    %add3A_75 = vector.broadcast %add3A_74 : i32 to vector<16xi32>
    %add3A_76 = arith.addi %iota3A, %add3A_75 : vector<16xi32>
    %and3A_77 = arith.constant 15 : i32
    %and3A_78 = vector.broadcast %and3A_77 : i32 to vector<16xi32>
    %and3A_79 = arith.andi %add3A_76, %and3A_78 : vector<16xi32>
    %add3A_80 = arith.constant 13 : i32
    %add3A_81 = vector.broadcast %add3A_80 : i32 to vector<16xi32>
    %add3A_82 = arith.addi %iota3A, %add3A_81 : vector<16xi32>
    %and3A_83 = arith.constant 15 : i32
    %and3A_84 = vector.broadcast %and3A_83 : i32 to vector<16xi32>
    %and3A_85 = arith.andi %add3A_82, %and3A_84 : vector<16xi32>
    %add3A_86 = arith.constant 14 : i32
    %add3A_87 = vector.broadcast %add3A_86 : i32 to vector<16xi32>
    %add3A_88 = arith.addi %iota3A, %add3A_87 : vector<16xi32>
    %and3A_89 = arith.constant 15 : i32
    %and3A_90 = vector.broadcast %and3A_89 : i32 to vector<16xi32>
    %and3A_91 = arith.andi %add3A_88, %and3A_90 : vector<16xi32>
    %add3A_92 = arith.constant 15 : i32
    %add3A_93 = vector.broadcast %add3A_92 : i32 to vector<16xi32>
    %add3A_94 = arith.addi %iota3A, %add3A_93 : vector<16xi32>
    %and3A_95 = arith.constant 15 : i32
    %and3A_96 = vector.broadcast %and3A_95 : i32 to vector<16xi32>
    %and3A_97 = arith.andi %add3A_94, %and3A_96 : vector<16xi32>
    %shift_right_arithmetic3A = arith.constant 3 : i32
    %shift_right_arithmetic3A_98 = vector.broadcast %shift_right_arithmetic3A : i32 to vector<16xi32>
    %shift_right_arithmetic3A_99 = arith.shrsi %and3A_7, %shift_right_arithmetic3A_98 : vector<16xi32>
    %mul3A_100 = arith.constant 8192 : i32
    %mul3A_101 = vector.broadcast %mul3A_100 : i32 to vector<16xi32>
    %mul3A_102 = arith.muli %shift_right_arithmetic3A_99, %mul3A_101 : vector<16xi32>
    %and3A_103 = arith.constant 7 : i32
    %and3A_104 = vector.broadcast %and3A_103 : i32 to vector<16xi32>
    %and3A_105 = arith.andi %and3A_7, %and3A_104 : vector<16xi32>
    %mul3A_106 = arith.constant 128 : i32
    %mul3A_107 = vector.broadcast %mul3A_106 : i32 to vector<16xi32>
    %mul3A_108 = arith.muli %and3A_105, %mul3A_107 : vector<16xi32>
    %add3A_109 = arith.addi %mul3A_102, %mul3A_108 : vector<16xi32>
    %shift_right_arithmetic3A_110 = arith.constant 3 : i32
    %shift_right_arithmetic3A_111 = vector.broadcast %shift_right_arithmetic3A_110 : i32 to vector<16xi32>
    %shift_right_arithmetic3A_112 = arith.shrsi %and3A_13, %shift_right_arithmetic3A_111 : vector<16xi32>
    %mul3A_113 = arith.constant 8192 : i32
    %mul3A_114 = vector.broadcast %mul3A_113 : i32 to vector<16xi32>
    %mul3A_115 = arith.muli %shift_right_arithmetic3A_112, %mul3A_114 : vector<16xi32>
    %and3A_116 = arith.constant 7 : i32
    %and3A_117 = vector.broadcast %and3A_116 : i32 to vector<16xi32>
    %and3A_118 = arith.andi %and3A_13, %and3A_117 : vector<16xi32>
    %mul3A_119 = arith.constant 128 : i32
    %mul3A_120 = vector.broadcast %mul3A_119 : i32 to vector<16xi32>
    %mul3A_121 = arith.muli %and3A_118, %mul3A_120 : vector<16xi32>
    %add3A_122 = arith.addi %mul3A_115, %mul3A_121 : vector<16xi32>
    %shift_right_arithmetic3A_123 = arith.constant 3 : i32
    %shift_right_arithmetic3A_124 = vector.broadcast %shift_right_arithmetic3A_123 : i32 to vector<16xi32>
    %shift_right_arithmetic3A_125 = arith.shrsi %and3A_19, %shift_right_arithmetic3A_124 : vector<16xi32>
    %mul3A_126 = arith.constant 8192 : i32
    %mul3A_127 = vector.broadcast %mul3A_126 : i32 to vector<16xi32>
    %mul3A_128 = arith.muli %shift_right_arithmetic3A_125, %mul3A_127 : vector<16xi32>
    %and3A_129 = arith.constant 7 : i32
    %and3A_130 = vector.broadcast %and3A_129 : i32 to vector<16xi32>
    %and3A_131 = arith.andi %and3A_19, %and3A_130 : vector<16xi32>
    %mul3A_132 = arith.constant 128 : i32
    %mul3A_133 = vector.broadcast %mul3A_132 : i32 to vector<16xi32>
    %mul3A_134 = arith.muli %and3A_131, %mul3A_133 : vector<16xi32>
    %add3A_135 = arith.addi %mul3A_128, %mul3A_134 : vector<16xi32>
    %shift_right_arithmetic3A_136 = arith.constant 3 : i32
    %shift_right_arithmetic3A_137 = vector.broadcast %shift_right_arithmetic3A_136 : i32 to vector<16xi32>
    %shift_right_arithmetic3A_138 = arith.shrsi %and3A_25, %shift_right_arithmetic3A_137 : vector<16xi32>
    %mul3A_139 = arith.constant 8192 : i32
    %mul3A_140 = vector.broadcast %mul3A_139 : i32 to vector<16xi32>
    %mul3A_141 = arith.muli %shift_right_arithmetic3A_138, %mul3A_140 : vector<16xi32>
    %and3A_142 = arith.constant 7 : i32
    %and3A_143 = vector.broadcast %and3A_142 : i32 to vector<16xi32>
    %and3A_144 = arith.andi %and3A_25, %and3A_143 : vector<16xi32>
    %mul3A_145 = arith.constant 128 : i32
    %mul3A_146 = vector.broadcast %mul3A_145 : i32 to vector<16xi32>
    %mul3A_147 = arith.muli %and3A_144, %mul3A_146 : vector<16xi32>
    %add3A_148 = arith.addi %mul3A_141, %mul3A_147 : vector<16xi32>
    %shift_right_arithmetic3A_149 = arith.constant 3 : i32
    %shift_right_arithmetic3A_150 = vector.broadcast %shift_right_arithmetic3A_149 : i32 to vector<16xi32>
    %shift_right_arithmetic3A_151 = arith.shrsi %and3A_31, %shift_right_arithmetic3A_150 : vector<16xi32>
    %mul3A_152 = arith.constant 8192 : i32
    %mul3A_153 = vector.broadcast %mul3A_152 : i32 to vector<16xi32>
    %mul3A_154 = arith.muli %shift_right_arithmetic3A_151, %mul3A_153 : vector<16xi32>
    %and3A_155 = arith.constant 7 : i32
    %and3A_156 = vector.broadcast %and3A_155 : i32 to vector<16xi32>
    %and3A_157 = arith.andi %and3A_31, %and3A_156 : vector<16xi32>
    %mul3A_158 = arith.constant 128 : i32
    %mul3A_159 = vector.broadcast %mul3A_158 : i32 to vector<16xi32>
    %mul3A_160 = arith.muli %and3A_157, %mul3A_159 : vector<16xi32>
    %add3A_161 = arith.addi %mul3A_154, %mul3A_160 : vector<16xi32>
    %shift_right_arithmetic3A_162 = arith.constant 3 : i32
    %shift_right_arithmetic3A_163 = vector.broadcast %shift_right_arithmetic3A_162 : i32 to vector<16xi32>
    %shift_right_arithmetic3A_164 = arith.shrsi %and3A_37, %shift_right_arithmetic3A_163 : vector<16xi32>
    %mul3A_165 = arith.constant 8192 : i32
    %mul3A_166 = vector.broadcast %mul3A_165 : i32 to vector<16xi32>
    %mul3A_167 = arith.muli %shift_right_arithmetic3A_164, %mul3A_166 : vector<16xi32>
    %and3A_168 = arith.constant 7 : i32
    %and3A_169 = vector.broadcast %and3A_168 : i32 to vector<16xi32>
    %and3A_170 = arith.andi %and3A_37, %and3A_169 : vector<16xi32>
    %mul3A_171 = arith.constant 128 : i32
    %mul3A_172 = vector.broadcast %mul3A_171 : i32 to vector<16xi32>
    %mul3A_173 = arith.muli %and3A_170, %mul3A_172 : vector<16xi32>
    %add3A_174 = arith.addi %mul3A_167, %mul3A_173 : vector<16xi32>
    %shift_right_arithmetic3A_175 = arith.constant 3 : i32
    %shift_right_arithmetic3A_176 = vector.broadcast %shift_right_arithmetic3A_175 : i32 to vector<16xi32>
    %shift_right_arithmetic3A_177 = arith.shrsi %and3A_43, %shift_right_arithmetic3A_176 : vector<16xi32>
    %mul3A_178 = arith.constant 8192 : i32
    %mul3A_179 = vector.broadcast %mul3A_178 : i32 to vector<16xi32>
    %mul3A_180 = arith.muli %shift_right_arithmetic3A_177, %mul3A_179 : vector<16xi32>
    %and3A_181 = arith.constant 7 : i32
    %and3A_182 = vector.broadcast %and3A_181 : i32 to vector<16xi32>
    %and3A_183 = arith.andi %and3A_43, %and3A_182 : vector<16xi32>
    %mul3A_184 = arith.constant 128 : i32
    %mul3A_185 = vector.broadcast %mul3A_184 : i32 to vector<16xi32>
    %mul3A_186 = arith.muli %and3A_183, %mul3A_185 : vector<16xi32>
    %add3A_187 = arith.addi %mul3A_180, %mul3A_186 : vector<16xi32>
    %shift_right_arithmetic3A_188 = arith.constant 3 : i32
    %shift_right_arithmetic3A_189 = vector.broadcast %shift_right_arithmetic3A_188 : i32 to vector<16xi32>
    %shift_right_arithmetic3A_190 = arith.shrsi %and3A_49, %shift_right_arithmetic3A_189 : vector<16xi32>
    %mul3A_191 = arith.constant 8192 : i32
    %mul3A_192 = vector.broadcast %mul3A_191 : i32 to vector<16xi32>
    %mul3A_193 = arith.muli %shift_right_arithmetic3A_190, %mul3A_192 : vector<16xi32>
    %and3A_194 = arith.constant 7 : i32
    %and3A_195 = vector.broadcast %and3A_194 : i32 to vector<16xi32>
    %and3A_196 = arith.andi %and3A_49, %and3A_195 : vector<16xi32>
    %mul3A_197 = arith.constant 128 : i32
    %mul3A_198 = vector.broadcast %mul3A_197 : i32 to vector<16xi32>
    %mul3A_199 = arith.muli %and3A_196, %mul3A_198 : vector<16xi32>
    %add3A_200 = arith.addi %mul3A_193, %mul3A_199 : vector<16xi32>
    %shift_right_arithmetic3A_201 = arith.constant 3 : i32
    %shift_right_arithmetic3A_202 = vector.broadcast %shift_right_arithmetic3A_201 : i32 to vector<16xi32>
    %shift_right_arithmetic3A_203 = arith.shrsi %and3A_55, %shift_right_arithmetic3A_202 : vector<16xi32>
    %mul3A_204 = arith.constant 8192 : i32
    %mul3A_205 = vector.broadcast %mul3A_204 : i32 to vector<16xi32>
    %mul3A_206 = arith.muli %shift_right_arithmetic3A_203, %mul3A_205 : vector<16xi32>
    %and3A_207 = arith.constant 7 : i32
    %and3A_208 = vector.broadcast %and3A_207 : i32 to vector<16xi32>
    %and3A_209 = arith.andi %and3A_55, %and3A_208 : vector<16xi32>
    %mul3A_210 = arith.constant 128 : i32
    %mul3A_211 = vector.broadcast %mul3A_210 : i32 to vector<16xi32>
    %mul3A_212 = arith.muli %and3A_209, %mul3A_211 : vector<16xi32>
    %add3A_213 = arith.addi %mul3A_206, %mul3A_212 : vector<16xi32>
    %shift_right_arithmetic3A_214 = arith.constant 3 : i32
    %shift_right_arithmetic3A_215 = vector.broadcast %shift_right_arithmetic3A_214 : i32 to vector<16xi32>
    %shift_right_arithmetic3A_216 = arith.shrsi %and3A_61, %shift_right_arithmetic3A_215 : vector<16xi32>
    %mul3A_217 = arith.constant 8192 : i32
    %mul3A_218 = vector.broadcast %mul3A_217 : i32 to vector<16xi32>
    %mul3A_219 = arith.muli %shift_right_arithmetic3A_216, %mul3A_218 : vector<16xi32>
    %and3A_220 = arith.constant 7 : i32
    %and3A_221 = vector.broadcast %and3A_220 : i32 to vector<16xi32>
    %and3A_222 = arith.andi %and3A_61, %and3A_221 : vector<16xi32>
    %mul3A_223 = arith.constant 128 : i32
    %mul3A_224 = vector.broadcast %mul3A_223 : i32 to vector<16xi32>
    %mul3A_225 = arith.muli %and3A_222, %mul3A_224 : vector<16xi32>
    %add3A_226 = arith.addi %mul3A_219, %mul3A_225 : vector<16xi32>
    %shift_right_arithmetic3A_227 = arith.constant 3 : i32
    %shift_right_arithmetic3A_228 = vector.broadcast %shift_right_arithmetic3A_227 : i32 to vector<16xi32>
    %shift_right_arithmetic3A_229 = arith.shrsi %and3A_67, %shift_right_arithmetic3A_228 : vector<16xi32>
    %mul3A_230 = arith.constant 8192 : i32
    %mul3A_231 = vector.broadcast %mul3A_230 : i32 to vector<16xi32>
    %mul3A_232 = arith.muli %shift_right_arithmetic3A_229, %mul3A_231 : vector<16xi32>
    %and3A_233 = arith.constant 7 : i32
    %and3A_234 = vector.broadcast %and3A_233 : i32 to vector<16xi32>
    %and3A_235 = arith.andi %and3A_67, %and3A_234 : vector<16xi32>
    %mul3A_236 = arith.constant 128 : i32
    %mul3A_237 = vector.broadcast %mul3A_236 : i32 to vector<16xi32>
    %mul3A_238 = arith.muli %and3A_235, %mul3A_237 : vector<16xi32>
    %add3A_239 = arith.addi %mul3A_232, %mul3A_238 : vector<16xi32>
    %shift_right_arithmetic3A_240 = arith.constant 3 : i32
    %shift_right_arithmetic3A_241 = vector.broadcast %shift_right_arithmetic3A_240 : i32 to vector<16xi32>
    %shift_right_arithmetic3A_242 = arith.shrsi %and3A_73, %shift_right_arithmetic3A_241 : vector<16xi32>
    %mul3A_243 = arith.constant 8192 : i32
    %mul3A_244 = vector.broadcast %mul3A_243 : i32 to vector<16xi32>
    %mul3A_245 = arith.muli %shift_right_arithmetic3A_242, %mul3A_244 : vector<16xi32>
    %and3A_246 = arith.constant 7 : i32
    %and3A_247 = vector.broadcast %and3A_246 : i32 to vector<16xi32>
    %and3A_248 = arith.andi %and3A_73, %and3A_247 : vector<16xi32>
    %mul3A_249 = arith.constant 128 : i32
    %mul3A_250 = vector.broadcast %mul3A_249 : i32 to vector<16xi32>
    %mul3A_251 = arith.muli %and3A_248, %mul3A_250 : vector<16xi32>
    %add3A_252 = arith.addi %mul3A_245, %mul3A_251 : vector<16xi32>
    %shift_right_arithmetic3A_253 = arith.constant 3 : i32
    %shift_right_arithmetic3A_254 = vector.broadcast %shift_right_arithmetic3A_253 : i32 to vector<16xi32>
    %shift_right_arithmetic3A_255 = arith.shrsi %and3A_79, %shift_right_arithmetic3A_254 : vector<16xi32>
    %mul3A_256 = arith.constant 8192 : i32
    %mul3A_257 = vector.broadcast %mul3A_256 : i32 to vector<16xi32>
    %mul3A_258 = arith.muli %shift_right_arithmetic3A_255, %mul3A_257 : vector<16xi32>
    %and3A_259 = arith.constant 7 : i32
    %and3A_260 = vector.broadcast %and3A_259 : i32 to vector<16xi32>
    %and3A_261 = arith.andi %and3A_79, %and3A_260 : vector<16xi32>
    %mul3A_262 = arith.constant 128 : i32
    %mul3A_263 = vector.broadcast %mul3A_262 : i32 to vector<16xi32>
    %mul3A_264 = arith.muli %and3A_261, %mul3A_263 : vector<16xi32>
    %add3A_265 = arith.addi %mul3A_258, %mul3A_264 : vector<16xi32>
    %shift_right_arithmetic3A_266 = arith.constant 3 : i32
    %shift_right_arithmetic3A_267 = vector.broadcast %shift_right_arithmetic3A_266 : i32 to vector<16xi32>
    %shift_right_arithmetic3A_268 = arith.shrsi %and3A_85, %shift_right_arithmetic3A_267 : vector<16xi32>
    %mul3A_269 = arith.constant 8192 : i32
    %mul3A_270 = vector.broadcast %mul3A_269 : i32 to vector<16xi32>
    %mul3A_271 = arith.muli %shift_right_arithmetic3A_268, %mul3A_270 : vector<16xi32>
    %and3A_272 = arith.constant 7 : i32
    %and3A_273 = vector.broadcast %and3A_272 : i32 to vector<16xi32>
    %and3A_274 = arith.andi %and3A_85, %and3A_273 : vector<16xi32>
    %mul3A_275 = arith.constant 128 : i32
    %mul3A_276 = vector.broadcast %mul3A_275 : i32 to vector<16xi32>
    %mul3A_277 = arith.muli %and3A_274, %mul3A_276 : vector<16xi32>
    %add3A_278 = arith.addi %mul3A_271, %mul3A_277 : vector<16xi32>
    %shift_right_arithmetic3A_279 = arith.constant 3 : i32
    %shift_right_arithmetic3A_280 = vector.broadcast %shift_right_arithmetic3A_279 : i32 to vector<16xi32>
    %shift_right_arithmetic3A_281 = arith.shrsi %and3A_91, %shift_right_arithmetic3A_280 : vector<16xi32>
    %mul3A_282 = arith.constant 8192 : i32
    %mul3A_283 = vector.broadcast %mul3A_282 : i32 to vector<16xi32>
    %mul3A_284 = arith.muli %shift_right_arithmetic3A_281, %mul3A_283 : vector<16xi32>
    %and3A_285 = arith.constant 7 : i32
    %and3A_286 = vector.broadcast %and3A_285 : i32 to vector<16xi32>
    %and3A_287 = arith.andi %and3A_91, %and3A_286 : vector<16xi32>
    %mul3A_288 = arith.constant 128 : i32
    %mul3A_289 = vector.broadcast %mul3A_288 : i32 to vector<16xi32>
    %mul3A_290 = arith.muli %and3A_287, %mul3A_289 : vector<16xi32>
    %add3A_291 = arith.addi %mul3A_284, %mul3A_290 : vector<16xi32>
    %shift_right_arithmetic3A_292 = arith.constant 3 : i32
    %shift_right_arithmetic3A_293 = vector.broadcast %shift_right_arithmetic3A_292 : i32 to vector<16xi32>
    %shift_right_arithmetic3A_294 = arith.shrsi %and3A_97, %shift_right_arithmetic3A_293 : vector<16xi32>
    %mul3A_295 = arith.constant 8192 : i32
    %mul3A_296 = vector.broadcast %mul3A_295 : i32 to vector<16xi32>
    %mul3A_297 = arith.muli %shift_right_arithmetic3A_294, %mul3A_296 : vector<16xi32>
    %and3A_298 = arith.constant 7 : i32
    %and3A_299 = vector.broadcast %and3A_298 : i32 to vector<16xi32>
    %and3A_300 = arith.andi %and3A_97, %and3A_299 : vector<16xi32>
    %mul3A_301 = arith.constant 128 : i32
    %mul3A_302 = vector.broadcast %mul3A_301 : i32 to vector<16xi32>
    %mul3A_303 = arith.muli %and3A_300, %mul3A_302 : vector<16xi32>
    %add3A_304 = arith.addi %mul3A_297, %mul3A_303 : vector<16xi32>
    %add3A_305 = arith.constant 0 : i32
    %add3A_306 = arith.addi %mul3A_2, %add3A_305 : i32
    %mul3A_307 = arith.constant 1024 : i32
    %mul3A_308 = arith.muli %add3A_306, %mul3A_307 : i32
    %multiple_of3A = tpu.assume_multiple %mul3A_308, 1024 : i32
    "tpu.region"() ({
      %run_scoped3A = tpu.sem_alloc : memref<!tpu.dma_semaphore, #tpu.memory_space<semaphore_mem>>
      %dma_start3A_407 = tpu.memref_slice %arg2[%multiple_of3A] : memref<819200xi32, #tpu.memory_space<hbm>> -> memref<1024xi32, #tpu.memory_space<hbm>>
      %dma_start3A_408 = tpu.memref_slice %arg2[%multiple_of3A] : memref<819200xi32, #tpu.memory_space<hbm>> -> memref<1024xi32, #tpu.memory_space<hbm>>
      tpu.enqueue_dma source(%dma_start3A_408 : memref<1024xi32, #tpu.memory_space<hbm>>) target(%arg5 : memref<1024xi32, #tpu.memory_space<vmem>>) target_semaphore(%run_scoped3A : memref<!tpu.dma_semaphore, #tpu.memory_space<semaphore_mem>>)
      %dma_wait3A_409 = tpu.memref_slice %arg2[%multiple_of3A] : memref<819200xi32, #tpu.memory_space<hbm>> -> memref<1024xi32, #tpu.memory_space<hbm>>
      %dma_wait3A_410 = tpu.memref_slice %arg2[%multiple_of3A] : memref<819200xi32, #tpu.memory_space<hbm>> -> memref<1024xi32, #tpu.memory_space<hbm>>
      tpu.wait_dma2 semaphore(%run_scoped3A : memref<!tpu.dma_semaphore, #tpu.memory_space<semaphore_mem>>) src(%dma_wait3A_410 : memref<1024xi32, #tpu.memory_space<hbm>>) dst(%arg5 : memref<1024xi32, #tpu.memory_space<vmem>>)
      tpu.yield
    }) : () -> ()
    %dma_start3A = arith.constant 0 : i32
    %dma_start3A_309 = arith.constant 0 : i32
    %dma_start3A_310 = tpu.memref_slice %arg3[%dma_start3A, %dma_start3A_309] : memref<1000000x32xf32, #tpu.memory_space<hbm>> -> memref<1000000x32xf32, #tpu.memory_space<hbm>>
    tpu.enqueue_indirect_dma source(%dma_start3A_310 : memref<1000000x32xf32, #tpu.memory_space<hbm>>) target(%arg7 : memref<1024x32xf32, #tpu.memory_space<vmem>>) offsets(%arg5 : memref<1024xi32, #tpu.memory_space<vmem>>) semaphore(%arg10 : memref<!tpu.dma_semaphore, #tpu.memory_space<semaphore_mem>>)
    %add3A_311 = arith.constant 1 : i32
    %add3A_312 = arith.addi %mul3A_2, %add3A_311 : i32
    %mul3A_313 = arith.constant 1024 : i32
    %mul3A_314 = arith.muli %add3A_312, %mul3A_313 : i32
    %multiple_of3A_315 = tpu.assume_multiple %mul3A_314, 1024 : i32
    "tpu.region"() ({
      %run_scoped3A = tpu.sem_alloc : memref<!tpu.dma_semaphore, #tpu.memory_space<semaphore_mem>>
      %dma_start3A_407 = tpu.memref_slice %arg2[%multiple_of3A_315] : memref<819200xi32, #tpu.memory_space<hbm>> -> memref<1024xi32, #tpu.memory_space<hbm>>
      %dma_start3A_408 = tpu.memref_slice %arg2[%multiple_of3A_315] : memref<819200xi32, #tpu.memory_space<hbm>> -> memref<1024xi32, #tpu.memory_space<hbm>>
      tpu.enqueue_dma source(%dma_start3A_408 : memref<1024xi32, #tpu.memory_space<hbm>>) target(%arg6 : memref<1024xi32, #tpu.memory_space<vmem>>) target_semaphore(%run_scoped3A : memref<!tpu.dma_semaphore, #tpu.memory_space<semaphore_mem>>)
      %dma_wait3A_409 = tpu.memref_slice %arg2[%multiple_of3A_315] : memref<819200xi32, #tpu.memory_space<hbm>> -> memref<1024xi32, #tpu.memory_space<hbm>>
      %dma_wait3A_410 = tpu.memref_slice %arg2[%multiple_of3A_315] : memref<819200xi32, #tpu.memory_space<hbm>> -> memref<1024xi32, #tpu.memory_space<hbm>>
      tpu.wait_dma2 semaphore(%run_scoped3A : memref<!tpu.dma_semaphore, #tpu.memory_space<semaphore_mem>>) src(%dma_wait3A_410 : memref<1024xi32, #tpu.memory_space<hbm>>) dst(%arg6 : memref<1024xi32, #tpu.memory_space<vmem>>)
      tpu.yield
    }) : () -> ()
    %dma_start3A_316 = arith.constant 0 : i32
    %dma_start3A_317 = arith.constant 0 : i32
    %dma_start3A_318 = tpu.memref_slice %arg3[%dma_start3A_316, %dma_start3A_317] : memref<1000000x32xf32, #tpu.memory_space<hbm>> -> memref<1000000x32xf32, #tpu.memory_space<hbm>>
    tpu.enqueue_indirect_dma source(%dma_start3A_318 : memref<1000000x32xf32, #tpu.memory_space<hbm>>) target(%arg8 : memref<1024x32xf32, #tpu.memory_space<vmem>>) offsets(%arg6 : memref<1024xi32, #tpu.memory_space<vmem>>) semaphore(%arg11 : memref<!tpu.dma_semaphore, #tpu.memory_space<semaphore_mem>>)
    %scan3A = arith.constant 0 : i32
    %scan3A_319 = arith.constant 0 : i32
    %scan3A_320 = arith.constant 12 : i32
    %scan3A_321 = arith.addi %scan3A_319, %scan3A_320 : i32
    %scan3A_322 = arith.constant 1 : i32
    %scan3A_323 = scf.for %scan3A_407 = %scan3A_319 to %scan3A_321 step %scan3A_322 iter_args(%scan3A_408 = %scan3A) -> (i32)  : i32 {
      %mul3A_409 = arith.constant 2 : i32
      %mul3A_410 = arith.muli %scan3A_407, %mul3A_409 : i32
      %add3A_411 = arith.constant 0 : i32
      %add3A_412 = arith.addi %mul3A_410, %add3A_411 : i32
      %dma_wait3A_413 = arith.constant 0 : i32
      %dma_wait3A_414 = arith.constant 0 : i32
      %dma_wait3A_415 = tpu.memref_slice %arg3[%dma_wait3A_413, %dma_wait3A_414] : memref<1000000x32xf32, #tpu.memory_space<hbm>> -> memref<1000000x32xf32, #tpu.memory_space<hbm>>
      tpu.wait_indirect_dma semaphore(%arg10 : memref<!tpu.dma_semaphore, #tpu.memory_space<semaphore_mem>>) src(%dma_wait3A_415 : memref<1000000x32xf32, #tpu.memory_space<hbm>>) dst(%arg7 : memref<1024x32xf32, #tpu.memory_space<vmem>>)
      %scan3A_416 = arith.constant 0 : i32
      %scan3A_417 = arith.constant 0 : i32
      %scan3A_418 = arith.constant 64 : i32
      %scan3A_419 = arith.addi %scan3A_417, %scan3A_418 : i32
      %scan3A_420 = arith.constant 1 : i32
      %scan3A_421 = scf.for %scan3A_612 = %scan3A_417 to %scan3A_419 step %scan3A_420 iter_args(%scan3A_613 = %scan3A_416) -> (i32)  : i32 {
        %mul3A_614 = arith.constant 16 : i32
        %mul3A_615 = arith.muli %scan3A_612, %mul3A_614 : i32
        %shift_right_arithmetic3A_616 = arith.constant 7 : i32
        %shift_right_arithmetic3A_617 = arith.shrsi %mul3A_615, %shift_right_arithmetic3A_616 : i32
        %mul3A_618 = arith.constant 1024 : i32
        %mul3A_619 = arith.muli %shift_right_arithmetic3A_617, %mul3A_618 : i32
        %and3A_620 = arith.constant 127 : i32
        %and3A_621 = arith.andi %mul3A_615, %and3A_620 : i32
        %add3A_622 = arith.addi %mul3A_619, %and3A_621 : i32
        %broadcast_in_dim3A = vector.broadcast %add3A_622 : i32 to vector<16xi32>
        %add3A_623 = arith.addi %broadcast_in_dim3A, %iota3A : vector<16xi32>
        %broadcast_in_dim3A_624 = vector.broadcast %mul3A_615 : i32 to vector<16xi32>
        %add3A_625 = arith.addi %broadcast_in_dim3A_624, %iota3A : vector<16xi32>
        %gather3A = tpu.vector_load_idx %arg7[%add3A_625, %and3A_7] : memref<1024x32xf32, #tpu.memory_space<vmem>>[vector<16xi32>, vector<16xi32>], vector<16xf32>,
        %add3A_626 = arith.addi %add3A_109, %add3A_623 : vector<16xi32>
        tpu.vector_store_idx %arg9[%add3A_626], %gather3A : memref<32768xf32, #tpu.memory_space<vmem>>[vector<16xi32>], vector<16xf32>,
        %gather3A_627 = tpu.vector_load_idx %arg7[%add3A_625, %and3A_13] : memref<1024x32xf32, #tpu.memory_space<vmem>>[vector<16xi32>, vector<16xi32>], vector<16xf32>,
        %add3A_628 = arith.addi %add3A_122, %add3A_623 : vector<16xi32>
        tpu.vector_store_idx %arg9[%add3A_628], %gather3A_627 : memref<32768xf32, #tpu.memory_space<vmem>>[vector<16xi32>], vector<16xf32>,
        %gather3A_629 = tpu.vector_load_idx %arg7[%add3A_625, %and3A_19] : memref<1024x32xf32, #tpu.memory_space<vmem>>[vector<16xi32>, vector<16xi32>], vector<16xf32>,
        %add3A_630 = arith.addi %add3A_135, %add3A_623 : vector<16xi32>
        tpu.vector_store_idx %arg9[%add3A_630], %gather3A_629 : memref<32768xf32, #tpu.memory_space<vmem>>[vector<16xi32>], vector<16xf32>,
        %gather3A_631 = tpu.vector_load_idx %arg7[%add3A_625, %and3A_25] : memref<1024x32xf32, #tpu.memory_space<vmem>>[vector<16xi32>, vector<16xi32>], vector<16xf32>,
        %add3A_632 = arith.addi %add3A_148, %add3A_623 : vector<16xi32>
        tpu.vector_store_idx %arg9[%add3A_632], %gather3A_631 : memref<32768xf32, #tpu.memory_space<vmem>>[vector<16xi32>], vector<16xf32>,
        %gather3A_633 = tpu.vector_load_idx %arg7[%add3A_625, %and3A_31] : memref<1024x32xf32, #tpu.memory_space<vmem>>[vector<16xi32>, vector<16xi32>], vector<16xf32>,
        %add3A_634 = arith.addi %add3A_161, %add3A_623 : vector<16xi32>
        tpu.vector_store_idx %arg9[%add3A_634], %gather3A_633 : memref<32768xf32, #tpu.memory_space<vmem>>[vector<16xi32>], vector<16xf32>,
        %gather3A_635 = tpu.vector_load_idx %arg7[%add3A_625, %and3A_37] : memref<1024x32xf32, #tpu.memory_space<vmem>>[vector<16xi32>, vector<16xi32>], vector<16xf32>,
        %add3A_636 = arith.addi %add3A_174, %add3A_623 : vector<16xi32>
        tpu.vector_store_idx %arg9[%add3A_636], %gather3A_635 : memref<32768xf32, #tpu.memory_space<vmem>>[vector<16xi32>], vector<16xf32>,
        %gather3A_637 = tpu.vector_load_idx %arg7[%add3A_625, %and3A_43] : memref<1024x32xf32, #tpu.memory_space<vmem>>[vector<16xi32>, vector<16xi32>], vector<16xf32>,
        %add3A_638 = arith.addi %add3A_187, %add3A_623 : vector<16xi32>
        tpu.vector_store_idx %arg9[%add3A_638], %gather3A_637 : memref<32768xf32, #tpu.memory_space<vmem>>[vector<16xi32>], vector<16xf32>,
        %gather3A_639 = tpu.vector_load_idx %arg7[%add3A_625, %and3A_49] : memref<1024x32xf32, #tpu.memory_space<vmem>>[vector<16xi32>, vector<16xi32>], vector<16xf32>,
        %add3A_640 = arith.addi %add3A_200, %add3A_623 : vector<16xi32>
        tpu.vector_store_idx %arg9[%add3A_640], %gather3A_639 : memref<32768xf32, #tpu.memory_space<vmem>>[vector<16xi32>], vector<16xf32>,
        %gather3A_641 = tpu.vector_load_idx %arg7[%add3A_625, %and3A_55] : memref<1024x32xf32, #tpu.memory_space<vmem>>[vector<16xi32>, vector<16xi32>], vector<16xf32>,
        %add3A_642 = arith.addi %add3A_213, %add3A_623 : vector<16xi32>
        tpu.vector_store_idx %arg9[%add3A_642], %gather3A_641 : memref<32768xf32, #tpu.memory_space<vmem>>[vector<16xi32>], vector<16xf32>,
        %gather3A_643 = tpu.vector_load_idx %arg7[%add3A_625, %and3A_61] : memref<1024x32xf32, #tpu.memory_space<vmem>>[vector<16xi32>, vector<16xi32>], vector<16xf32>,
        %add3A_644 = arith.addi %add3A_226, %add3A_623 : vector<16xi32>
        tpu.vector_store_idx %arg9[%add3A_644], %gather3A_643 : memref<32768xf32, #tpu.memory_space<vmem>>[vector<16xi32>], vector<16xf32>,
        %gather3A_645 = tpu.vector_load_idx %arg7[%add3A_625, %and3A_67] : memref<1024x32xf32, #tpu.memory_space<vmem>>[vector<16xi32>, vector<16xi32>], vector<16xf32>,
        %add3A_646 = arith.addi %add3A_239, %add3A_623 : vector<16xi32>
        tpu.vector_store_idx %arg9[%add3A_646], %gather3A_645 : memref<32768xf32, #tpu.memory_space<vmem>>[vector<16xi32>], vector<16xf32>,
        %gather3A_647 = tpu.vector_load_idx %arg7[%add3A_625, %and3A_73] : memref<1024x32xf32, #tpu.memory_space<vmem>>[vector<16xi32>, vector<16xi32>], vector<16xf32>,
        %add3A_648 = arith.addi %add3A_252, %add3A_623 : vector<16xi32>
        tpu.vector_store_idx %arg9[%add3A_648], %gather3A_647 : memref<32768xf32, #tpu.memory_space<vmem>>[vector<16xi32>], vector<16xf32>,
        %gather3A_649 = tpu.vector_load_idx %arg7[%add3A_625, %and3A_79] : memref<1024x32xf32, #tpu.memory_space<vmem>>[vector<16xi32>, vector<16xi32>], vector<16xf32>,
        %add3A_650 = arith.addi %add3A_265, %add3A_623 : vector<16xi32>
        tpu.vector_store_idx %arg9[%add3A_650], %gather3A_649 : memref<32768xf32, #tpu.memory_space<vmem>>[vector<16xi32>], vector<16xf32>,
        %gather3A_651 = tpu.vector_load_idx %arg7[%add3A_625, %and3A_85] : memref<1024x32xf32, #tpu.memory_space<vmem>>[vector<16xi32>, vector<16xi32>], vector<16xf32>,
        %add3A_652 = arith.addi %add3A_278, %add3A_623 : vector<16xi32>
        tpu.vector_store_idx %arg9[%add3A_652], %gather3A_651 : memref<32768xf32, #tpu.memory_space<vmem>>[vector<16xi32>], vector<16xf32>,
        %gather3A_653 = tpu.vector_load_idx %arg7[%add3A_625, %and3A_91] : memref<1024x32xf32, #tpu.memory_space<vmem>>[vector<16xi32>, vector<16xi32>], vector<16xf32>,
        %add3A_654 = arith.addi %add3A_291, %add3A_623 : vector<16xi32>
        tpu.vector_store_idx %arg9[%add3A_654], %gather3A_653 : memref<32768xf32, #tpu.memory_space<vmem>>[vector<16xi32>], vector<16xf32>,
        %gather3A_655 = tpu.vector_load_idx %arg7[%add3A_625, %and3A_97] : memref<1024x32xf32, #tpu.memory_space<vmem>>[vector<16xi32>, vector<16xi32>], vector<16xf32>,
        %add3A_656 = arith.addi %add3A_304, %add3A_623 : vector<16xi32>
        tpu.vector_store_idx %arg9[%add3A_656], %gather3A_655 : memref<32768xf32, #tpu.memory_space<vmem>>[vector<16xi32>], vector<16xf32>,
        %add3A_657 = arith.constant 16 : i32
        %add3A_658 = vector.broadcast %add3A_657 : i32 to vector<16xi32>
        %add3A_659 = arith.addi %and3A_7, %add3A_658 : vector<16xi32>
        %gather3A_660 = tpu.vector_load_idx %arg7[%add3A_625, %add3A_659] : memref<1024x32xf32, #tpu.memory_space<vmem>>[vector<16xi32>, vector<16xi32>], vector<16xf32>,
        %add3A_661 = arith.addi %add3A_109, %add3A_623 : vector<16xi32>
        %add3A_662 = arith.constant 16384 : i32
        %add3A_663 = vector.broadcast %add3A_662 : i32 to vector<16xi32>
        %add3A_664 = arith.addi %add3A_661, %add3A_663 : vector<16xi32>
        tpu.vector_store_idx %arg9[%add3A_664], %gather3A_660 : memref<32768xf32, #tpu.memory_space<vmem>>[vector<16xi32>], vector<16xf32>,
        %add3A_665 = arith.constant 16 : i32
        %add3A_666 = vector.broadcast %add3A_665 : i32 to vector<16xi32>
        %add3A_667 = arith.addi %and3A_13, %add3A_666 : vector<16xi32>
        %gather3A_668 = tpu.vector_load_idx %arg7[%add3A_625, %add3A_667] : memref<1024x32xf32, #tpu.memory_space<vmem>>[vector<16xi32>, vector<16xi32>], vector<16xf32>,
        %add3A_669 = arith.addi %add3A_122, %add3A_623 : vector<16xi32>
        %add3A_670 = arith.constant 16384 : i32
        %add3A_671 = vector.broadcast %add3A_670 : i32 to vector<16xi32>
        %add3A_672 = arith.addi %add3A_669, %add3A_671 : vector<16xi32>
        tpu.vector_store_idx %arg9[%add3A_672], %gather3A_668 : memref<32768xf32, #tpu.memory_space<vmem>>[vector<16xi32>], vector<16xf32>,
        %add3A_673 = arith.constant 16 : i32
        %add3A_674 = vector.broadcast %add3A_673 : i32 to vector<16xi32>
        %add3A_675 = arith.addi %and3A_19, %add3A_674 : vector<16xi32>
        %gather3A_676 = tpu.vector_load_idx %arg7[%add3A_625, %add3A_675] : memref<1024x32xf32, #tpu.memory_space<vmem>>[vector<16xi32>, vector<16xi32>], vector<16xf32>,
        %add3A_677 = arith.addi %add3A_135, %add3A_623 : vector<16xi32>
        %add3A_678 = arith.constant 16384 : i32
        %add3A_679 = vector.broadcast %add3A_678 : i32 to vector<16xi32>
        %add3A_680 = arith.addi %add3A_677, %add3A_679 : vector<16xi32>
        tpu.vector_store_idx %arg9[%add3A_680], %gather3A_676 : memref<32768xf32, #tpu.memory_space<vmem>>[vector<16xi32>], vector<16xf32>,
        %add3A_681 = arith.constant 16 : i32
        %add3A_682 = vector.broadcast %add3A_681 : i32 to vector<16xi32>
        %add3A_683 = arith.addi %and3A_25, %add3A_682 : vector<16xi32>
        %gather3A_684 = tpu.vector_load_idx %arg7[%add3A_625, %add3A_683] : memref<1024x32xf32, #tpu.memory_space<vmem>>[vector<16xi32>, vector<16xi32>], vector<16xf32>,
        %add3A_685 = arith.addi %add3A_148, %add3A_623 : vector<16xi32>
        %add3A_686 = arith.constant 16384 : i32
        %add3A_687 = vector.broadcast %add3A_686 : i32 to vector<16xi32>
        %add3A_688 = arith.addi %add3A_685, %add3A_687 : vector<16xi32>
        tpu.vector_store_idx %arg9[%add3A_688], %gather3A_684 : memref<32768xf32, #tpu.memory_space<vmem>>[vector<16xi32>], vector<16xf32>,
        %add3A_689 = arith.constant 16 : i32
        %add3A_690 = vector.broadcast %add3A_689 : i32 to vector<16xi32>
        %add3A_691 = arith.addi %and3A_31, %add3A_690 : vector<16xi32>
        %gather3A_692 = tpu.vector_load_idx %arg7[%add3A_625, %add3A_691] : memref<1024x32xf32, #tpu.memory_space<vmem>>[vector<16xi32>, vector<16xi32>], vector<16xf32>,
        %add3A_693 = arith.addi %add3A_161, %add3A_623 : vector<16xi32>
        %add3A_694 = arith.constant 16384 : i32
        %add3A_695 = vector.broadcast %add3A_694 : i32 to vector<16xi32>
        %add3A_696 = arith.addi %add3A_693, %add3A_695 : vector<16xi32>
        tpu.vector_store_idx %arg9[%add3A_696], %gather3A_692 : memref<32768xf32, #tpu.memory_space<vmem>>[vector<16xi32>], vector<16xf32>,
        %add3A_697 = arith.constant 16 : i32
        %add3A_698 = vector.broadcast %add3A_697 : i32 to vector<16xi32>
        %add3A_699 = arith.addi %and3A_37, %add3A_698 : vector<16xi32>
        %gather3A_700 = tpu.vector_load_idx %arg7[%add3A_625, %add3A_699] : memref<1024x32xf32, #tpu.memory_space<vmem>>[vector<16xi32>, vector<16xi32>], vector<16xf32>,
        %add3A_701 = arith.addi %add3A_174, %add3A_623 : vector<16xi32>
        %add3A_702 = arith.constant 16384 : i32
        %add3A_703 = vector.broadcast %add3A_702 : i32 to vector<16xi32>
        %add3A_704 = arith.addi %add3A_701, %add3A_703 : vector<16xi32>
        tpu.vector_store_idx %arg9[%add3A_704], %gather3A_700 : memref<32768xf32, #tpu.memory_space<vmem>>[vector<16xi32>], vector<16xf32>,
        %add3A_705 = arith.constant 16 : i32
        %add3A_706 = vector.broadcast %add3A_705 : i32 to vector<16xi32>
        %add3A_707 = arith.addi %and3A_43, %add3A_706 : vector<16xi32>
        %gather3A_708 = tpu.vector_load_idx %arg7[%add3A_625, %add3A_707] : memref<1024x32xf32, #tpu.memory_space<vmem>>[vector<16xi32>, vector<16xi32>], vector<16xf32>,
        %add3A_709 = arith.addi %add3A_187, %add3A_623 : vector<16xi32>
        %add3A_710 = arith.constant 16384 : i32
        %add3A_711 = vector.broadcast %add3A_710 : i32 to vector<16xi32>
        %add3A_712 = arith.addi %add3A_709, %add3A_711 : vector<16xi32>
        tpu.vector_store_idx %arg9[%add3A_712], %gather3A_708 : memref<32768xf32, #tpu.memory_space<vmem>>[vector<16xi32>], vector<16xf32>,
        %add3A_713 = arith.constant 16 : i32
        %add3A_714 = vector.broadcast %add3A_713 : i32 to vector<16xi32>
        %add3A_715 = arith.addi %and3A_49, %add3A_714 : vector<16xi32>
        %gather3A_716 = tpu.vector_load_idx %arg7[%add3A_625, %add3A_715] : memref<1024x32xf32, #tpu.memory_space<vmem>>[vector<16xi32>, vector<16xi32>], vector<16xf32>,
        %add3A_717 = arith.addi %add3A_200, %add3A_623 : vector<16xi32>
        %add3A_718 = arith.constant 16384 : i32
        %add3A_719 = vector.broadcast %add3A_718 : i32 to vector<16xi32>
        %add3A_720 = arith.addi %add3A_717, %add3A_719 : vector<16xi32>
        tpu.vector_store_idx %arg9[%add3A_720], %gather3A_716 : memref<32768xf32, #tpu.memory_space<vmem>>[vector<16xi32>], vector<16xf32>,
        %add3A_721 = arith.constant 16 : i32
        %add3A_722 = vector.broadcast %add3A_721 : i32 to vector<16xi32>
        %add3A_723 = arith.addi %and3A_55, %add3A_722 : vector<16xi32>
        %gather3A_724 = tpu.vector_load_idx %arg7[%add3A_625, %add3A_723] : memref<1024x32xf32, #tpu.memory_space<vmem>>[vector<16xi32>, vector<16xi32>], vector<16xf32>,
        %add3A_725 = arith.addi %add3A_213, %add3A_623 : vector<16xi32>
        %add3A_726 = arith.constant 16384 : i32
        %add3A_727 = vector.broadcast %add3A_726 : i32 to vector<16xi32>
        %add3A_728 = arith.addi %add3A_725, %add3A_727 : vector<16xi32>
        tpu.vector_store_idx %arg9[%add3A_728], %gather3A_724 : memref<32768xf32, #tpu.memory_space<vmem>>[vector<16xi32>], vector<16xf32>,
        %add3A_729 = arith.constant 16 : i32
        %add3A_730 = vector.broadcast %add3A_729 : i32 to vector<16xi32>
        %add3A_731 = arith.addi %and3A_61, %add3A_730 : vector<16xi32>
        %gather3A_732 = tpu.vector_load_idx %arg7[%add3A_625, %add3A_731] : memref<1024x32xf32, #tpu.memory_space<vmem>>[vector<16xi32>, vector<16xi32>], vector<16xf32>,
        %add3A_733 = arith.addi %add3A_226, %add3A_623 : vector<16xi32>
        %add3A_734 = arith.constant 16384 : i32
        %add3A_735 = vector.broadcast %add3A_734 : i32 to vector<16xi32>
        %add3A_736 = arith.addi %add3A_733, %add3A_735 : vector<16xi32>
        tpu.vector_store_idx %arg9[%add3A_736], %gather3A_732 : memref<32768xf32, #tpu.memory_space<vmem>>[vector<16xi32>], vector<16xf32>,
        %add3A_737 = arith.constant 16 : i32
        %add3A_738 = vector.broadcast %add3A_737 : i32 to vector<16xi32>
        %add3A_739 = arith.addi %and3A_67, %add3A_738 : vector<16xi32>
        %gather3A_740 = tpu.vector_load_idx %arg7[%add3A_625, %add3A_739] : memref<1024x32xf32, #tpu.memory_space<vmem>>[vector<16xi32>, vector<16xi32>], vector<16xf32>,
        %add3A_741 = arith.addi %add3A_239, %add3A_623 : vector<16xi32>
        %add3A_742 = arith.constant 16384 : i32
        %add3A_743 = vector.broadcast %add3A_742 : i32 to vector<16xi32>
        %add3A_744 = arith.addi %add3A_741, %add3A_743 : vector<16xi32>
        tpu.vector_store_idx %arg9[%add3A_744], %gather3A_740 : memref<32768xf32, #tpu.memory_space<vmem>>[vector<16xi32>], vector<16xf32>,
        %add3A_745 = arith.constant 16 : i32
        %add3A_746 = vector.broadcast %add3A_745 : i32 to vector<16xi32>
        %add3A_747 = arith.addi %and3A_73, %add3A_746 : vector<16xi32>
        %gather3A_748 = tpu.vector_load_idx %arg7[%add3A_625, %add3A_747] : memref<1024x32xf32, #tpu.memory_space<vmem>>[vector<16xi32>, vector<16xi32>], vector<16xf32>,
        %add3A_749 = arith.addi %add3A_252, %add3A_623 : vector<16xi32>
        %add3A_750 = arith.constant 16384 : i32
        %add3A_751 = vector.broadcast %add3A_750 : i32 to vector<16xi32>
        %add3A_752 = arith.addi %add3A_749, %add3A_751 : vector<16xi32>
        tpu.vector_store_idx %arg9[%add3A_752], %gather3A_748 : memref<32768xf32, #tpu.memory_space<vmem>>[vector<16xi32>], vector<16xf32>,
        %add3A_753 = arith.constant 16 : i32
        %add3A_754 = vector.broadcast %add3A_753 : i32 to vector<16xi32>
        %add3A_755 = arith.addi %and3A_79, %add3A_754 : vector<16xi32>
        %gather3A_756 = tpu.vector_load_idx %arg7[%add3A_625, %add3A_755] : memref<1024x32xf32, #tpu.memory_space<vmem>>[vector<16xi32>, vector<16xi32>], vector<16xf32>,
        %add3A_757 = arith.addi %add3A_265, %add3A_623 : vector<16xi32>
        %add3A_758 = arith.constant 16384 : i32
        %add3A_759 = vector.broadcast %add3A_758 : i32 to vector<16xi32>
        %add3A_760 = arith.addi %add3A_757, %add3A_759 : vector<16xi32>
        tpu.vector_store_idx %arg9[%add3A_760], %gather3A_756 : memref<32768xf32, #tpu.memory_space<vmem>>[vector<16xi32>], vector<16xf32>,
        %add3A_761 = arith.constant 16 : i32
        %add3A_762 = vector.broadcast %add3A_761 : i32 to vector<16xi32>
        %add3A_763 = arith.addi %and3A_85, %add3A_762 : vector<16xi32>
        %gather3A_764 = tpu.vector_load_idx %arg7[%add3A_625, %add3A_763] : memref<1024x32xf32, #tpu.memory_space<vmem>>[vector<16xi32>, vector<16xi32>], vector<16xf32>,
        %add3A_765 = arith.addi %add3A_278, %add3A_623 : vector<16xi32>
        %add3A_766 = arith.constant 16384 : i32
        %add3A_767 = vector.broadcast %add3A_766 : i32 to vector<16xi32>
        %add3A_768 = arith.addi %add3A_765, %add3A_767 : vector<16xi32>
        tpu.vector_store_idx %arg9[%add3A_768], %gather3A_764 : memref<32768xf32, #tpu.memory_space<vmem>>[vector<16xi32>], vector<16xf32>,
        %add3A_769 = arith.constant 16 : i32
        %add3A_770 = vector.broadcast %add3A_769 : i32 to vector<16xi32>
        %add3A_771 = arith.addi %and3A_91, %add3A_770 : vector<16xi32>
        %gather3A_772 = tpu.vector_load_idx %arg7[%add3A_625, %add3A_771] : memref<1024x32xf32, #tpu.memory_space<vmem>>[vector<16xi32>, vector<16xi32>], vector<16xf32>,
        %add3A_773 = arith.addi %add3A_291, %add3A_623 : vector<16xi32>
        %add3A_774 = arith.constant 16384 : i32
        %add3A_775 = vector.broadcast %add3A_774 : i32 to vector<16xi32>
        %add3A_776 = arith.addi %add3A_773, %add3A_775 : vector<16xi32>
        tpu.vector_store_idx %arg9[%add3A_776], %gather3A_772 : memref<32768xf32, #tpu.memory_space<vmem>>[vector<16xi32>], vector<16xf32>,
        %add3A_777 = arith.constant 16 : i32
        %add3A_778 = vector.broadcast %add3A_777 : i32 to vector<16xi32>
        %add3A_779 = arith.addi %and3A_97, %add3A_778 : vector<16xi32>
        %gather3A_780 = tpu.vector_load_idx %arg7[%add3A_625, %add3A_779] : memref<1024x32xf32, #tpu.memory_space<vmem>>[vector<16xi32>, vector<16xi32>], vector<16xf32>,
        %add3A_781 = arith.addi %add3A_304, %add3A_623 : vector<16xi32>
        %add3A_782 = arith.constant 16384 : i32
        %add3A_783 = vector.broadcast %add3A_782 : i32 to vector<16xi32>
        %add3A_784 = arith.addi %add3A_781, %add3A_783 : vector<16xi32>
        tpu.vector_store_idx %arg9[%add3A_784], %gather3A_780 : memref<32768xf32, #tpu.memory_space<vmem>>[vector<16xi32>], vector<16xf32>,
        %scan3A_785 = arith.constant 0 : i32
        scf.yield %scan3A_785 : i32
      }
      %scan3A_422 = arith.constant 64 : i32
      %add3A_423 = arith.addi %mul3A_2, %add3A_412 : i32
      %jit3A_424 = arith.constant 4 : i32
      %div3A_425 = arith.divsi %add3A_423, %jit3A_424 : i32
      %sign3A_426 = arith.constant 0 : i32
      %sign3A_427 = arith.cmpi sgt, %add3A_423, %sign3A_426 : i32
      %sign3A_428 = arith.extui %sign3A_427 : i1 to i32
      %sign3A_429 = arith.constant 0 : i32
      %sign3A_430 = arith.cmpi slt, %add3A_423, %sign3A_429 : i32
      %sign3A_431 = arith.extui %sign3A_430 : i1 to i32
      %sign3A_432 = arith.subi %sign3A_428, %sign3A_431 : i32
      %sign3A_433 = arith.constant 0 : i32
      %sign3A_434 = arith.cmpi sgt, %jit3A_424, %sign3A_433 : i32
      %sign3A_435 = arith.extui %sign3A_434 : i1 to i32
      %sign3A_436 = arith.constant 0 : i32
      %sign3A_437 = arith.cmpi slt, %jit3A_424, %sign3A_436 : i32
      %sign3A_438 = arith.extui %sign3A_437 : i1 to i32
      %sign3A_439 = arith.subi %sign3A_435, %sign3A_438 : i32
      %ne3A_440 = arith.cmpi ne, %sign3A_432, %sign3A_439 : i32
      %rem3A_441 = arith.remsi %add3A_423, %jit3A_424 : i32
      %ne3A_442 = arith.constant 0 : i32
      %ne3A_443 = arith.cmpi ne, %rem3A_441, %ne3A_442 : i32
      %and3A_444 = arith.andi %ne3A_440, %ne3A_443 : i1
      %sub3A_445 = arith.constant 1 : i32
      %sub3A_446 = arith.subi %div3A_425, %sub3A_445 : i32
      %select_n3A_447 = arith.select %and3A_444, %sub3A_446, %div3A_425 : i32
      %jit3A_448 = arith.constant 4 : i32
      %eq3A_449 = arith.constant 0 : i32
      %eq3A_450 = arith.cmpi eq, %jit3A_448, %eq3A_449 : i32
      %jit3A_451 = arith.constant 1 : i32
      %select_n3A_452 = arith.select %eq3A_450, %jit3A_451, %jit3A_448 : i32
      %rem3A_453 = arith.remsi %add3A_423, %select_n3A_452 : i32
      %ne3A_454 = arith.constant 0 : i32
      %ne3A_455 = arith.cmpi ne, %rem3A_453, %ne3A_454 : i32
      %lt3A_456 = arith.constant 0 : i32
      %lt3A_457 = arith.cmpi slt, %rem3A_453, %lt3A_456 : i32
      %lt3A_458 = arith.constant 0 : i32
      %lt3A_459 = arith.cmpi slt, %select_n3A_452, %lt3A_458 : i32
      %ne3A_460 = arith.xori %lt3A_457, %lt3A_459 : i1
      %and3A_461 = arith.andi %ne3A_460, %ne3A_455 : i1
      %add3A_462 = arith.addi %rem3A_453, %select_n3A_452 : i32
      %select_n3A_463 = arith.select %and3A_461, %add3A_462, %rem3A_453 : i32
      %mul3A_464 = arith.constant 128 : i32
      %mul3A_465 = arith.muli %mul3A_464, %select_n3A_447 : i32
      %add3A_466 = arith.constant 0 : i32
      %add3A_467 = arith.addi %mul3A_465, %add3A_466 : i32
      %mul3A_468 = arith.constant 8 : i32
      %mul3A_469 = arith.muli %mul3A_468, %select_n3A_463 : i32
      %add3A_470 = arith.addi %add3A_467, %mul3A_469 : i32
      %mul3A_471 = arith.constant 1024 : i32
      %mul3A_472 = arith.muli %add3A_470, %mul3A_471 : i32
      %multiple_of3A_473 = tpu.assume_multiple %mul3A_472, 8192 : i32
      "tpu.region"() ({
        %run_scoped3A = tpu.sem_alloc : memref<!tpu.dma_semaphore, #tpu.memory_space<semaphore_mem>>
        %dma_start3A_612 = arith.constant 0 : i32
        %dma_start3A_613 = tpu.memref_slice %arg9[%dma_start3A_612] : memref<32768xf32, #tpu.memory_space<vmem>> -> memref<8192xf32, #tpu.memory_space<vmem>>
        %dma_start3A_614 = tpu.memref_slice %arg4[%multiple_of3A_473] : memref<26214400xf32, #tpu.memory_space<hbm>> -> memref<8192xf32, #tpu.memory_space<hbm>>
        %dma_start3A_615 = tpu.memref_slice %arg4[%multiple_of3A_473] : memref<26214400xf32, #tpu.memory_space<hbm>> -> memref<8192xf32, #tpu.memory_space<hbm>>
        %dma_start3A_616 = arith.constant 0 : i32
        %dma_start3A_617 = tpu.memref_slice %arg9[%dma_start3A_616] : memref<32768xf32, #tpu.memory_space<vmem>> -> memref<8192xf32, #tpu.memory_space<vmem>>
        tpu.enqueue_dma source(%dma_start3A_617 : memref<8192xf32, #tpu.memory_space<vmem>>) target(%dma_start3A_615 : memref<8192xf32, #tpu.memory_space<hbm>>) target_semaphore(%run_scoped3A : memref<!tpu.dma_semaphore, #tpu.memory_space<semaphore_mem>>)
        %dma_wait3A_618 = arith.constant 0 : i32
        %dma_wait3A_619 = tpu.memref_slice %arg9[%dma_wait3A_618] : memref<32768xf32, #tpu.memory_space<vmem>> -> memref<8192xf32, #tpu.memory_space<vmem>>
        %dma_wait3A_620 = tpu.memref_slice %arg4[%multiple_of3A_473] : memref<26214400xf32, #tpu.memory_space<hbm>> -> memref<8192xf32, #tpu.memory_space<hbm>>
        %dma_wait3A_621 = tpu.memref_slice %arg4[%multiple_of3A_473] : memref<26214400xf32, #tpu.memory_space<hbm>> -> memref<8192xf32, #tpu.memory_space<hbm>>
        %dma_wait3A_622 = arith.constant 0 : i32
        %dma_wait3A_623 = tpu.memref_slice %arg9[%dma_wait3A_622] : memref<32768xf32, #tpu.memory_space<vmem>> -> memref<8192xf32, #tpu.memory_space<vmem>>
        tpu.wait_dma2 semaphore(%run_scoped3A : memref<!tpu.dma_semaphore, #tpu.memory_space<semaphore_mem>>) src(%dma_wait3A_623 : memref<8192xf32, #tpu.memory_space<vmem>>) dst(%dma_wait3A_621 : memref<8192xf32, #tpu.memory_space<hbm>>)
        tpu.yield
      }) : () -> ()
      %mul3A_474 = arith.constant 128 : i32
      %mul3A_475 = arith.muli %mul3A_474, %select_n3A_447 : i32
      %add3A_476 = arith.constant 32 : i32
      %add3A_477 = arith.addi %mul3A_475, %add3A_476 : i32
      %mul3A_478 = arith.constant 8 : i32
      %mul3A_479 = arith.muli %mul3A_478, %select_n3A_463 : i32
      %add3A_480 = arith.addi %add3A_477, %mul3A_479 : i32
      %mul3A_481 = arith.constant 1024 : i32
      %mul3A_482 = arith.muli %add3A_480, %mul3A_481 : i32
      %multiple_of3A_483 = tpu.assume_multiple %mul3A_482, 8192 : i32
      "tpu.region"() ({
        %run_scoped3A = tpu.sem_alloc : memref<!tpu.dma_semaphore, #tpu.memory_space<semaphore_mem>>
        %dma_start3A_612 = arith.constant 8192 : i32
        %dma_start3A_613 = tpu.memref_slice %arg9[%dma_start3A_612] : memref<32768xf32, #tpu.memory_space<vmem>> -> memref<8192xf32, #tpu.memory_space<vmem>>
        %dma_start3A_614 = tpu.memref_slice %arg4[%multiple_of3A_483] : memref<26214400xf32, #tpu.memory_space<hbm>> -> memref<8192xf32, #tpu.memory_space<hbm>>
        %dma_start3A_615 = tpu.memref_slice %arg4[%multiple_of3A_483] : memref<26214400xf32, #tpu.memory_space<hbm>> -> memref<8192xf32, #tpu.memory_space<hbm>>
        %dma_start3A_616 = arith.constant 8192 : i32
        %dma_start3A_617 = tpu.memref_slice %arg9[%dma_start3A_616] : memref<32768xf32, #tpu.memory_space<vmem>> -> memref<8192xf32, #tpu.memory_space<vmem>>
        tpu.enqueue_dma source(%dma_start3A_617 : memref<8192xf32, #tpu.memory_space<vmem>>) target(%dma_start3A_615 : memref<8192xf32, #tpu.memory_space<hbm>>) target_semaphore(%run_scoped3A : memref<!tpu.dma_semaphore, #tpu.memory_space<semaphore_mem>>)
        %dma_wait3A_618 = arith.constant 8192 : i32
        %dma_wait3A_619 = tpu.memref_slice %arg9[%dma_wait3A_618] : memref<32768xf32, #tpu.memory_space<vmem>> -> memref<8192xf32, #tpu.memory_space<vmem>>
        %dma_wait3A_620 = tpu.memref_slice %arg4[%multiple_of3A_483] : memref<26214400xf32, #tpu.memory_space<hbm>> -> memref<8192xf32, #tpu.memory_space<hbm>>
        %dma_wait3A_621 = tpu.memref_slice %arg4[%multiple_of3A_483] : memref<26214400xf32, #tpu.memory_space<hbm>> -> memref<8192xf32, #tpu.memory_space<hbm>>
        %dma_wait3A_622 = arith.constant 8192 : i32
        %dma_wait3A_623 = tpu.memref_slice %arg9[%dma_wait3A_622] : memref<32768xf32, #tpu.memory_space<vmem>> -> memref<8192xf32, #tpu.memory_space<vmem>>
        tpu.wait_dma2 semaphore(%run_scoped3A : memref<!tpu.dma_semaphore, #tpu.memory_space<semaphore_mem>>) src(%dma_wait3A_623 : memref<8192xf32, #tpu.memory_space<vmem>>) dst(%dma_wait3A_621 : memref<8192xf32, #tpu.memory_space<hbm>>)
        tpu.yield
      }) : () -> ()
      %mul3A_484 = arith.constant 128 : i32
      %mul3A_485 = arith.muli %mul3A_484, %select_n3A_447 : i32
      %add3A_486 = arith.constant 64 : i32
      %add3A_487 = arith.addi %mul3A_485, %add3A_486 : i32
      %mul3A_488 = arith.constant 8 : i32
      %mul3A_489 = arith.muli %mul3A_488, %select_n3A_463 : i32
      %add3A_490 = arith.addi %add3A_487, %mul3A_489 : i32
      %mul3A_491 = arith.constant 1024 : i32
      %mul3A_492 = arith.muli %add3A_490, %mul3A_491 : i32
      %multiple_of3A_493 = tpu.assume_multiple %mul3A_492, 8192 : i32
      "tpu.region"() ({
        %run_scoped3A = tpu.sem_alloc : memref<!tpu.dma_semaphore, #tpu.memory_space<semaphore_mem>>
        %dma_start3A_612 = arith.constant 16384 : i32
        %dma_start3A_613 = tpu.memref_slice %arg9[%dma_start3A_612] : memref<32768xf32, #tpu.memory_space<vmem>> -> memref<8192xf32, #tpu.memory_space<vmem>>
        %dma_start3A_614 = tpu.memref_slice %arg4[%multiple_of3A_493] : memref<26214400xf32, #tpu.memory_space<hbm>> -> memref<8192xf32, #tpu.memory_space<hbm>>
        %dma_start3A_615 = tpu.memref_slice %arg4[%multiple_of3A_493] : memref<26214400xf32, #tpu.memory_space<hbm>> -> memref<8192xf32, #tpu.memory_space<hbm>>
        %dma_start3A_616 = arith.constant 16384 : i32
        %dma_start3A_617 = tpu.memref_slice %arg9[%dma_start3A_616] : memref<32768xf32, #tpu.memory_space<vmem>> -> memref<8192xf32, #tpu.memory_space<vmem>>
        tpu.enqueue_dma source(%dma_start3A_617 : memref<8192xf32, #tpu.memory_space<vmem>>) target(%dma_start3A_615 : memref<8192xf32, #tpu.memory_space<hbm>>) target_semaphore(%run_scoped3A : memref<!tpu.dma_semaphore, #tpu.memory_space<semaphore_mem>>)
        %dma_wait3A_618 = arith.constant 16384 : i32
        %dma_wait3A_619 = tpu.memref_slice %arg9[%dma_wait3A_618] : memref<32768xf32, #tpu.memory_space<vmem>> -> memref<8192xf32, #tpu.memory_space<vmem>>
        %dma_wait3A_620 = tpu.memref_slice %arg4[%multiple_of3A_493] : memref<26214400xf32, #tpu.memory_space<hbm>> -> memref<8192xf32, #tpu.memory_space<hbm>>
        %dma_wait3A_621 = tpu.memref_slice %arg4[%multiple_of3A_493] : memref<26214400xf32, #tpu.memory_space<hbm>> -> memref<8192xf32, #tpu.memory_space<hbm>>
        %dma_wait3A_622 = arith.constant 16384 : i32
        %dma_wait3A_623 = tpu.memref_slice %arg9[%dma_wait3A_622] : memref<32768xf32, #tpu.memory_space<vmem>> -> memref<8192xf32, #tpu.memory_space<vmem>>
        tpu.wait_dma2 semaphore(%run_scoped3A : memref<!tpu.dma_semaphore, #tpu.memory_space<semaphore_mem>>) src(%dma_wait3A_623 : memref<8192xf32, #tpu.memory_space<vmem>>) dst(%dma_wait3A_621 : memref<8192xf32, #tpu.memory_space<hbm>>)
        tpu.yield
      }) : () -> ()
      %mul3A_494 = arith.constant 128 : i32
      %mul3A_495 = arith.muli %mul3A_494, %select_n3A_447 : i32
      %add3A_496 = arith.constant 96 : i32
      %add3A_497 = arith.addi %mul3A_495, %add3A_496 : i32
      %mul3A_498 = arith.constant 8 : i32
      %mul3A_499 = arith.muli %mul3A_498, %select_n3A_463 : i32
      %add3A_500 = arith.addi %add3A_497, %mul3A_499 : i32
      %mul3A_501 = arith.constant 1024 : i32
      %mul3A_502 = arith.muli %add3A_500, %mul3A_501 : i32
      %multiple_of3A_503 = tpu.assume_multiple %mul3A_502, 8192 : i32
      "tpu.region"() ({
        %run_scoped3A = tpu.sem_alloc : memref<!tpu.dma_semaphore, #tpu.memory_space<semaphore_mem>>
        %dma_start3A_612 = arith.constant 24576 : i32
        %dma_start3A_613 = tpu.memref_slice %arg9[%dma_start3A_612] : memref<32768xf32, #tpu.memory_space<vmem>> -> memref<8192xf32, #tpu.memory_space<vmem>>
        %dma_start3A_614 = tpu.memref_slice %arg4[%multiple_of3A_503] : memref<26214400xf32, #tpu.memory_space<hbm>> -> memref<8192xf32, #tpu.memory_space<hbm>>
        %dma_start3A_615 = tpu.memref_slice %arg4[%multiple_of3A_503] : memref<26214400xf32, #tpu.memory_space<hbm>> -> memref<8192xf32, #tpu.memory_space<hbm>>
        %dma_start3A_616 = arith.constant 24576 : i32
        %dma_start3A_617 = tpu.memref_slice %arg9[%dma_start3A_616] : memref<32768xf32, #tpu.memory_space<vmem>> -> memref<8192xf32, #tpu.memory_space<vmem>>
        tpu.enqueue_dma source(%dma_start3A_617 : memref<8192xf32, #tpu.memory_space<vmem>>) target(%dma_start3A_615 : memref<8192xf32, #tpu.memory_space<hbm>>) target_semaphore(%run_scoped3A : memref<!tpu.dma_semaphore, #tpu.memory_space<semaphore_mem>>)
        %dma_wait3A_618 = arith.constant 24576 : i32
        %dma_wait3A_619 = tpu.memref_slice %arg9[%dma_wait3A_618] : memref<32768xf32, #tpu.memory_space<vmem>> -> memref<8192xf32, #tpu.memory_space<vmem>>
        %dma_wait3A_620 = tpu.memref_slice %arg4[%multiple_of3A_503] : memref<26214400xf32, #tpu.memory_space<hbm>> -> memref<8192xf32, #tpu.memory_space<hbm>>
        %dma_wait3A_621 = tpu.memref_slice %arg4[%multiple_of3A_503] : memref<26214400xf32, #tpu.memory_space<hbm>> -> memref<8192xf32, #tpu.memory_space<hbm>>
        %dma_wait3A_622 = arith.constant 24576 : i32
        %dma_wait3A_623 = tpu.memref_slice %arg9[%dma_wait3A_622] : memref<32768xf32, #tpu.memory_space<vmem>> -> memref<8192xf32, #tpu.memory_space<vmem>>
        tpu.wait_dma2 semaphore(%run_scoped3A : memref<!tpu.dma_semaphore, #tpu.memory_space<semaphore_mem>>) src(%dma_wait3A_623 : memref<8192xf32, #tpu.memory_space<vmem>>) dst(%dma_wait3A_621 : memref<8192xf32, #tpu.memory_space<hbm>>)
        tpu.yield
      }) : () -> ()
      %add3A_504 = arith.constant 2 : i32
      %add3A_505 = arith.addi %add3A_412, %add3A_504 : i32
      %lt3A_506 = arith.constant 25 : i32
      %lt3A_507 = arith.cmpi slt, %add3A_505, %lt3A_506 : i32
      %convert_element_type3A = arith.extui %lt3A_507 : i1 to i32
      %cond3A = arith.constant 0 : i32
      %cond3A_508 = arith.cmpi ne, %convert_element_type3A, %cond3A : i32
      scf.if %cond3A_508 {
        %add3A_612 = arith.constant 2 : i32
        %add3A_613 = arith.addi %add3A_412, %add3A_612 : i32
        %add3A_614 = arith.addi %mul3A_2, %add3A_613 : i32
        %mul3A_615 = arith.constant 1024 : i32
        %mul3A_616 = arith.muli %add3A_614, %mul3A_615 : i32
        %multiple_of3A_617 = tpu.assume_multiple %mul3A_616, 1024 : i32
        "tpu.region"() ({
          %run_scoped3A = tpu.sem_alloc : memref<!tpu.dma_semaphore, #tpu.memory_space<semaphore_mem>>
          %dma_start3A_621 = tpu.memref_slice %arg2[%multiple_of3A_617] : memref<819200xi32, #tpu.memory_space<hbm>> -> memref<1024xi32, #tpu.memory_space<hbm>>
          %dma_start3A_622 = tpu.memref_slice %arg2[%multiple_of3A_617] : memref<819200xi32, #tpu.memory_space<hbm>> -> memref<1024xi32, #tpu.memory_space<hbm>>
          tpu.enqueue_dma source(%dma_start3A_622 : memref<1024xi32, #tpu.memory_space<hbm>>) target(%arg5 : memref<1024xi32, #tpu.memory_space<vmem>>) target_semaphore(%run_scoped3A : memref<!tpu.dma_semaphore, #tpu.memory_space<semaphore_mem>>)
          %dma_wait3A_623 = tpu.memref_slice %arg2[%multiple_of3A_617] : memref<819200xi32, #tpu.memory_space<hbm>> -> memref<1024xi32, #tpu.memory_space<hbm>>
          %dma_wait3A_624 = tpu.memref_slice %arg2[%multiple_of3A_617] : memref<819200xi32, #tpu.memory_space<hbm>> -> memref<1024xi32, #tpu.memory_space<hbm>>
          tpu.wait_dma2 semaphore(%run_scoped3A : memref<!tpu.dma_semaphore, #tpu.memory_space<semaphore_mem>>) src(%dma_wait3A_624 : memref<1024xi32, #tpu.memory_space<hbm>>) dst(%arg5 : memref<1024xi32, #tpu.memory_space<vmem>>)
          tpu.yield
        }) : () -> ()
        %dma_start3A_618 = arith.constant 0 : i32
        %dma_start3A_619 = arith.constant 0 : i32
        %dma_start3A_620 = tpu.memref_slice %arg3[%dma_start3A_618, %dma_start3A_619] : memref<1000000x32xf32, #tpu.memory_space<hbm>> -> memref<1000000x32xf32, #tpu.memory_space<hbm>>
        tpu.enqueue_indirect_dma source(%dma_start3A_620 : memref<1000000x32xf32, #tpu.memory_space<hbm>>) target(%arg7 : memref<1024x32xf32, #tpu.memory_space<vmem>>) offsets(%arg5 : memref<1024xi32, #tpu.memory_space<vmem>>) semaphore(%arg10 : memref<!tpu.dma_semaphore, #tpu.memory_space<semaphore_mem>>)
      } else {
      }
      %mul3A_509 = arith.constant 2 : i32
      %mul3A_510 = arith.muli %scan3A_407, %mul3A_509 : i32
      %add3A_511 = arith.constant 1 : i32
      %add3A_512 = arith.addi %mul3A_510, %add3A_511 : i32
      %dma_wait3A_513 = arith.constant 0 : i32
      %dma_wait3A_514 = arith.constant 0 : i32
      %dma_wait3A_515 = tpu.memref_slice %arg3[%dma_wait3A_513, %dma_wait3A_514] : memref<1000000x32xf32, #tpu.memory_space<hbm>> -> memref<1000000x32xf32, #tpu.memory_space<hbm>>
      tpu.wait_indirect_dma semaphore(%arg11 : memref<!tpu.dma_semaphore, #tpu.memory_space<semaphore_mem>>) src(%dma_wait3A_515 : memref<1000000x32xf32, #tpu.memory_space<hbm>>) dst(%arg8 : memref<1024x32xf32, #tpu.memory_space<vmem>>)
      %scan3A_516 = arith.constant 0 : i32
      %scan3A_517 = arith.constant 0 : i32
      %scan3A_518 = arith.constant 64 : i32
      %scan3A_519 = arith.addi %scan3A_517, %scan3A_518 : i32
      %scan3A_520 = arith.constant 1 : i32
      %scan3A_521 = scf.for %scan3A_612 = %scan3A_517 to %scan3A_519 step %scan3A_520 iter_args(%scan3A_613 = %scan3A_516) -> (i32)  : i32 {
        %mul3A_614 = arith.constant 16 : i32
        %mul3A_615 = arith.muli %scan3A_612, %mul3A_614 : i32
        %shift_right_arithmetic3A_616 = arith.constant 7 : i32
        %shift_right_arithmetic3A_617 = arith.shrsi %mul3A_615, %shift_right_arithmetic3A_616 : i32
        %mul3A_618 = arith.constant 1024 : i32
        %mul3A_619 = arith.muli %shift_right_arithmetic3A_617, %mul3A_618 : i32
        %and3A_620 = arith.constant 127 : i32
        %and3A_621 = arith.andi %mul3A_615, %and3A_620 : i32
        %add3A_622 = arith.addi %mul3A_619, %and3A_621 : i32
        %broadcast_in_dim3A = vector.broadcast %add3A_622 : i32 to vector<16xi32>
        %add3A_623 = arith.addi %broadcast_in_dim3A, %iota3A : vector<16xi32>
        %broadcast_in_dim3A_624 = vector.broadcast %mul3A_615 : i32 to vector<16xi32>
        %add3A_625 = arith.addi %broadcast_in_dim3A_624, %iota3A : vector<16xi32>
        %gather3A = tpu.vector_load_idx %arg8[%add3A_625, %and3A_7] : memref<1024x32xf32, #tpu.memory_space<vmem>>[vector<16xi32>, vector<16xi32>], vector<16xf32>,
        %add3A_626 = arith.addi %add3A_109, %add3A_623 : vector<16xi32>
        tpu.vector_store_idx %arg9[%add3A_626], %gather3A : memref<32768xf32, #tpu.memory_space<vmem>>[vector<16xi32>], vector<16xf32>,
        %gather3A_627 = tpu.vector_load_idx %arg8[%add3A_625, %and3A_13] : memref<1024x32xf32, #tpu.memory_space<vmem>>[vector<16xi32>, vector<16xi32>], vector<16xf32>,
        %add3A_628 = arith.addi %add3A_122, %add3A_623 : vector<16xi32>
        tpu.vector_store_idx %arg9[%add3A_628], %gather3A_627 : memref<32768xf32, #tpu.memory_space<vmem>>[vector<16xi32>], vector<16xf32>,
        %gather3A_629 = tpu.vector_load_idx %arg8[%add3A_625, %and3A_19] : memref<1024x32xf32, #tpu.memory_space<vmem>>[vector<16xi32>, vector<16xi32>], vector<16xf32>,
        %add3A_630 = arith.addi %add3A_135, %add3A_623 : vector<16xi32>
        tpu.vector_store_idx %arg9[%add3A_630], %gather3A_629 : memref<32768xf32, #tpu.memory_space<vmem>>[vector<16xi32>], vector<16xf32>,
        %gather3A_631 = tpu.vector_load_idx %arg8[%add3A_625, %and3A_25] : memref<1024x32xf32, #tpu.memory_space<vmem>>[vector<16xi32>, vector<16xi32>], vector<16xf32>,
        %add3A_632 = arith.addi %add3A_148, %add3A_623 : vector<16xi32>
        tpu.vector_store_idx %arg9[%add3A_632], %gather3A_631 : memref<32768xf32, #tpu.memory_space<vmem>>[vector<16xi32>], vector<16xf32>,
        %gather3A_633 = tpu.vector_load_idx %arg8[%add3A_625, %and3A_31] : memref<1024x32xf32, #tpu.memory_space<vmem>>[vector<16xi32>, vector<16xi32>], vector<16xf32>,
        %add3A_634 = arith.addi %add3A_161, %add3A_623 : vector<16xi32>
        tpu.vector_store_idx %arg9[%add3A_634], %gather3A_633 : memref<32768xf32, #tpu.memory_space<vmem>>[vector<16xi32>], vector<16xf32>,
        %gather3A_635 = tpu.vector_load_idx %arg8[%add3A_625, %and3A_37] : memref<1024x32xf32, #tpu.memory_space<vmem>>[vector<16xi32>, vector<16xi32>], vector<16xf32>,
        %add3A_636 = arith.addi %add3A_174, %add3A_623 : vector<16xi32>
        tpu.vector_store_idx %arg9[%add3A_636], %gather3A_635 : memref<32768xf32, #tpu.memory_space<vmem>>[vector<16xi32>], vector<16xf32>,
        %gather3A_637 = tpu.vector_load_idx %arg8[%add3A_625, %and3A_43] : memref<1024x32xf32, #tpu.memory_space<vmem>>[vector<16xi32>, vector<16xi32>], vector<16xf32>,
        %add3A_638 = arith.addi %add3A_187, %add3A_623 : vector<16xi32>
        tpu.vector_store_idx %arg9[%add3A_638], %gather3A_637 : memref<32768xf32, #tpu.memory_space<vmem>>[vector<16xi32>], vector<16xf32>,
        %gather3A_639 = tpu.vector_load_idx %arg8[%add3A_625, %and3A_49] : memref<1024x32xf32, #tpu.memory_space<vmem>>[vector<16xi32>, vector<16xi32>], vector<16xf32>,
        %add3A_640 = arith.addi %add3A_200, %add3A_623 : vector<16xi32>
        tpu.vector_store_idx %arg9[%add3A_640], %gather3A_639 : memref<32768xf32, #tpu.memory_space<vmem>>[vector<16xi32>], vector<16xf32>,
        %gather3A_641 = tpu.vector_load_idx %arg8[%add3A_625, %and3A_55] : memref<1024x32xf32, #tpu.memory_space<vmem>>[vector<16xi32>, vector<16xi32>], vector<16xf32>,
        %add3A_642 = arith.addi %add3A_213, %add3A_623 : vector<16xi32>
        tpu.vector_store_idx %arg9[%add3A_642], %gather3A_641 : memref<32768xf32, #tpu.memory_space<vmem>>[vector<16xi32>], vector<16xf32>,
        %gather3A_643 = tpu.vector_load_idx %arg8[%add3A_625, %and3A_61] : memref<1024x32xf32, #tpu.memory_space<vmem>>[vector<16xi32>, vector<16xi32>], vector<16xf32>,
        %add3A_644 = arith.addi %add3A_226, %add3A_623 : vector<16xi32>
        tpu.vector_store_idx %arg9[%add3A_644], %gather3A_643 : memref<32768xf32, #tpu.memory_space<vmem>>[vector<16xi32>], vector<16xf32>,
        %gather3A_645 = tpu.vector_load_idx %arg8[%add3A_625, %and3A_67] : memref<1024x32xf32, #tpu.memory_space<vmem>>[vector<16xi32>, vector<16xi32>], vector<16xf32>,
        %add3A_646 = arith.addi %add3A_239, %add3A_623 : vector<16xi32>
        tpu.vector_store_idx %arg9[%add3A_646], %gather3A_645 : memref<32768xf32, #tpu.memory_space<vmem>>[vector<16xi32>], vector<16xf32>,
        %gather3A_647 = tpu.vector_load_idx %arg8[%add3A_625, %and3A_73] : memref<1024x32xf32, #tpu.memory_space<vmem>>[vector<16xi32>, vector<16xi32>], vector<16xf32>,
        %add3A_648 = arith.addi %add3A_252, %add3A_623 : vector<16xi32>
        tpu.vector_store_idx %arg9[%add3A_648], %gather3A_647 : memref<32768xf32, #tpu.memory_space<vmem>>[vector<16xi32>], vector<16xf32>,
        %gather3A_649 = tpu.vector_load_idx %arg8[%add3A_625, %and3A_79] : memref<1024x32xf32, #tpu.memory_space<vmem>>[vector<16xi32>, vector<16xi32>], vector<16xf32>,
        %add3A_650 = arith.addi %add3A_265, %add3A_623 : vector<16xi32>
        tpu.vector_store_idx %arg9[%add3A_650], %gather3A_649 : memref<32768xf32, #tpu.memory_space<vmem>>[vector<16xi32>], vector<16xf32>,
        %gather3A_651 = tpu.vector_load_idx %arg8[%add3A_625, %and3A_85] : memref<1024x32xf32, #tpu.memory_space<vmem>>[vector<16xi32>, vector<16xi32>], vector<16xf32>,
        %add3A_652 = arith.addi %add3A_278, %add3A_623 : vector<16xi32>
        tpu.vector_store_idx %arg9[%add3A_652], %gather3A_651 : memref<32768xf32, #tpu.memory_space<vmem>>[vector<16xi32>], vector<16xf32>,
        %gather3A_653 = tpu.vector_load_idx %arg8[%add3A_625, %and3A_91] : memref<1024x32xf32, #tpu.memory_space<vmem>>[vector<16xi32>, vector<16xi32>], vector<16xf32>,
        %add3A_654 = arith.addi %add3A_291, %add3A_623 : vector<16xi32>
        tpu.vector_store_idx %arg9[%add3A_654], %gather3A_653 : memref<32768xf32, #tpu.memory_space<vmem>>[vector<16xi32>], vector<16xf32>,
        %gather3A_655 = tpu.vector_load_idx %arg8[%add3A_625, %and3A_97] : memref<1024x32xf32, #tpu.memory_space<vmem>>[vector<16xi32>, vector<16xi32>], vector<16xf32>,
        %add3A_656 = arith.addi %add3A_304, %add3A_623 : vector<16xi32>
        tpu.vector_store_idx %arg9[%add3A_656], %gather3A_655 : memref<32768xf32, #tpu.memory_space<vmem>>[vector<16xi32>], vector<16xf32>,
        %add3A_657 = arith.constant 16 : i32
        %add3A_658 = vector.broadcast %add3A_657 : i32 to vector<16xi32>
        %add3A_659 = arith.addi %and3A_7, %add3A_658 : vector<16xi32>
        %gather3A_660 = tpu.vector_load_idx %arg8[%add3A_625, %add3A_659] : memref<1024x32xf32, #tpu.memory_space<vmem>>[vector<16xi32>, vector<16xi32>], vector<16xf32>,
        %add3A_661 = arith.addi %add3A_109, %add3A_623 : vector<16xi32>
        %add3A_662 = arith.constant 16384 : i32
        %add3A_663 = vector.broadcast %add3A_662 : i32 to vector<16xi32>
        %add3A_664 = arith.addi %add3A_661, %add3A_663 : vector<16xi32>
        tpu.vector_store_idx %arg9[%add3A_664], %gather3A_660 : memref<32768xf32, #tpu.memory_space<vmem>>[vector<16xi32>], vector<16xf32>,
        %add3A_665 = arith.constant 16 : i32
        %add3A_666 = vector.broadcast %add3A_665 : i32 to vector<16xi32>
        %add3A_667 = arith.addi %and3A_13, %add3A_666 : vector<16xi32>
        %gather3A_668 = tpu.vector_load_idx %arg8[%add3A_625, %add3A_667] : memref<1024x32xf32, #tpu.memory_space<vmem>>[vector<16xi32>, vector<16xi32>], vector<16xf32>,
        %add3A_669 = arith.addi %add3A_122, %add3A_623 : vector<16xi32>
        %add3A_670 = arith.constant 16384 : i32
        %add3A_671 = vector.broadcast %add3A_670 : i32 to vector<16xi32>
        %add3A_672 = arith.addi %add3A_669, %add3A_671 : vector<16xi32>
        tpu.vector_store_idx %arg9[%add3A_672], %gather3A_668 : memref<32768xf32, #tpu.memory_space<vmem>>[vector<16xi32>], vector<16xf32>,
        %add3A_673 = arith.constant 16 : i32
        %add3A_674 = vector.broadcast %add3A_673 : i32 to vector<16xi32>
        %add3A_675 = arith.addi %and3A_19, %add3A_674 : vector<16xi32>
        %gather3A_676 = tpu.vector_load_idx %arg8[%add3A_625, %add3A_675] : memref<1024x32xf32, #tpu.memory_space<vmem>>[vector<16xi32>, vector<16xi32>], vector<16xf32>,
        %add3A_677 = arith.addi %add3A_135, %add3A_623 : vector<16xi32>
        %add3A_678 = arith.constant 16384 : i32
        %add3A_679 = vector.broadcast %add3A_678 : i32 to vector<16xi32>
        %add3A_680 = arith.addi %add3A_677, %add3A_679 : vector<16xi32>
        tpu.vector_store_idx %arg9[%add3A_680], %gather3A_676 : memref<32768xf32, #tpu.memory_space<vmem>>[vector<16xi32>], vector<16xf32>,
        %add3A_681 = arith.constant 16 : i32
        %add3A_682 = vector.broadcast %add3A_681 : i32 to vector<16xi32>
        %add3A_683 = arith.addi %and3A_25, %add3A_682 : vector<16xi32>
        %gather3A_684 = tpu.vector_load_idx %arg8[%add3A_625, %add3A_683] : memref<1024x32xf32, #tpu.memory_space<vmem>>[vector<16xi32>, vector<16xi32>], vector<16xf32>,
        %add3A_685 = arith.addi %add3A_148, %add3A_623 : vector<16xi32>
        %add3A_686 = arith.constant 16384 : i32
        %add3A_687 = vector.broadcast %add3A_686 : i32 to vector<16xi32>
        %add3A_688 = arith.addi %add3A_685, %add3A_687 : vector<16xi32>
        tpu.vector_store_idx %arg9[%add3A_688], %gather3A_684 : memref<32768xf32, #tpu.memory_space<vmem>>[vector<16xi32>], vector<16xf32>,
        %add3A_689 = arith.constant 16 : i32
        %add3A_690 = vector.broadcast %add3A_689 : i32 to vector<16xi32>
        %add3A_691 = arith.addi %and3A_31, %add3A_690 : vector<16xi32>
        %gather3A_692 = tpu.vector_load_idx %arg8[%add3A_625, %add3A_691] : memref<1024x32xf32, #tpu.memory_space<vmem>>[vector<16xi32>, vector<16xi32>], vector<16xf32>,
        %add3A_693 = arith.addi %add3A_161, %add3A_623 : vector<16xi32>
        %add3A_694 = arith.constant 16384 : i32
        %add3A_695 = vector.broadcast %add3A_694 : i32 to vector<16xi32>
        %add3A_696 = arith.addi %add3A_693, %add3A_695 : vector<16xi32>
        tpu.vector_store_idx %arg9[%add3A_696], %gather3A_692 : memref<32768xf32, #tpu.memory_space<vmem>>[vector<16xi32>], vector<16xf32>,
        %add3A_697 = arith.constant 16 : i32
        %add3A_698 = vector.broadcast %add3A_697 : i32 to vector<16xi32>
        %add3A_699 = arith.addi %and3A_37, %add3A_698 : vector<16xi32>
        %gather3A_700 = tpu.vector_load_idx %arg8[%add3A_625, %add3A_699] : memref<1024x32xf32, #tpu.memory_space<vmem>>[vector<16xi32>, vector<16xi32>], vector<16xf32>,
        %add3A_701 = arith.addi %add3A_174, %add3A_623 : vector<16xi32>
        %add3A_702 = arith.constant 16384 : i32
        %add3A_703 = vector.broadcast %add3A_702 : i32 to vector<16xi32>
        %add3A_704 = arith.addi %add3A_701, %add3A_703 : vector<16xi32>
        tpu.vector_store_idx %arg9[%add3A_704], %gather3A_700 : memref<32768xf32, #tpu.memory_space<vmem>>[vector<16xi32>], vector<16xf32>,
        %add3A_705 = arith.constant 16 : i32
        %add3A_706 = vector.broadcast %add3A_705 : i32 to vector<16xi32>
        %add3A_707 = arith.addi %and3A_43, %add3A_706 : vector<16xi32>
        %gather3A_708 = tpu.vector_load_idx %arg8[%add3A_625, %add3A_707] : memref<1024x32xf32, #tpu.memory_space<vmem>>[vector<16xi32>, vector<16xi32>], vector<16xf32>,
        %add3A_709 = arith.addi %add3A_187, %add3A_623 : vector<16xi32>
        %add3A_710 = arith.constant 16384 : i32
        %add3A_711 = vector.broadcast %add3A_710 : i32 to vector<16xi32>
        %add3A_712 = arith.addi %add3A_709, %add3A_711 : vector<16xi32>
        tpu.vector_store_idx %arg9[%add3A_712], %gather3A_708 : memref<32768xf32, #tpu.memory_space<vmem>>[vector<16xi32>], vector<16xf32>,
        %add3A_713 = arith.constant 16 : i32
        %add3A_714 = vector.broadcast %add3A_713 : i32 to vector<16xi32>
        %add3A_715 = arith.addi %and3A_49, %add3A_714 : vector<16xi32>
        %gather3A_716 = tpu.vector_load_idx %arg8[%add3A_625, %add3A_715] : memref<1024x32xf32, #tpu.memory_space<vmem>>[vector<16xi32>, vector<16xi32>], vector<16xf32>,
        %add3A_717 = arith.addi %add3A_200, %add3A_623 : vector<16xi32>
        %add3A_718 = arith.constant 16384 : i32
        %add3A_719 = vector.broadcast %add3A_718 : i32 to vector<16xi32>
        %add3A_720 = arith.addi %add3A_717, %add3A_719 : vector<16xi32>
        tpu.vector_store_idx %arg9[%add3A_720], %gather3A_716 : memref<32768xf32, #tpu.memory_space<vmem>>[vector<16xi32>], vector<16xf32>,
        %add3A_721 = arith.constant 16 : i32
        %add3A_722 = vector.broadcast %add3A_721 : i32 to vector<16xi32>
        %add3A_723 = arith.addi %and3A_55, %add3A_722 : vector<16xi32>
        %gather3A_724 = tpu.vector_load_idx %arg8[%add3A_625, %add3A_723] : memref<1024x32xf32, #tpu.memory_space<vmem>>[vector<16xi32>, vector<16xi32>], vector<16xf32>,
        %add3A_725 = arith.addi %add3A_213, %add3A_623 : vector<16xi32>
        %add3A_726 = arith.constant 16384 : i32
        %add3A_727 = vector.broadcast %add3A_726 : i32 to vector<16xi32>
        %add3A_728 = arith.addi %add3A_725, %add3A_727 : vector<16xi32>
        tpu.vector_store_idx %arg9[%add3A_728], %gather3A_724 : memref<32768xf32, #tpu.memory_space<vmem>>[vector<16xi32>], vector<16xf32>,
        %add3A_729 = arith.constant 16 : i32
        %add3A_730 = vector.broadcast %add3A_729 : i32 to vector<16xi32>
        %add3A_731 = arith.addi %and3A_61, %add3A_730 : vector<16xi32>
        %gather3A_732 = tpu.vector_load_idx %arg8[%add3A_625, %add3A_731] : memref<1024x32xf32, #tpu.memory_space<vmem>>[vector<16xi32>, vector<16xi32>], vector<16xf32>,
        %add3A_733 = arith.addi %add3A_226, %add3A_623 : vector<16xi32>
        %add3A_734 = arith.constant 16384 : i32
        %add3A_735 = vector.broadcast %add3A_734 : i32 to vector<16xi32>
        %add3A_736 = arith.addi %add3A_733, %add3A_735 : vector<16xi32>
        tpu.vector_store_idx %arg9[%add3A_736], %gather3A_732 : memref<32768xf32, #tpu.memory_space<vmem>>[vector<16xi32>], vector<16xf32>,
        %add3A_737 = arith.constant 16 : i32
        %add3A_738 = vector.broadcast %add3A_737 : i32 to vector<16xi32>
        %add3A_739 = arith.addi %and3A_67, %add3A_738 : vector<16xi32>
        %gather3A_740 = tpu.vector_load_idx %arg8[%add3A_625, %add3A_739] : memref<1024x32xf32, #tpu.memory_space<vmem>>[vector<16xi32>, vector<16xi32>], vector<16xf32>,
        %add3A_741 = arith.addi %add3A_239, %add3A_623 : vector<16xi32>
        %add3A_742 = arith.constant 16384 : i32
        %add3A_743 = vector.broadcast %add3A_742 : i32 to vector<16xi32>
        %add3A_744 = arith.addi %add3A_741, %add3A_743 : vector<16xi32>
        tpu.vector_store_idx %arg9[%add3A_744], %gather3A_740 : memref<32768xf32, #tpu.memory_space<vmem>>[vector<16xi32>], vector<16xf32>,
        %add3A_745 = arith.constant 16 : i32
        %add3A_746 = vector.broadcast %add3A_745 : i32 to vector<16xi32>
        %add3A_747 = arith.addi %and3A_73, %add3A_746 : vector<16xi32>
        %gather3A_748 = tpu.vector_load_idx %arg8[%add3A_625, %add3A_747] : memref<1024x32xf32, #tpu.memory_space<vmem>>[vector<16xi32>, vector<16xi32>], vector<16xf32>,
        %add3A_749 = arith.addi %add3A_252, %add3A_623 : vector<16xi32>
        %add3A_750 = arith.constant 16384 : i32
        %add3A_751 = vector.broadcast %add3A_750 : i32 to vector<16xi32>
        %add3A_752 = arith.addi %add3A_749, %add3A_751 : vector<16xi32>
        tpu.vector_store_idx %arg9[%add3A_752], %gather3A_748 : memref<32768xf32, #tpu.memory_space<vmem>>[vector<16xi32>], vector<16xf32>,
        %add3A_753 = arith.constant 16 : i32
        %add3A_754 = vector.broadcast %add3A_753 : i32 to vector<16xi32>
        %add3A_755 = arith.addi %and3A_79, %add3A_754 : vector<16xi32>
        %gather3A_756 = tpu.vector_load_idx %arg8[%add3A_625, %add3A_755] : memref<1024x32xf32, #tpu.memory_space<vmem>>[vector<16xi32>, vector<16xi32>], vector<16xf32>,
        %add3A_757 = arith.addi %add3A_265, %add3A_623 : vector<16xi32>
        %add3A_758 = arith.constant 16384 : i32
        %add3A_759 = vector.broadcast %add3A_758 : i32 to vector<16xi32>
        %add3A_760 = arith.addi %add3A_757, %add3A_759 : vector<16xi32>
        tpu.vector_store_idx %arg9[%add3A_760], %gather3A_756 : memref<32768xf32, #tpu.memory_space<vmem>>[vector<16xi32>], vector<16xf32>,
        %add3A_761 = arith.constant 16 : i32
        %add3A_762 = vector.broadcast %add3A_761 : i32 to vector<16xi32>
        %add3A_763 = arith.addi %and3A_85, %add3A_762 : vector<16xi32>
        %gather3A_764 = tpu.vector_load_idx %arg8[%add3A_625, %add3A_763] : memref<1024x32xf32, #tpu.memory_space<vmem>>[vector<16xi32>, vector<16xi32>], vector<16xf32>,
        %add3A_765 = arith.addi %add3A_278, %add3A_623 : vector<16xi32>
        %add3A_766 = arith.constant 16384 : i32
        %add3A_767 = vector.broadcast %add3A_766 : i32 to vector<16xi32>
        %add3A_768 = arith.addi %add3A_765, %add3A_767 : vector<16xi32>
        tpu.vector_store_idx %arg9[%add3A_768], %gather3A_764 : memref<32768xf32, #tpu.memory_space<vmem>>[vector<16xi32>], vector<16xf32>,
        %add3A_769 = arith.constant 16 : i32
        %add3A_770 = vector.broadcast %add3A_769 : i32 to vector<16xi32>
        %add3A_771 = arith.addi %and3A_91, %add3A_770 : vector<16xi32>
        %gather3A_772 = tpu.vector_load_idx %arg8[%add3A_625, %add3A_771] : memref<1024x32xf32, #tpu.memory_space<vmem>>[vector<16xi32>, vector<16xi32>], vector<16xf32>,
        %add3A_773 = arith.addi %add3A_291, %add3A_623 : vector<16xi32>
        %add3A_774 = arith.constant 16384 : i32
        %add3A_775 = vector.broadcast %add3A_774 : i32 to vector<16xi32>
        %add3A_776 = arith.addi %add3A_773, %add3A_775 : vector<16xi32>
        tpu.vector_store_idx %arg9[%add3A_776], %gather3A_772 : memref<32768xf32, #tpu.memory_space<vmem>>[vector<16xi32>], vector<16xf32>,
        %add3A_777 = arith.constant 16 : i32
        %add3A_778 = vector.broadcast %add3A_777 : i32 to vector<16xi32>
        %add3A_779 = arith.addi %and3A_97, %add3A_778 : vector<16xi32>
        %gather3A_780 = tpu.vector_load_idx %arg8[%add3A_625, %add3A_779] : memref<1024x32xf32, #tpu.memory_space<vmem>>[vector<16xi32>, vector<16xi32>], vector<16xf32>,
        %add3A_781 = arith.addi %add3A_304, %add3A_623 : vector<16xi32>
        %add3A_782 = arith.constant 16384 : i32
        %add3A_783 = vector.broadcast %add3A_782 : i32 to vector<16xi32>
        %add3A_784 = arith.addi %add3A_781, %add3A_783 : vector<16xi32>
        tpu.vector_store_idx %arg9[%add3A_784], %gather3A_780 : memref<32768xf32, #tpu.memory_space<vmem>>[vector<16xi32>], vector<16xf32>,
        %scan3A_785 = arith.constant 0 : i32
        scf.yield %scan3A_785 : i32
      }
      %scan3A_522 = arith.constant 64 : i32
      %add3A_523 = arith.addi %mul3A_2, %add3A_512 : i32
      %jit3A_524 = arith.constant 4 : i32
      %div3A_525 = arith.divsi %add3A_523, %jit3A_524 : i32
      %sign3A_526 = arith.constant 0 : i32
      %sign3A_527 = arith.cmpi sgt, %add3A_523, %sign3A_526 : i32
      %sign3A_528 = arith.extui %sign3A_527 : i1 to i32
      %sign3A_529 = arith.constant 0 : i32
      %sign3A_530 = arith.cmpi slt, %add3A_523, %sign3A_529 : i32
      %sign3A_531 = arith.extui %sign3A_530 : i1 to i32
      %sign3A_532 = arith.subi %sign3A_528, %sign3A_531 : i32
      %sign3A_533 = arith.constant 0 : i32
      %sign3A_534 = arith.cmpi sgt, %jit3A_524, %sign3A_533 : i32
      %sign3A_535 = arith.extui %sign3A_534 : i1 to i32
      %sign3A_536 = arith.constant 0 : i32
      %sign3A_537 = arith.cmpi slt, %jit3A_524, %sign3A_536 : i32
      %sign3A_538 = arith.extui %sign3A_537 : i1 to i32
      %sign3A_539 = arith.subi %sign3A_535, %sign3A_538 : i32
      %ne3A_540 = arith.cmpi ne, %sign3A_532, %sign3A_539 : i32
      %rem3A_541 = arith.remsi %add3A_523, %jit3A_524 : i32
      %ne3A_542 = arith.constant 0 : i32
      %ne3A_543 = arith.cmpi ne, %rem3A_541, %ne3A_542 : i32
      %and3A_544 = arith.andi %ne3A_540, %ne3A_543 : i1
      %sub3A_545 = arith.constant 1 : i32
      %sub3A_546 = arith.subi %div3A_525, %sub3A_545 : i32
      %select_n3A_547 = arith.select %and3A_544, %sub3A_546, %div3A_525 : i32
      %jit3A_548 = arith.constant 4 : i32
      %eq3A_549 = arith.constant 0 : i32
      %eq3A_550 = arith.cmpi eq, %jit3A_548, %eq3A_549 : i32
      %jit3A_551 = arith.constant 1 : i32
      %select_n3A_552 = arith.select %eq3A_550, %jit3A_551, %jit3A_548 : i32
      %rem3A_553 = arith.remsi %add3A_523, %select_n3A_552 : i32
      %ne3A_554 = arith.constant 0 : i32
      %ne3A_555 = arith.cmpi ne, %rem3A_553, %ne3A_554 : i32
      %lt3A_556 = arith.constant 0 : i32
      %lt3A_557 = arith.cmpi slt, %rem3A_553, %lt3A_556 : i32
      %lt3A_558 = arith.constant 0 : i32
      %lt3A_559 = arith.cmpi slt, %select_n3A_552, %lt3A_558 : i32
      %ne3A_560 = arith.xori %lt3A_557, %lt3A_559 : i1
      %and3A_561 = arith.andi %ne3A_560, %ne3A_555 : i1
      %add3A_562 = arith.addi %rem3A_553, %select_n3A_552 : i32
      %select_n3A_563 = arith.select %and3A_561, %add3A_562, %rem3A_553 : i32
      %mul3A_564 = arith.constant 128 : i32
      %mul3A_565 = arith.muli %mul3A_564, %select_n3A_547 : i32
      %add3A_566 = arith.constant 0 : i32
      %add3A_567 = arith.addi %mul3A_565, %add3A_566 : i32
      %mul3A_568 = arith.constant 8 : i32
      %mul3A_569 = arith.muli %mul3A_568, %select_n3A_563 : i32
      %add3A_570 = arith.addi %add3A_567, %mul3A_569 : i32
      %mul3A_571 = arith.constant 1024 : i32
      %mul3A_572 = arith.muli %add3A_570, %mul3A_571 : i32
      %multiple_of3A_573 = tpu.assume_multiple %mul3A_572, 8192 : i32
      "tpu.region"() ({
        %run_scoped3A = tpu.sem_alloc : memref<!tpu.dma_semaphore, #tpu.memory_space<semaphore_mem>>
        %dma_start3A_612 = arith.constant 0 : i32
        %dma_start3A_613 = tpu.memref_slice %arg9[%dma_start3A_612] : memref<32768xf32, #tpu.memory_space<vmem>> -> memref<8192xf32, #tpu.memory_space<vmem>>
        %dma_start3A_614 = tpu.memref_slice %arg4[%multiple_of3A_573] : memref<26214400xf32, #tpu.memory_space<hbm>> -> memref<8192xf32, #tpu.memory_space<hbm>>
        %dma_start3A_615 = tpu.memref_slice %arg4[%multiple_of3A_573] : memref<26214400xf32, #tpu.memory_space<hbm>> -> memref<8192xf32, #tpu.memory_space<hbm>>
        %dma_start3A_616 = arith.constant 0 : i32
        %dma_start3A_617 = tpu.memref_slice %arg9[%dma_start3A_616] : memref<32768xf32, #tpu.memory_space<vmem>> -> memref<8192xf32, #tpu.memory_space<vmem>>
        tpu.enqueue_dma source(%dma_start3A_617 : memref<8192xf32, #tpu.memory_space<vmem>>) target(%dma_start3A_615 : memref<8192xf32, #tpu.memory_space<hbm>>) target_semaphore(%run_scoped3A : memref<!tpu.dma_semaphore, #tpu.memory_space<semaphore_mem>>)
        %dma_wait3A_618 = arith.constant 0 : i32
        %dma_wait3A_619 = tpu.memref_slice %arg9[%dma_wait3A_618] : memref<32768xf32, #tpu.memory_space<vmem>> -> memref<8192xf32, #tpu.memory_space<vmem>>
        %dma_wait3A_620 = tpu.memref_slice %arg4[%multiple_of3A_573] : memref<26214400xf32, #tpu.memory_space<hbm>> -> memref<8192xf32, #tpu.memory_space<hbm>>
        %dma_wait3A_621 = tpu.memref_slice %arg4[%multiple_of3A_573] : memref<26214400xf32, #tpu.memory_space<hbm>> -> memref<8192xf32, #tpu.memory_space<hbm>>
        %dma_wait3A_622 = arith.constant 0 : i32
        %dma_wait3A_623 = tpu.memref_slice %arg9[%dma_wait3A_622] : memref<32768xf32, #tpu.memory_space<vmem>> -> memref<8192xf32, #tpu.memory_space<vmem>>
        tpu.wait_dma2 semaphore(%run_scoped3A : memref<!tpu.dma_semaphore, #tpu.memory_space<semaphore_mem>>) src(%dma_wait3A_623 : memref<8192xf32, #tpu.memory_space<vmem>>) dst(%dma_wait3A_621 : memref<8192xf32, #tpu.memory_space<hbm>>)
        tpu.yield
      }) : () -> ()
      %mul3A_574 = arith.constant 128 : i32
      %mul3A_575 = arith.muli %mul3A_574, %select_n3A_547 : i32
      %add3A_576 = arith.constant 32 : i32
      %add3A_577 = arith.addi %mul3A_575, %add3A_576 : i32
      %mul3A_578 = arith.constant 8 : i32
      %mul3A_579 = arith.muli %mul3A_578, %select_n3A_563 : i32
      %add3A_580 = arith.addi %add3A_577, %mul3A_579 : i32
      %mul3A_581 = arith.constant 1024 : i32
      %mul3A_582 = arith.muli %add3A_580, %mul3A_581 : i32
      %multiple_of3A_583 = tpu.assume_multiple %mul3A_582, 8192 : i32
      "tpu.region"() ({
        %run_scoped3A = tpu.sem_alloc : memref<!tpu.dma_semaphore, #tpu.memory_space<semaphore_mem>>
        %dma_start3A_612 = arith.constant 8192 : i32
        %dma_start3A_613 = tpu.memref_slice %arg9[%dma_start3A_612] : memref<32768xf32, #tpu.memory_space<vmem>> -> memref<8192xf32, #tpu.memory_space<vmem>>
        %dma_start3A_614 = tpu.memref_slice %arg4[%multiple_of3A_583] : memref<26214400xf32, #tpu.memory_space<hbm>> -> memref<8192xf32, #tpu.memory_space<hbm>>
        %dma_start3A_615 = tpu.memref_slice %arg4[%multiple_of3A_583] : memref<26214400xf32, #tpu.memory_space<hbm>> -> memref<8192xf32, #tpu.memory_space<hbm>>
        %dma_start3A_616 = arith.constant 8192 : i32
        %dma_start3A_617 = tpu.memref_slice %arg9[%dma_start3A_616] : memref<32768xf32, #tpu.memory_space<vmem>> -> memref<8192xf32, #tpu.memory_space<vmem>>
        tpu.enqueue_dma source(%dma_start3A_617 : memref<8192xf32, #tpu.memory_space<vmem>>) target(%dma_start3A_615 : memref<8192xf32, #tpu.memory_space<hbm>>) target_semaphore(%run_scoped3A : memref<!tpu.dma_semaphore, #tpu.memory_space<semaphore_mem>>)
        %dma_wait3A_618 = arith.constant 8192 : i32
        %dma_wait3A_619 = tpu.memref_slice %arg9[%dma_wait3A_618] : memref<32768xf32, #tpu.memory_space<vmem>> -> memref<8192xf32, #tpu.memory_space<vmem>>
        %dma_wait3A_620 = tpu.memref_slice %arg4[%multiple_of3A_583] : memref<26214400xf32, #tpu.memory_space<hbm>> -> memref<8192xf32, #tpu.memory_space<hbm>>
        %dma_wait3A_621 = tpu.memref_slice %arg4[%multiple_of3A_583] : memref<26214400xf32, #tpu.memory_space<hbm>> -> memref<8192xf32, #tpu.memory_space<hbm>>
        %dma_wait3A_622 = arith.constant 8192 : i32
        %dma_wait3A_623 = tpu.memref_slice %arg9[%dma_wait3A_622] : memref<32768xf32, #tpu.memory_space<vmem>> -> memref<8192xf32, #tpu.memory_space<vmem>>
        tpu.wait_dma2 semaphore(%run_scoped3A : memref<!tpu.dma_semaphore, #tpu.memory_space<semaphore_mem>>) src(%dma_wait3A_623 : memref<8192xf32, #tpu.memory_space<vmem>>) dst(%dma_wait3A_621 : memref<8192xf32, #tpu.memory_space<hbm>>)
        tpu.yield
      }) : () -> ()
      %mul3A_584 = arith.constant 128 : i32
      %mul3A_585 = arith.muli %mul3A_584, %select_n3A_547 : i32
      %add3A_586 = arith.constant 64 : i32
      %add3A_587 = arith.addi %mul3A_585, %add3A_586 : i32
      %mul3A_588 = arith.constant 8 : i32
      %mul3A_589 = arith.muli %mul3A_588, %select_n3A_563 : i32
      %add3A_590 = arith.addi %add3A_587, %mul3A_589 : i32
      %mul3A_591 = arith.constant 1024 : i32
      %mul3A_592 = arith.muli %add3A_590, %mul3A_591 : i32
      %multiple_of3A_593 = tpu.assume_multiple %mul3A_592, 8192 : i32
      "tpu.region"() ({
        %run_scoped3A = tpu.sem_alloc : memref<!tpu.dma_semaphore, #tpu.memory_space<semaphore_mem>>
        %dma_start3A_612 = arith.constant 16384 : i32
        %dma_start3A_613 = tpu.memref_slice %arg9[%dma_start3A_612] : memref<32768xf32, #tpu.memory_space<vmem>> -> memref<8192xf32, #tpu.memory_space<vmem>>
        %dma_start3A_614 = tpu.memref_slice %arg4[%multiple_of3A_593] : memref<26214400xf32, #tpu.memory_space<hbm>> -> memref<8192xf32, #tpu.memory_space<hbm>>
        %dma_start3A_615 = tpu.memref_slice %arg4[%multiple_of3A_593] : memref<26214400xf32, #tpu.memory_space<hbm>> -> memref<8192xf32, #tpu.memory_space<hbm>>
        %dma_start3A_616 = arith.constant 16384 : i32
        %dma_start3A_617 = tpu.memref_slice %arg9[%dma_start3A_616] : memref<32768xf32, #tpu.memory_space<vmem>> -> memref<8192xf32, #tpu.memory_space<vmem>>
        tpu.enqueue_dma source(%dma_start3A_617 : memref<8192xf32, #tpu.memory_space<vmem>>) target(%dma_start3A_615 : memref<8192xf32, #tpu.memory_space<hbm>>) target_semaphore(%run_scoped3A : memref<!tpu.dma_semaphore, #tpu.memory_space<semaphore_mem>>)
        %dma_wait3A_618 = arith.constant 16384 : i32
        %dma_wait3A_619 = tpu.memref_slice %arg9[%dma_wait3A_618] : memref<32768xf32, #tpu.memory_space<vmem>> -> memref<8192xf32, #tpu.memory_space<vmem>>
        %dma_wait3A_620 = tpu.memref_slice %arg4[%multiple_of3A_593] : memref<26214400xf32, #tpu.memory_space<hbm>> -> memref<8192xf32, #tpu.memory_space<hbm>>
        %dma_wait3A_621 = tpu.memref_slice %arg4[%multiple_of3A_593] : memref<26214400xf32, #tpu.memory_space<hbm>> -> memref<8192xf32, #tpu.memory_space<hbm>>
        %dma_wait3A_622 = arith.constant 16384 : i32
        %dma_wait3A_623 = tpu.memref_slice %arg9[%dma_wait3A_622] : memref<32768xf32, #tpu.memory_space<vmem>> -> memref<8192xf32, #tpu.memory_space<vmem>>
        tpu.wait_dma2 semaphore(%run_scoped3A : memref<!tpu.dma_semaphore, #tpu.memory_space<semaphore_mem>>) src(%dma_wait3A_623 : memref<8192xf32, #tpu.memory_space<vmem>>) dst(%dma_wait3A_621 : memref<8192xf32, #tpu.memory_space<hbm>>)
        tpu.yield
      }) : () -> ()
      %mul3A_594 = arith.constant 128 : i32
      %mul3A_595 = arith.muli %mul3A_594, %select_n3A_547 : i32
      %add3A_596 = arith.constant 96 : i32
      %add3A_597 = arith.addi %mul3A_595, %add3A_596 : i32
      %mul3A_598 = arith.constant 8 : i32
      %mul3A_599 = arith.muli %mul3A_598, %select_n3A_563 : i32
      %add3A_600 = arith.addi %add3A_597, %mul3A_599 : i32
      %mul3A_601 = arith.constant 1024 : i32
      %mul3A_602 = arith.muli %add3A_600, %mul3A_601 : i32
      %multiple_of3A_603 = tpu.assume_multiple %mul3A_602, 8192 : i32
      "tpu.region"() ({
        %run_scoped3A = tpu.sem_alloc : memref<!tpu.dma_semaphore, #tpu.memory_space<semaphore_mem>>
        %dma_start3A_612 = arith.constant 24576 : i32
        %dma_start3A_613 = tpu.memref_slice %arg9[%dma_start3A_612] : memref<32768xf32, #tpu.memory_space<vmem>> -> memref<8192xf32, #tpu.memory_space<vmem>>
        %dma_start3A_614 = tpu.memref_slice %arg4[%multiple_of3A_603] : memref<26214400xf32, #tpu.memory_space<hbm>> -> memref<8192xf32, #tpu.memory_space<hbm>>
        %dma_start3A_615 = tpu.memref_slice %arg4[%multiple_of3A_603] : memref<26214400xf32, #tpu.memory_space<hbm>> -> memref<8192xf32, #tpu.memory_space<hbm>>
        %dma_start3A_616 = arith.constant 24576 : i32
        %dma_start3A_617 = tpu.memref_slice %arg9[%dma_start3A_616] : memref<32768xf32, #tpu.memory_space<vmem>> -> memref<8192xf32, #tpu.memory_space<vmem>>
        tpu.enqueue_dma source(%dma_start3A_617 : memref<8192xf32, #tpu.memory_space<vmem>>) target(%dma_start3A_615 : memref<8192xf32, #tpu.memory_space<hbm>>) target_semaphore(%run_scoped3A : memref<!tpu.dma_semaphore, #tpu.memory_space<semaphore_mem>>)
        %dma_wait3A_618 = arith.constant 24576 : i32
        %dma_wait3A_619 = tpu.memref_slice %arg9[%dma_wait3A_618] : memref<32768xf32, #tpu.memory_space<vmem>> -> memref<8192xf32, #tpu.memory_space<vmem>>
        %dma_wait3A_620 = tpu.memref_slice %arg4[%multiple_of3A_603] : memref<26214400xf32, #tpu.memory_space<hbm>> -> memref<8192xf32, #tpu.memory_space<hbm>>
        %dma_wait3A_621 = tpu.memref_slice %arg4[%multiple_of3A_603] : memref<26214400xf32, #tpu.memory_space<hbm>> -> memref<8192xf32, #tpu.memory_space<hbm>>
        %dma_wait3A_622 = arith.constant 24576 : i32
        %dma_wait3A_623 = tpu.memref_slice %arg9[%dma_wait3A_622] : memref<32768xf32, #tpu.memory_space<vmem>> -> memref<8192xf32, #tpu.memory_space<vmem>>
        tpu.wait_dma2 semaphore(%run_scoped3A : memref<!tpu.dma_semaphore, #tpu.memory_space<semaphore_mem>>) src(%dma_wait3A_623 : memref<8192xf32, #tpu.memory_space<vmem>>) dst(%dma_wait3A_621 : memref<8192xf32, #tpu.memory_space<hbm>>)
        tpu.yield
      }) : () -> ()
      %add3A_604 = arith.constant 2 : i32
      %add3A_605 = arith.addi %add3A_512, %add3A_604 : i32
      %lt3A_606 = arith.constant 25 : i32
      %lt3A_607 = arith.cmpi slt, %add3A_605, %lt3A_606 : i32
      %convert_element_type3A_608 = arith.extui %lt3A_607 : i1 to i32
      %cond3A_609 = arith.constant 0 : i32
      %cond3A_610 = arith.cmpi ne, %convert_element_type3A_608, %cond3A_609 : i32
      scf.if %cond3A_610 {
        %add3A_612 = arith.constant 2 : i32
        %add3A_613 = arith.addi %add3A_512, %add3A_612 : i32
        %add3A_614 = arith.addi %mul3A_2, %add3A_613 : i32
        %mul3A_615 = arith.constant 1024 : i32
        %mul3A_616 = arith.muli %add3A_614, %mul3A_615 : i32
        %multiple_of3A_617 = tpu.assume_multiple %mul3A_616, 1024 : i32
        "tpu.region"() ({
          %run_scoped3A = tpu.sem_alloc : memref<!tpu.dma_semaphore, #tpu.memory_space<semaphore_mem>>
          %dma_start3A_621 = tpu.memref_slice %arg2[%multiple_of3A_617] : memref<819200xi32, #tpu.memory_space<hbm>> -> memref<1024xi32, #tpu.memory_space<hbm>>
          %dma_start3A_622 = tpu.memref_slice %arg2[%multiple_of3A_617] : memref<819200xi32, #tpu.memory_space<hbm>> -> memref<1024xi32, #tpu.memory_space<hbm>>
          tpu.enqueue_dma source(%dma_start3A_622 : memref<1024xi32, #tpu.memory_space<hbm>>) target(%arg6 : memref<1024xi32, #tpu.memory_space<vmem>>) target_semaphore(%run_scoped3A : memref<!tpu.dma_semaphore, #tpu.memory_space<semaphore_mem>>)
          %dma_wait3A_623 = tpu.memref_slice %arg2[%multiple_of3A_617] : memref<819200xi32, #tpu.memory_space<hbm>> -> memref<1024xi32, #tpu.memory_space<hbm>>
          %dma_wait3A_624 = tpu.memref_slice %arg2[%multiple_of3A_617] : memref<819200xi32, #tpu.memory_space<hbm>> -> memref<1024xi32, #tpu.memory_space<hbm>>
          tpu.wait_dma2 semaphore(%run_scoped3A : memref<!tpu.dma_semaphore, #tpu.memory_space<semaphore_mem>>) src(%dma_wait3A_624 : memref<1024xi32, #tpu.memory_space<hbm>>) dst(%arg6 : memref<1024xi32, #tpu.memory_space<vmem>>)
          tpu.yield
        }) : () -> ()
        %dma_start3A_618 = arith.constant 0 : i32
        %dma_start3A_619 = arith.constant 0 : i32
        %dma_start3A_620 = tpu.memref_slice %arg3[%dma_start3A_618, %dma_start3A_619] : memref<1000000x32xf32, #tpu.memory_space<hbm>> -> memref<1000000x32xf32, #tpu.memory_space<hbm>>
        tpu.enqueue_indirect_dma source(%dma_start3A_620 : memref<1000000x32xf32, #tpu.memory_space<hbm>>) target(%arg8 : memref<1024x32xf32, #tpu.memory_space<vmem>>) offsets(%arg6 : memref<1024xi32, #tpu.memory_space<vmem>>) semaphore(%arg11 : memref<!tpu.dma_semaphore, #tpu.memory_space<semaphore_mem>>)
      } else {
      }
      %scan3A_611 = arith.constant 0 : i32
      scf.yield %scan3A_611 : i32
    }
    %scan3A_324 = arith.constant 12 : i32
    %dma_wait3A = arith.constant 0 : i32
    %dma_wait3A_325 = arith.constant 0 : i32
    %dma_wait3A_326 = tpu.memref_slice %arg3[%dma_wait3A, %dma_wait3A_325] : memref<1000000x32xf32, #tpu.memory_space<hbm>> -> memref<1000000x32xf32, #tpu.memory_space<hbm>>
    tpu.wait_indirect_dma semaphore(%arg10 : memref<!tpu.dma_semaphore, #tpu.memory_space<semaphore_mem>>) src(%dma_wait3A_326 : memref<1000000x32xf32, #tpu.memory_space<hbm>>) dst(%arg7 : memref<1024x32xf32, #tpu.memory_space<vmem>>)
    %scan3A_327 = arith.constant 0 : i32
    %scan3A_328 = arith.constant 0 : i32
    %scan3A_329 = arith.constant 64 : i32
    %scan3A_330 = arith.addi %scan3A_328, %scan3A_329 : i32
    %scan3A_331 = arith.constant 1 : i32
    %scan3A_332 = scf.for %scan3A_407 = %scan3A_328 to %scan3A_330 step %scan3A_331 iter_args(%scan3A_408 = %scan3A_327) -> (i32)  : i32 {
      %mul3A_409 = arith.constant 16 : i32
      %mul3A_410 = arith.muli %scan3A_407, %mul3A_409 : i32
      %shift_right_arithmetic3A_411 = arith.constant 7 : i32
      %shift_right_arithmetic3A_412 = arith.shrsi %mul3A_410, %shift_right_arithmetic3A_411 : i32
      %mul3A_413 = arith.constant 1024 : i32
      %mul3A_414 = arith.muli %shift_right_arithmetic3A_412, %mul3A_413 : i32
      %and3A_415 = arith.constant 127 : i32
      %and3A_416 = arith.andi %mul3A_410, %and3A_415 : i32
      %add3A_417 = arith.addi %mul3A_414, %and3A_416 : i32
      %broadcast_in_dim3A = vector.broadcast %add3A_417 : i32 to vector<16xi32>
      %add3A_418 = arith.addi %broadcast_in_dim3A, %iota3A : vector<16xi32>
      %broadcast_in_dim3A_419 = vector.broadcast %mul3A_410 : i32 to vector<16xi32>
      %add3A_420 = arith.addi %broadcast_in_dim3A_419, %iota3A : vector<16xi32>
      %gather3A = tpu.vector_load_idx %arg7[%add3A_420, %and3A_7] : memref<1024x32xf32, #tpu.memory_space<vmem>>[vector<16xi32>, vector<16xi32>], vector<16xf32>,
      %add3A_421 = arith.addi %add3A_109, %add3A_418 : vector<16xi32>
      tpu.vector_store_idx %arg9[%add3A_421], %gather3A : memref<32768xf32, #tpu.memory_space<vmem>>[vector<16xi32>], vector<16xf32>,
      %gather3A_422 = tpu.vector_load_idx %arg7[%add3A_420, %and3A_13] : memref<1024x32xf32, #tpu.memory_space<vmem>>[vector<16xi32>, vector<16xi32>], vector<16xf32>,
      %add3A_423 = arith.addi %add3A_122, %add3A_418 : vector<16xi32>
      tpu.vector_store_idx %arg9[%add3A_423], %gather3A_422 : memref<32768xf32, #tpu.memory_space<vmem>>[vector<16xi32>], vector<16xf32>,
      %gather3A_424 = tpu.vector_load_idx %arg7[%add3A_420, %and3A_19] : memref<1024x32xf32, #tpu.memory_space<vmem>>[vector<16xi32>, vector<16xi32>], vector<16xf32>,
      %add3A_425 = arith.addi %add3A_135, %add3A_418 : vector<16xi32>
      tpu.vector_store_idx %arg9[%add3A_425], %gather3A_424 : memref<32768xf32, #tpu.memory_space<vmem>>[vector<16xi32>], vector<16xf32>,
      %gather3A_426 = tpu.vector_load_idx %arg7[%add3A_420, %and3A_25] : memref<1024x32xf32, #tpu.memory_space<vmem>>[vector<16xi32>, vector<16xi32>], vector<16xf32>,
      %add3A_427 = arith.addi %add3A_148, %add3A_418 : vector<16xi32>
      tpu.vector_store_idx %arg9[%add3A_427], %gather3A_426 : memref<32768xf32, #tpu.memory_space<vmem>>[vector<16xi32>], vector<16xf32>,
      %gather3A_428 = tpu.vector_load_idx %arg7[%add3A_420, %and3A_31] : memref<1024x32xf32, #tpu.memory_space<vmem>>[vector<16xi32>, vector<16xi32>], vector<16xf32>,
      %add3A_429 = arith.addi %add3A_161, %add3A_418 : vector<16xi32>
      tpu.vector_store_idx %arg9[%add3A_429], %gather3A_428 : memref<32768xf32, #tpu.memory_space<vmem>>[vector<16xi32>], vector<16xf32>,
      %gather3A_430 = tpu.vector_load_idx %arg7[%add3A_420, %and3A_37] : memref<1024x32xf32, #tpu.memory_space<vmem>>[vector<16xi32>, vector<16xi32>], vector<16xf32>,
      %add3A_431 = arith.addi %add3A_174, %add3A_418 : vector<16xi32>
      tpu.vector_store_idx %arg9[%add3A_431], %gather3A_430 : memref<32768xf32, #tpu.memory_space<vmem>>[vector<16xi32>], vector<16xf32>,
      %gather3A_432 = tpu.vector_load_idx %arg7[%add3A_420, %and3A_43] : memref<1024x32xf32, #tpu.memory_space<vmem>>[vector<16xi32>, vector<16xi32>], vector<16xf32>,
      %add3A_433 = arith.addi %add3A_187, %add3A_418 : vector<16xi32>
      tpu.vector_store_idx %arg9[%add3A_433], %gather3A_432 : memref<32768xf32, #tpu.memory_space<vmem>>[vector<16xi32>], vector<16xf32>,
      %gather3A_434 = tpu.vector_load_idx %arg7[%add3A_420, %and3A_49] : memref<1024x32xf32, #tpu.memory_space<vmem>>[vector<16xi32>, vector<16xi32>], vector<16xf32>,
      %add3A_435 = arith.addi %add3A_200, %add3A_418 : vector<16xi32>
      tpu.vector_store_idx %arg9[%add3A_435], %gather3A_434 : memref<32768xf32, #tpu.memory_space<vmem>>[vector<16xi32>], vector<16xf32>,
      %gather3A_436 = tpu.vector_load_idx %arg7[%add3A_420, %and3A_55] : memref<1024x32xf32, #tpu.memory_space<vmem>>[vector<16xi32>, vector<16xi32>], vector<16xf32>,
      %add3A_437 = arith.addi %add3A_213, %add3A_418 : vector<16xi32>
      tpu.vector_store_idx %arg9[%add3A_437], %gather3A_436 : memref<32768xf32, #tpu.memory_space<vmem>>[vector<16xi32>], vector<16xf32>,
      %gather3A_438 = tpu.vector_load_idx %arg7[%add3A_420, %and3A_61] : memref<1024x32xf32, #tpu.memory_space<vmem>>[vector<16xi32>, vector<16xi32>], vector<16xf32>,
      %add3A_439 = arith.addi %add3A_226, %add3A_418 : vector<16xi32>
      tpu.vector_store_idx %arg9[%add3A_439], %gather3A_438 : memref<32768xf32, #tpu.memory_space<vmem>>[vector<16xi32>], vector<16xf32>,
      %gather3A_440 = tpu.vector_load_idx %arg7[%add3A_420, %and3A_67] : memref<1024x32xf32, #tpu.memory_space<vmem>>[vector<16xi32>, vector<16xi32>], vector<16xf32>,
      %add3A_441 = arith.addi %add3A_239, %add3A_418 : vector<16xi32>
      tpu.vector_store_idx %arg9[%add3A_441], %gather3A_440 : memref<32768xf32, #tpu.memory_space<vmem>>[vector<16xi32>], vector<16xf32>,
      %gather3A_442 = tpu.vector_load_idx %arg7[%add3A_420, %and3A_73] : memref<1024x32xf32, #tpu.memory_space<vmem>>[vector<16xi32>, vector<16xi32>], vector<16xf32>,
      %add3A_443 = arith.addi %add3A_252, %add3A_418 : vector<16xi32>
      tpu.vector_store_idx %arg9[%add3A_443], %gather3A_442 : memref<32768xf32, #tpu.memory_space<vmem>>[vector<16xi32>], vector<16xf32>,
      %gather3A_444 = tpu.vector_load_idx %arg7[%add3A_420, %and3A_79] : memref<1024x32xf32, #tpu.memory_space<vmem>>[vector<16xi32>, vector<16xi32>], vector<16xf32>,
      %add3A_445 = arith.addi %add3A_265, %add3A_418 : vector<16xi32>
      tpu.vector_store_idx %arg9[%add3A_445], %gather3A_444 : memref<32768xf32, #tpu.memory_space<vmem>>[vector<16xi32>], vector<16xf32>,
      %gather3A_446 = tpu.vector_load_idx %arg7[%add3A_420, %and3A_85] : memref<1024x32xf32, #tpu.memory_space<vmem>>[vector<16xi32>, vector<16xi32>], vector<16xf32>,
      %add3A_447 = arith.addi %add3A_278, %add3A_418 : vector<16xi32>
      tpu.vector_store_idx %arg9[%add3A_447], %gather3A_446 : memref<32768xf32, #tpu.memory_space<vmem>>[vector<16xi32>], vector<16xf32>,
      %gather3A_448 = tpu.vector_load_idx %arg7[%add3A_420, %and3A_91] : memref<1024x32xf32, #tpu.memory_space<vmem>>[vector<16xi32>, vector<16xi32>], vector<16xf32>,
      %add3A_449 = arith.addi %add3A_291, %add3A_418 : vector<16xi32>
      tpu.vector_store_idx %arg9[%add3A_449], %gather3A_448 : memref<32768xf32, #tpu.memory_space<vmem>>[vector<16xi32>], vector<16xf32>,
      %gather3A_450 = tpu.vector_load_idx %arg7[%add3A_420, %and3A_97] : memref<1024x32xf32, #tpu.memory_space<vmem>>[vector<16xi32>, vector<16xi32>], vector<16xf32>,
      %add3A_451 = arith.addi %add3A_304, %add3A_418 : vector<16xi32>
      tpu.vector_store_idx %arg9[%add3A_451], %gather3A_450 : memref<32768xf32, #tpu.memory_space<vmem>>[vector<16xi32>], vector<16xf32>,
      %add3A_452 = arith.constant 16 : i32
      %add3A_453 = vector.broadcast %add3A_452 : i32 to vector<16xi32>
      %add3A_454 = arith.addi %and3A_7, %add3A_453 : vector<16xi32>
      %gather3A_455 = tpu.vector_load_idx %arg7[%add3A_420, %add3A_454] : memref<1024x32xf32, #tpu.memory_space<vmem>>[vector<16xi32>, vector<16xi32>], vector<16xf32>,
      %add3A_456 = arith.addi %add3A_109, %add3A_418 : vector<16xi32>
      %add3A_457 = arith.constant 16384 : i32
      %add3A_458 = vector.broadcast %add3A_457 : i32 to vector<16xi32>
      %add3A_459 = arith.addi %add3A_456, %add3A_458 : vector<16xi32>
      tpu.vector_store_idx %arg9[%add3A_459], %gather3A_455 : memref<32768xf32, #tpu.memory_space<vmem>>[vector<16xi32>], vector<16xf32>,
      %add3A_460 = arith.constant 16 : i32
      %add3A_461 = vector.broadcast %add3A_460 : i32 to vector<16xi32>
      %add3A_462 = arith.addi %and3A_13, %add3A_461 : vector<16xi32>
      %gather3A_463 = tpu.vector_load_idx %arg7[%add3A_420, %add3A_462] : memref<1024x32xf32, #tpu.memory_space<vmem>>[vector<16xi32>, vector<16xi32>], vector<16xf32>,
      %add3A_464 = arith.addi %add3A_122, %add3A_418 : vector<16xi32>
      %add3A_465 = arith.constant 16384 : i32
      %add3A_466 = vector.broadcast %add3A_465 : i32 to vector<16xi32>
      %add3A_467 = arith.addi %add3A_464, %add3A_466 : vector<16xi32>
      tpu.vector_store_idx %arg9[%add3A_467], %gather3A_463 : memref<32768xf32, #tpu.memory_space<vmem>>[vector<16xi32>], vector<16xf32>,
      %add3A_468 = arith.constant 16 : i32
      %add3A_469 = vector.broadcast %add3A_468 : i32 to vector<16xi32>
      %add3A_470 = arith.addi %and3A_19, %add3A_469 : vector<16xi32>
      %gather3A_471 = tpu.vector_load_idx %arg7[%add3A_420, %add3A_470] : memref<1024x32xf32, #tpu.memory_space<vmem>>[vector<16xi32>, vector<16xi32>], vector<16xf32>,
      %add3A_472 = arith.addi %add3A_135, %add3A_418 : vector<16xi32>
      %add3A_473 = arith.constant 16384 : i32
      %add3A_474 = vector.broadcast %add3A_473 : i32 to vector<16xi32>
      %add3A_475 = arith.addi %add3A_472, %add3A_474 : vector<16xi32>
      tpu.vector_store_idx %arg9[%add3A_475], %gather3A_471 : memref<32768xf32, #tpu.memory_space<vmem>>[vector<16xi32>], vector<16xf32>,
      %add3A_476 = arith.constant 16 : i32
      %add3A_477 = vector.broadcast %add3A_476 : i32 to vector<16xi32>
      %add3A_478 = arith.addi %and3A_25, %add3A_477 : vector<16xi32>
      %gather3A_479 = tpu.vector_load_idx %arg7[%add3A_420, %add3A_478] : memref<1024x32xf32, #tpu.memory_space<vmem>>[vector<16xi32>, vector<16xi32>], vector<16xf32>,
      %add3A_480 = arith.addi %add3A_148, %add3A_418 : vector<16xi32>
      %add3A_481 = arith.constant 16384 : i32
      %add3A_482 = vector.broadcast %add3A_481 : i32 to vector<16xi32>
      %add3A_483 = arith.addi %add3A_480, %add3A_482 : vector<16xi32>
      tpu.vector_store_idx %arg9[%add3A_483], %gather3A_479 : memref<32768xf32, #tpu.memory_space<vmem>>[vector<16xi32>], vector<16xf32>,
      %add3A_484 = arith.constant 16 : i32
      %add3A_485 = vector.broadcast %add3A_484 : i32 to vector<16xi32>
      %add3A_486 = arith.addi %and3A_31, %add3A_485 : vector<16xi32>
      %gather3A_487 = tpu.vector_load_idx %arg7[%add3A_420, %add3A_486] : memref<1024x32xf32, #tpu.memory_space<vmem>>[vector<16xi32>, vector<16xi32>], vector<16xf32>,
      %add3A_488 = arith.addi %add3A_161, %add3A_418 : vector<16xi32>
      %add3A_489 = arith.constant 16384 : i32
      %add3A_490 = vector.broadcast %add3A_489 : i32 to vector<16xi32>
      %add3A_491 = arith.addi %add3A_488, %add3A_490 : vector<16xi32>
      tpu.vector_store_idx %arg9[%add3A_491], %gather3A_487 : memref<32768xf32, #tpu.memory_space<vmem>>[vector<16xi32>], vector<16xf32>,
      %add3A_492 = arith.constant 16 : i32
      %add3A_493 = vector.broadcast %add3A_492 : i32 to vector<16xi32>
      %add3A_494 = arith.addi %and3A_37, %add3A_493 : vector<16xi32>
      %gather3A_495 = tpu.vector_load_idx %arg7[%add3A_420, %add3A_494] : memref<1024x32xf32, #tpu.memory_space<vmem>>[vector<16xi32>, vector<16xi32>], vector<16xf32>,
      %add3A_496 = arith.addi %add3A_174, %add3A_418 : vector<16xi32>
      %add3A_497 = arith.constant 16384 : i32
      %add3A_498 = vector.broadcast %add3A_497 : i32 to vector<16xi32>
      %add3A_499 = arith.addi %add3A_496, %add3A_498 : vector<16xi32>
      tpu.vector_store_idx %arg9[%add3A_499], %gather3A_495 : memref<32768xf32, #tpu.memory_space<vmem>>[vector<16xi32>], vector<16xf32>,
      %add3A_500 = arith.constant 16 : i32
      %add3A_501 = vector.broadcast %add3A_500 : i32 to vector<16xi32>
      %add3A_502 = arith.addi %and3A_43, %add3A_501 : vector<16xi32>
      %gather3A_503 = tpu.vector_load_idx %arg7[%add3A_420, %add3A_502] : memref<1024x32xf32, #tpu.memory_space<vmem>>[vector<16xi32>, vector<16xi32>], vector<16xf32>,
      %add3A_504 = arith.addi %add3A_187, %add3A_418 : vector<16xi32>
      %add3A_505 = arith.constant 16384 : i32
      %add3A_506 = vector.broadcast %add3A_505 : i32 to vector<16xi32>
      %add3A_507 = arith.addi %add3A_504, %add3A_506 : vector<16xi32>
      tpu.vector_store_idx %arg9[%add3A_507], %gather3A_503 : memref<32768xf32, #tpu.memory_space<vmem>>[vector<16xi32>], vector<16xf32>,
      %add3A_508 = arith.constant 16 : i32
      %add3A_509 = vector.broadcast %add3A_508 : i32 to vector<16xi32>
      %add3A_510 = arith.addi %and3A_49, %add3A_509 : vector<16xi32>
      %gather3A_511 = tpu.vector_load_idx %arg7[%add3A_420, %add3A_510] : memref<1024x32xf32, #tpu.memory_space<vmem>>[vector<16xi32>, vector<16xi32>], vector<16xf32>,
      %add3A_512 = arith.addi %add3A_200, %add3A_418 : vector<16xi32>
      %add3A_513 = arith.constant 16384 : i32
      %add3A_514 = vector.broadcast %add3A_513 : i32 to vector<16xi32>
      %add3A_515 = arith.addi %add3A_512, %add3A_514 : vector<16xi32>
      tpu.vector_store_idx %arg9[%add3A_515], %gather3A_511 : memref<32768xf32, #tpu.memory_space<vmem>>[vector<16xi32>], vector<16xf32>,
      %add3A_516 = arith.constant 16 : i32
      %add3A_517 = vector.broadcast %add3A_516 : i32 to vector<16xi32>
      %add3A_518 = arith.addi %and3A_55, %add3A_517 : vector<16xi32>
      %gather3A_519 = tpu.vector_load_idx %arg7[%add3A_420, %add3A_518] : memref<1024x32xf32, #tpu.memory_space<vmem>>[vector<16xi32>, vector<16xi32>], vector<16xf32>,
      %add3A_520 = arith.addi %add3A_213, %add3A_418 : vector<16xi32>
      %add3A_521 = arith.constant 16384 : i32
      %add3A_522 = vector.broadcast %add3A_521 : i32 to vector<16xi32>
      %add3A_523 = arith.addi %add3A_520, %add3A_522 : vector<16xi32>
      tpu.vector_store_idx %arg9[%add3A_523], %gather3A_519 : memref<32768xf32, #tpu.memory_space<vmem>>[vector<16xi32>], vector<16xf32>,
      %add3A_524 = arith.constant 16 : i32
      %add3A_525 = vector.broadcast %add3A_524 : i32 to vector<16xi32>
      %add3A_526 = arith.addi %and3A_61, %add3A_525 : vector<16xi32>
      %gather3A_527 = tpu.vector_load_idx %arg7[%add3A_420, %add3A_526] : memref<1024x32xf32, #tpu.memory_space<vmem>>[vector<16xi32>, vector<16xi32>], vector<16xf32>,
      %add3A_528 = arith.addi %add3A_226, %add3A_418 : vector<16xi32>
      %add3A_529 = arith.constant 16384 : i32
      %add3A_530 = vector.broadcast %add3A_529 : i32 to vector<16xi32>
      %add3A_531 = arith.addi %add3A_528, %add3A_530 : vector<16xi32>
      tpu.vector_store_idx %arg9[%add3A_531], %gather3A_527 : memref<32768xf32, #tpu.memory_space<vmem>>[vector<16xi32>], vector<16xf32>,
      %add3A_532 = arith.constant 16 : i32
      %add3A_533 = vector.broadcast %add3A_532 : i32 to vector<16xi32>
      %add3A_534 = arith.addi %and3A_67, %add3A_533 : vector<16xi32>
      %gather3A_535 = tpu.vector_load_idx %arg7[%add3A_420, %add3A_534] : memref<1024x32xf32, #tpu.memory_space<vmem>>[vector<16xi32>, vector<16xi32>], vector<16xf32>,
      %add3A_536 = arith.addi %add3A_239, %add3A_418 : vector<16xi32>
      %add3A_537 = arith.constant 16384 : i32
      %add3A_538 = vector.broadcast %add3A_537 : i32 to vector<16xi32>
      %add3A_539 = arith.addi %add3A_536, %add3A_538 : vector<16xi32>
      tpu.vector_store_idx %arg9[%add3A_539], %gather3A_535 : memref<32768xf32, #tpu.memory_space<vmem>>[vector<16xi32>], vector<16xf32>,
      %add3A_540 = arith.constant 16 : i32
      %add3A_541 = vector.broadcast %add3A_540 : i32 to vector<16xi32>
      %add3A_542 = arith.addi %and3A_73, %add3A_541 : vector<16xi32>
      %gather3A_543 = tpu.vector_load_idx %arg7[%add3A_420, %add3A_542] : memref<1024x32xf32, #tpu.memory_space<vmem>>[vector<16xi32>, vector<16xi32>], vector<16xf32>,
      %add3A_544 = arith.addi %add3A_252, %add3A_418 : vector<16xi32>
      %add3A_545 = arith.constant 16384 : i32
      %add3A_546 = vector.broadcast %add3A_545 : i32 to vector<16xi32>
      %add3A_547 = arith.addi %add3A_544, %add3A_546 : vector<16xi32>
      tpu.vector_store_idx %arg9[%add3A_547], %gather3A_543 : memref<32768xf32, #tpu.memory_space<vmem>>[vector<16xi32>], vector<16xf32>,
      %add3A_548 = arith.constant 16 : i32
      %add3A_549 = vector.broadcast %add3A_548 : i32 to vector<16xi32>
      %add3A_550 = arith.addi %and3A_79, %add3A_549 : vector<16xi32>
      %gather3A_551 = tpu.vector_load_idx %arg7[%add3A_420, %add3A_550] : memref<1024x32xf32, #tpu.memory_space<vmem>>[vector<16xi32>, vector<16xi32>], vector<16xf32>,
      %add3A_552 = arith.addi %add3A_265, %add3A_418 : vector<16xi32>
      %add3A_553 = arith.constant 16384 : i32
      %add3A_554 = vector.broadcast %add3A_553 : i32 to vector<16xi32>
      %add3A_555 = arith.addi %add3A_552, %add3A_554 : vector<16xi32>
      tpu.vector_store_idx %arg9[%add3A_555], %gather3A_551 : memref<32768xf32, #tpu.memory_space<vmem>>[vector<16xi32>], vector<16xf32>,
      %add3A_556 = arith.constant 16 : i32
      %add3A_557 = vector.broadcast %add3A_556 : i32 to vector<16xi32>
      %add3A_558 = arith.addi %and3A_85, %add3A_557 : vector<16xi32>
      %gather3A_559 = tpu.vector_load_idx %arg7[%add3A_420, %add3A_558] : memref<1024x32xf32, #tpu.memory_space<vmem>>[vector<16xi32>, vector<16xi32>], vector<16xf32>,
      %add3A_560 = arith.addi %add3A_278, %add3A_418 : vector<16xi32>
      %add3A_561 = arith.constant 16384 : i32
      %add3A_562 = vector.broadcast %add3A_561 : i32 to vector<16xi32>
      %add3A_563 = arith.addi %add3A_560, %add3A_562 : vector<16xi32>
      tpu.vector_store_idx %arg9[%add3A_563], %gather3A_559 : memref<32768xf32, #tpu.memory_space<vmem>>[vector<16xi32>], vector<16xf32>,
      %add3A_564 = arith.constant 16 : i32
      %add3A_565 = vector.broadcast %add3A_564 : i32 to vector<16xi32>
      %add3A_566 = arith.addi %and3A_91, %add3A_565 : vector<16xi32>
      %gather3A_567 = tpu.vector_load_idx %arg7[%add3A_420, %add3A_566] : memref<1024x32xf32, #tpu.memory_space<vmem>>[vector<16xi32>, vector<16xi32>], vector<16xf32>,
      %add3A_568 = arith.addi %add3A_291, %add3A_418 : vector<16xi32>
      %add3A_569 = arith.constant 16384 : i32
      %add3A_570 = vector.broadcast %add3A_569 : i32 to vector<16xi32>
      %add3A_571 = arith.addi %add3A_568, %add3A_570 : vector<16xi32>
      tpu.vector_store_idx %arg9[%add3A_571], %gather3A_567 : memref<32768xf32, #tpu.memory_space<vmem>>[vector<16xi32>], vector<16xf32>,
      %add3A_572 = arith.constant 16 : i32
      %add3A_573 = vector.broadcast %add3A_572 : i32 to vector<16xi32>
      %add3A_574 = arith.addi %and3A_97, %add3A_573 : vector<16xi32>
      %gather3A_575 = tpu.vector_load_idx %arg7[%add3A_420, %add3A_574] : memref<1024x32xf32, #tpu.memory_space<vmem>>[vector<16xi32>, vector<16xi32>], vector<16xf32>,
      %add3A_576 = arith.addi %add3A_304, %add3A_418 : vector<16xi32>
      %add3A_577 = arith.constant 16384 : i32
      %add3A_578 = vector.broadcast %add3A_577 : i32 to vector<16xi32>
      %add3A_579 = arith.addi %add3A_576, %add3A_578 : vector<16xi32>
      tpu.vector_store_idx %arg9[%add3A_579], %gather3A_575 : memref<32768xf32, #tpu.memory_space<vmem>>[vector<16xi32>], vector<16xf32>,
      %scan3A_580 = arith.constant 0 : i32
      scf.yield %scan3A_580 : i32
    }
    %scan3A_333 = arith.constant 64 : i32
    %add3A_334 = arith.constant 24 : i32
    %add3A_335 = arith.addi %mul3A_2, %add3A_334 : i32
    %jit3A = arith.constant 4 : i32
    %div3A = arith.divsi %add3A_335, %jit3A : i32
    %sign3A = arith.constant 0 : i32
    %sign3A_336 = arith.cmpi sgt, %add3A_335, %sign3A : i32
    %sign3A_337 = arith.extui %sign3A_336 : i1 to i32
    %sign3A_338 = arith.constant 0 : i32
    %sign3A_339 = arith.cmpi slt, %add3A_335, %sign3A_338 : i32
    %sign3A_340 = arith.extui %sign3A_339 : i1 to i32
    %sign3A_341 = arith.subi %sign3A_337, %sign3A_340 : i32
    %sign3A_342 = arith.constant 0 : i32
    %sign3A_343 = arith.cmpi sgt, %jit3A, %sign3A_342 : i32
    %sign3A_344 = arith.extui %sign3A_343 : i1 to i32
    %sign3A_345 = arith.constant 0 : i32
    %sign3A_346 = arith.cmpi slt, %jit3A, %sign3A_345 : i32
    %sign3A_347 = arith.extui %sign3A_346 : i1 to i32
    %sign3A_348 = arith.subi %sign3A_344, %sign3A_347 : i32
    %ne3A = arith.cmpi ne, %sign3A_341, %sign3A_348 : i32
    %rem3A = arith.remsi %add3A_335, %jit3A : i32
    %ne3A_349 = arith.constant 0 : i32
    %ne3A_350 = arith.cmpi ne, %rem3A, %ne3A_349 : i32
    %and3A_351 = arith.andi %ne3A, %ne3A_350 : i1
    %sub3A = arith.constant 1 : i32
    %sub3A_352 = arith.subi %div3A, %sub3A : i32
    %select_n3A = arith.select %and3A_351, %sub3A_352, %div3A : i32
    %jit3A_353 = arith.constant 4 : i32
    %eq3A = arith.constant 0 : i32
    %eq3A_354 = arith.cmpi eq, %jit3A_353, %eq3A : i32
    %jit3A_355 = arith.constant 1 : i32
    %select_n3A_356 = arith.select %eq3A_354, %jit3A_355, %jit3A_353 : i32
    %rem3A_357 = arith.remsi %add3A_335, %select_n3A_356 : i32
    %ne3A_358 = arith.constant 0 : i32
    %ne3A_359 = arith.cmpi ne, %rem3A_357, %ne3A_358 : i32
    %lt3A = arith.constant 0 : i32
    %lt3A_360 = arith.cmpi slt, %rem3A_357, %lt3A : i32
    %lt3A_361 = arith.constant 0 : i32
    %lt3A_362 = arith.cmpi slt, %select_n3A_356, %lt3A_361 : i32
    %ne3A_363 = arith.xori %lt3A_360, %lt3A_362 : i1
    %and3A_364 = arith.andi %ne3A_363, %ne3A_359 : i1
    %add3A_365 = arith.addi %rem3A_357, %select_n3A_356 : i32
    %select_n3A_366 = arith.select %and3A_364, %add3A_365, %rem3A_357 : i32
    %mul3A_367 = arith.constant 128 : i32
    %mul3A_368 = arith.muli %mul3A_367, %select_n3A : i32
    %add3A_369 = arith.constant 0 : i32
    %add3A_370 = arith.addi %mul3A_368, %add3A_369 : i32
    %mul3A_371 = arith.constant 8 : i32
    %mul3A_372 = arith.muli %mul3A_371, %select_n3A_366 : i32
    %add3A_373 = arith.addi %add3A_370, %mul3A_372 : i32
    %mul3A_374 = arith.constant 1024 : i32
    %mul3A_375 = arith.muli %add3A_373, %mul3A_374 : i32
    %multiple_of3A_376 = tpu.assume_multiple %mul3A_375, 8192 : i32
    "tpu.region"() ({
      %run_scoped3A = tpu.sem_alloc : memref<!tpu.dma_semaphore, #tpu.memory_space<semaphore_mem>>
      %dma_start3A_407 = arith.constant 0 : i32
      %dma_start3A_408 = tpu.memref_slice %arg9[%dma_start3A_407] : memref<32768xf32, #tpu.memory_space<vmem>> -> memref<8192xf32, #tpu.memory_space<vmem>>
      %dma_start3A_409 = tpu.memref_slice %arg4[%multiple_of3A_376] : memref<26214400xf32, #tpu.memory_space<hbm>> -> memref<8192xf32, #tpu.memory_space<hbm>>
      %dma_start3A_410 = tpu.memref_slice %arg4[%multiple_of3A_376] : memref<26214400xf32, #tpu.memory_space<hbm>> -> memref<8192xf32, #tpu.memory_space<hbm>>
      %dma_start3A_411 = arith.constant 0 : i32
      %dma_start3A_412 = tpu.memref_slice %arg9[%dma_start3A_411] : memref<32768xf32, #tpu.memory_space<vmem>> -> memref<8192xf32, #tpu.memory_space<vmem>>
      tpu.enqueue_dma source(%dma_start3A_412 : memref<8192xf32, #tpu.memory_space<vmem>>) target(%dma_start3A_410 : memref<8192xf32, #tpu.memory_space<hbm>>) target_semaphore(%run_scoped3A : memref<!tpu.dma_semaphore, #tpu.memory_space<semaphore_mem>>)
      %dma_wait3A_413 = arith.constant 0 : i32
      %dma_wait3A_414 = tpu.memref_slice %arg9[%dma_wait3A_413] : memref<32768xf32, #tpu.memory_space<vmem>> -> memref<8192xf32, #tpu.memory_space<vmem>>
      %dma_wait3A_415 = tpu.memref_slice %arg4[%multiple_of3A_376] : memref<26214400xf32, #tpu.memory_space<hbm>> -> memref<8192xf32, #tpu.memory_space<hbm>>
      %dma_wait3A_416 = tpu.memref_slice %arg4[%multiple_of3A_376] : memref<26214400xf32, #tpu.memory_space<hbm>> -> memref<8192xf32, #tpu.memory_space<hbm>>
      %dma_wait3A_417 = arith.constant 0 : i32
      %dma_wait3A_418 = tpu.memref_slice %arg9[%dma_wait3A_417] : memref<32768xf32, #tpu.memory_space<vmem>> -> memref<8192xf32, #tpu.memory_space<vmem>>
      tpu.wait_dma2 semaphore(%run_scoped3A : memref<!tpu.dma_semaphore, #tpu.memory_space<semaphore_mem>>) src(%dma_wait3A_418 : memref<8192xf32, #tpu.memory_space<vmem>>) dst(%dma_wait3A_416 : memref<8192xf32, #tpu.memory_space<hbm>>)
      tpu.yield
    }) : () -> ()
    %mul3A_377 = arith.constant 128 : i32
    %mul3A_378 = arith.muli %mul3A_377, %select_n3A : i32
    %add3A_379 = arith.constant 32 : i32
    %add3A_380 = arith.addi %mul3A_378, %add3A_379 : i32
    %mul3A_381 = arith.constant 8 : i32
    %mul3A_382 = arith.muli %mul3A_381, %select_n3A_366 : i32
    %add3A_383 = arith.addi %add3A_380, %mul3A_382 : i32
    %mul3A_384 = arith.constant 1024 : i32
    %mul3A_385 = arith.muli %add3A_383, %mul3A_384 : i32
    %multiple_of3A_386 = tpu.assume_multiple %mul3A_385, 8192 : i32
    "tpu.region"() ({
      %run_scoped3A = tpu.sem_alloc : memref<!tpu.dma_semaphore, #tpu.memory_space<semaphore_mem>>
      %dma_start3A_407 = arith.constant 8192 : i32
      %dma_start3A_408 = tpu.memref_slice %arg9[%dma_start3A_407] : memref<32768xf32, #tpu.memory_space<vmem>> -> memref<8192xf32, #tpu.memory_space<vmem>>
      %dma_start3A_409 = tpu.memref_slice %arg4[%multiple_of3A_386] : memref<26214400xf32, #tpu.memory_space<hbm>> -> memref<8192xf32, #tpu.memory_space<hbm>>
      %dma_start3A_410 = tpu.memref_slice %arg4[%multiple_of3A_386] : memref<26214400xf32, #tpu.memory_space<hbm>> -> memref<8192xf32, #tpu.memory_space<hbm>>
      %dma_start3A_411 = arith.constant 8192 : i32
      %dma_start3A_412 = tpu.memref_slice %arg9[%dma_start3A_411] : memref<32768xf32, #tpu.memory_space<vmem>> -> memref<8192xf32, #tpu.memory_space<vmem>>
      tpu.enqueue_dma source(%dma_start3A_412 : memref<8192xf32, #tpu.memory_space<vmem>>) target(%dma_start3A_410 : memref<8192xf32, #tpu.memory_space<hbm>>) target_semaphore(%run_scoped3A : memref<!tpu.dma_semaphore, #tpu.memory_space<semaphore_mem>>)
      %dma_wait3A_413 = arith.constant 8192 : i32
      %dma_wait3A_414 = tpu.memref_slice %arg9[%dma_wait3A_413] : memref<32768xf32, #tpu.memory_space<vmem>> -> memref<8192xf32, #tpu.memory_space<vmem>>
      %dma_wait3A_415 = tpu.memref_slice %arg4[%multiple_of3A_386] : memref<26214400xf32, #tpu.memory_space<hbm>> -> memref<8192xf32, #tpu.memory_space<hbm>>
      %dma_wait3A_416 = tpu.memref_slice %arg4[%multiple_of3A_386] : memref<26214400xf32, #tpu.memory_space<hbm>> -> memref<8192xf32, #tpu.memory_space<hbm>>
      %dma_wait3A_417 = arith.constant 8192 : i32
      %dma_wait3A_418 = tpu.memref_slice %arg9[%dma_wait3A_417] : memref<32768xf32, #tpu.memory_space<vmem>> -> memref<8192xf32, #tpu.memory_space<vmem>>
      tpu.wait_dma2 semaphore(%run_scoped3A : memref<!tpu.dma_semaphore, #tpu.memory_space<semaphore_mem>>) src(%dma_wait3A_418 : memref<8192xf32, #tpu.memory_space<vmem>>) dst(%dma_wait3A_416 : memref<8192xf32, #tpu.memory_space<hbm>>)
      tpu.yield
    }) : () -> ()
    %mul3A_387 = arith.constant 128 : i32
    %mul3A_388 = arith.muli %mul3A_387, %select_n3A : i32
    %add3A_389 = arith.constant 64 : i32
    %add3A_390 = arith.addi %mul3A_388, %add3A_389 : i32
    %mul3A_391 = arith.constant 8 : i32
    %mul3A_392 = arith.muli %mul3A_391, %select_n3A_366 : i32
    %add3A_393 = arith.addi %add3A_390, %mul3A_392 : i32
    %mul3A_394 = arith.constant 1024 : i32
    %mul3A_395 = arith.muli %add3A_393, %mul3A_394 : i32
    %multiple_of3A_396 = tpu.assume_multiple %mul3A_395, 8192 : i32
    "tpu.region"() ({
      %run_scoped3A = tpu.sem_alloc : memref<!tpu.dma_semaphore, #tpu.memory_space<semaphore_mem>>
      %dma_start3A_407 = arith.constant 16384 : i32
      %dma_start3A_408 = tpu.memref_slice %arg9[%dma_start3A_407] : memref<32768xf32, #tpu.memory_space<vmem>> -> memref<8192xf32, #tpu.memory_space<vmem>>
      %dma_start3A_409 = tpu.memref_slice %arg4[%multiple_of3A_396] : memref<26214400xf32, #tpu.memory_space<hbm>> -> memref<8192xf32, #tpu.memory_space<hbm>>
      %dma_start3A_410 = tpu.memref_slice %arg4[%multiple_of3A_396] : memref<26214400xf32, #tpu.memory_space<hbm>> -> memref<8192xf32, #tpu.memory_space<hbm>>
      %dma_start3A_411 = arith.constant 16384 : i32
      %dma_start3A_412 = tpu.memref_slice %arg9[%dma_start3A_411] : memref<32768xf32, #tpu.memory_space<vmem>> -> memref<8192xf32, #tpu.memory_space<vmem>>
      tpu.enqueue_dma source(%dma_start3A_412 : memref<8192xf32, #tpu.memory_space<vmem>>) target(%dma_start3A_410 : memref<8192xf32, #tpu.memory_space<hbm>>) target_semaphore(%run_scoped3A : memref<!tpu.dma_semaphore, #tpu.memory_space<semaphore_mem>>)
      %dma_wait3A_413 = arith.constant 16384 : i32
      %dma_wait3A_414 = tpu.memref_slice %arg9[%dma_wait3A_413] : memref<32768xf32, #tpu.memory_space<vmem>> -> memref<8192xf32, #tpu.memory_space<vmem>>
      %dma_wait3A_415 = tpu.memref_slice %arg4[%multiple_of3A_396] : memref<26214400xf32, #tpu.memory_space<hbm>> -> memref<8192xf32, #tpu.memory_space<hbm>>
      %dma_wait3A_416 = tpu.memref_slice %arg4[%multiple_of3A_396] : memref<26214400xf32, #tpu.memory_space<hbm>> -> memref<8192xf32, #tpu.memory_space<hbm>>
      %dma_wait3A_417 = arith.constant 16384 : i32
      %dma_wait3A_418 = tpu.memref_slice %arg9[%dma_wait3A_417] : memref<32768xf32, #tpu.memory_space<vmem>> -> memref<8192xf32, #tpu.memory_space<vmem>>
      tpu.wait_dma2 semaphore(%run_scoped3A : memref<!tpu.dma_semaphore, #tpu.memory_space<semaphore_mem>>) src(%dma_wait3A_418 : memref<8192xf32, #tpu.memory_space<vmem>>) dst(%dma_wait3A_416 : memref<8192xf32, #tpu.memory_space<hbm>>)
      tpu.yield
    }) : () -> ()
    %mul3A_397 = arith.constant 128 : i32
    %mul3A_398 = arith.muli %mul3A_397, %select_n3A : i32
    %add3A_399 = arith.constant 96 : i32
    %add3A_400 = arith.addi %mul3A_398, %add3A_399 : i32
    %mul3A_401 = arith.constant 8 : i32
    %mul3A_402 = arith.muli %mul3A_401, %select_n3A_366 : i32
    %add3A_403 = arith.addi %add3A_400, %mul3A_402 : i32
    %mul3A_404 = arith.constant 1024 : i32
    %mul3A_405 = arith.muli %add3A_403, %mul3A_404 : i32
    %multiple_of3A_406 = tpu.assume_multiple %mul3A_405, 8192 : i32
    "tpu.region"() ({
      %run_scoped3A = tpu.sem_alloc : memref<!tpu.dma_semaphore, #tpu.memory_space<semaphore_mem>>
      %dma_start3A_407 = arith.constant 24576 : i32
      %dma_start3A_408 = tpu.memref_slice %arg9[%dma_start3A_407] : memref<32768xf32, #tpu.memory_space<vmem>> -> memref<8192xf32, #tpu.memory_space<vmem>>
      %dma_start3A_409 = tpu.memref_slice %arg4[%multiple_of3A_406] : memref<26214400xf32, #tpu.memory_space<hbm>> -> memref<8192xf32, #tpu.memory_space<hbm>>
      %dma_start3A_410 = tpu.memref_slice %arg4[%multiple_of3A_406] : memref<26214400xf32, #tpu.memory_space<hbm>> -> memref<8192xf32, #tpu.memory_space<hbm>>
      %dma_start3A_411 = arith.constant 24576 : i32
      %dma_start3A_412 = tpu.memref_slice %arg9[%dma_start3A_411] : memref<32768xf32, #tpu.memory_space<vmem>> -> memref<8192xf32, #tpu.memory_space<vmem>>
      tpu.enqueue_dma source(%dma_start3A_412 : memref<8192xf32, #tpu.memory_space<vmem>>) target(%dma_start3A_410 : memref<8192xf32, #tpu.memory_space<hbm>>) target_semaphore(%run_scoped3A : memref<!tpu.dma_semaphore, #tpu.memory_space<semaphore_mem>>)
      %dma_wait3A_413 = arith.constant 24576 : i32
      %dma_wait3A_414 = tpu.memref_slice %arg9[%dma_wait3A_413] : memref<32768xf32, #tpu.memory_space<vmem>> -> memref<8192xf32, #tpu.memory_space<vmem>>
      %dma_wait3A_415 = tpu.memref_slice %arg4[%multiple_of3A_406] : memref<26214400xf32, #tpu.memory_space<hbm>> -> memref<8192xf32, #tpu.memory_space<hbm>>
      %dma_wait3A_416 = tpu.memref_slice %arg4[%multiple_of3A_406] : memref<26214400xf32, #tpu.memory_space<hbm>> -> memref<8192xf32, #tpu.memory_space<hbm>>
      %dma_wait3A_417 = arith.constant 24576 : i32
      %dma_wait3A_418 = tpu.memref_slice %arg9[%dma_wait3A_417] : memref<32768xf32, #tpu.memory_space<vmem>> -> memref<8192xf32, #tpu.memory_space<vmem>>
      tpu.wait_dma2 semaphore(%run_scoped3A : memref<!tpu.dma_semaphore, #tpu.memory_space<semaphore_mem>>) src(%dma_wait3A_418 : memref<8192xf32, #tpu.memory_space<vmem>>) dst(%dma_wait3A_416 : memref<8192xf32, #tpu.memory_space<hbm>>)
      tpu.yield
    }) : () -> ()
    return
  }
}

</mosaic_0001>

<sc_bundles>
// kernel: kernel.3.cloned.1.call-start
scs
__scs_entry_jumppad:
0x0: {  	(pc) =	sbr.rel $0x88, $3  }
0x1: {  	(tag) =	ssettag $0x0;
	lr =	simm.s32 $0x1  }
0x2: {  	[smem:$0x3F9F] =	sst lr;
	_ =	strace $0xD0000000  }
0x3: {  	_ = 	snop  }
0x4: {  	_ = 	snop  }
0x5: {  	_ = 	snop  }
0x6: {  	_ = 	snop  }
0x7: {  	_ = 	snop  }
__scs_overlays_trampoline_lowered:
0x8: {  	[smem:$0x3FAE] =	sst s0  }
0x9: {  	[smem:$0x3FAF] =	sst s1  }
0xa: {  	[smem:$0x3FB0] =	sst s2  }
0xb: {  	[smem:$0x3FB1] =	sst s3  }
0xc: {  	[smem:$0x3FB2] =	sst s4  }
0xd: {  	[smem:$0x3FB3] =	sst s5  }
0xe: {  	[smem:$0x3FB4] =	sst s6  }
0xf: {  	[smem:$0x3FB5] =	sst s7  }
0x10: {  	[smem:$0x3FB6] =	sst s8  }
0x11: {  	[smem:$0x3FB7] =	sst s9;
	s0 =	simm.s32 @!p0 $0x0  }
0x12: {  	s1 =	sld [smem:$0x3F9D];
	s0 =	simm.s32 @p0 $0x1  }
0x13: {  	[smem:$0x3FB8] =	sst s0;
	s0 =	simm.s32 @!p1 $0x0  }
0x14: {  	s2 =	sld [smem:$0x3F9C];
	s0 =	simm.s32 @p1 $0x1  }
0x15: {  	[smem:$0x3FB9] =	sst s0;
	s0 =	simm.s32 @!p2 $0x0  }
0x16: {  	s3 =	sld [smem:$0x3FDB];
	s0 =	simm.s32 @p2 $0x1  }
0x17: {  	s4 =	simm.s32 $0x1BF5;
	[smem:$0x3FBB] =	sst s0  }
0x18: {  	s0 =	sld [smem:$0x3F9E];
	_ =	swait.ge [sflag:s4], $0x0  }
0x19: {  	s7 =	sld [smem:$0x3F9F]  }
0x1a: {  	s8 =	sadd.s32 $0xFFFFE003, lr  }
0x1b: {  	s9 =	sadd.s32 $0xFFFFFEF7, lr;
	s5 =	simm.s32 $0xFFFFFFFF;
	p2 =	slt.u32 s8, $0xFFFFF086  }
0x1c: {  	p1 =	slt.u32 s9, $0xF7A;
	s5 =	simm.s32 @!p2 $0x0  }
0x1d: {  	s5 =	simm.s32 @p1 $0x1;
	p0 =	seq.s32 s7, s2  }
0x1e: {  	s7 =	smul.u32 @!p0 $0xF7A, s2;
	p2 =	seq.s32 @!p0 s5, $0x0  }
0x1f: {  	s9 =	smul.u32 $0xF7A, s1;
	s8 =	simm.s32 @!p0 $0x1BF5;
	p2 =	por !p2, p0  }
0x20: {  	[sflag:s8] =	ssyncset.s32 @!p0 $0xFFFFF086;
	s6 =	sadd.s32 @!p0 s3, s7;
	s7 =	simm.s32 @!p0 $0x108  }
0x21: {  	s3 =	sadd.s32 s3, s9;
	s6 =	sadd.s32 @!p0 $0x88, s6;
	s7 =	simm.s32 @p2 $0x1082  }
0x22: {  	[simem:s7], [sflag:s8] =	dma.local @!p0 [hbm:s6], $0xF7A  }
0x23: {  	s9 =	sor.u32 $0xD0000000, s2;
	s6 =	simm.s32 $0x108;
	_ =	swait.ge @!p0 [sflag:s8], $0x0  }
0x24: {  	s3 =	sadd.s32 $0x88, s3;
	s6 =	simm.s32 @!p1 $0x1082;
	[sflag:s4] =	ssyncset.s32 $0xFFFFF086  }
0x25: {  	[simem:s6], [sflag:s4] =	dma.local [hbm:s3], $0xF7A  }
0x26: {  	[smem:$0x3F9F] =	sst s1;
	(tag) =	ssettag s2;
	_ =	strace s9  }
0x27: {  	s1 =	sld [smem:$0x3FAF]  }
0x28: {  	s2 =	sld [smem:$0x3FB0]  }
0x29: {  	s4 =	sld [smem:$0x3FB2]  }
0x2a: {  	p0 =	seq.s32 s5, $0x0;
	s5 =	sld [smem:$0x3FB3]  }
0x2b: {  	s6 =	sld [smem:$0x3FB4]  }
0x2c: {  	s7 =	sld [smem:$0x3FB5]  }
0x2d: {  	s3 =	simm.s32 $0x108;
	s8 =	sld [smem:$0x3FB6]  }
0x2e: {  	s3 =	simm.s32 @!p0 $0x1082;
	s9 =	sld [smem:$0x3FB7]  }
0x2f: {  	lr =	sadd.s32 s0, s3;
	s0 =	sld [smem:$0x3FAE]  }
0x30: {  	s3 =	sld [smem:$0x3FB1]  }
0x31: {  	[smem:$0x3FBA] =	sst s10  }
0x32: {  	s10 =	sld [smem:$0x3FB8];
	_ =	sdelay $0x3  }
0x33: {  	p0 =	seq.s32 s10, $0x1;
	s10 =	sld [smem:$0x3FBA];
	_ =	sdelay $0x3  }
0x34: {  	[smem:$0x3FBA] =	sst s10  }
0x35: {  	s10 =	sld [smem:$0x3FB9];
	_ =	sdelay $0x3  }
0x36: {  	p1 =	seq.s32 s10, $0x1;
	s10 =	sld [smem:$0x3FBA];
	_ =	sdelay $0x3  }
0x37: {  	[smem:$0x3FBA] =	sst s10  }
0x38: {  	s10 =	sld [smem:$0x3FBB]  }
0x39: {  	_ = 	snop;
	(pc) =	sbr.ind lr, $3  }
0x3a: {  	_ = 	snop  }
0x3b: {  	_ = 	snop  }
0x3c: {  	p2 =	seq.s32 s10, $0x1;
	s10 =	sld [smem:$0x3FBA]  }
0x3d: {  	_ =	shalt  }
0x3e: {  	_ =	shalt  }
0x3f: {  	_ =	shalt  }
0x40: {  	_ =	shalt  }
0x41: {  	_ =	shalt  }
0x42: {  	_ =	shalt  }
0x43: {  	_ =	shalt  }
0x44: {  	_ =	shalt  }
0x45: {  	_ =	shalt  }
0x46: {  	_ =	shalt  }
0x47: {  	_ =	shalt  }
0x48: {  	_ =	shalt  }
0x49: {  	_ =	shalt  }
0x4a: {  	_ =	shalt  }
0x4b: {  	_ =	shalt  }
0x4c: {  	_ =	shalt  }
0x4d: {  	_ =	shalt  }
0x4e: {  	_ =	shalt  }
0x4f: {  	_ =	shalt  }
0x50: {  	_ =	shalt  }
0x51: {  	_ =	shalt  }
0x52: {  	_ =	shalt  }
0x53: {  	_ =	shalt  }
0x54: {  	_ =	shalt  }
0x55: {  	_ =	shalt  }
0x56: {  	_ =	shalt  }
0x57: {  	_ =	shalt  }
0x58: {  	_ =	shalt  }
0x59: {  	_ =	shalt  }
0x5a: {  	_ =	shalt  }
0x5b: {  	_ =	shalt  }
0x5c: {  	_ =	shalt  }
0x5d: {  	_ =	shalt  }
0x5e: {  	_ =	shalt  }
0x5f: {  	_ =	shalt  }
0x60: {  	_ =	shalt  }
0x61: {  	_ =	shalt  }
0x62: {  	_ =	shalt  }
0x63: {  	_ =	shalt  }
0x64: {  	_ =	shalt  }
0x65: {  	_ =	shalt  }
0x66: {  	_ =	shalt  }
0x67: {  	_ =	shalt  }
0x68: {  	_ =	shalt  }
0x69: {  	_ =	shalt  }
0x6a: {  	_ =	shalt  }
0x6b: {  	_ =	shalt  }
0x6c: {  	_ =	shalt  }
0x6d: {  	_ =	shalt  }
0x6e: {  	_ =	shalt  }
0x6f: {  	_ =	shalt  }
0x70: {  	_ =	shalt  }
0x71: {  	_ =	shalt  }
0x72: {  	_ =	shalt  }
0x73: {  	_ =	shalt  }
0x74: {  	_ =	shalt  }
0x75: {  	_ =	shalt  }
0x76: {  	_ =	shalt  }
0x77: {  	_ =	shalt  }
0x78: {  	_ =	shalt  }
0x79: {  	_ =	shalt  }
0x7a: {  	_ =	shalt  }
0x7b: {  	_ =	shalt  }
0x7c: {  	_ =	shalt  }
0x7d: {  	_ =	shalt  }
0x7e: {  	_ =	shalt  }
0x7f: {  	_ =	shalt  }
0x80: {  	_ =	shalt  }
0x81: {  	_ =	shalt  }
0x82: {  	_ =	shalt  }
0x83: {  	_ =	shalt  }
0x84: {  	_ =	shalt  }
0x85: {  	_ =	shalt  }
0x86: {  	_ =	shalt  }
0x87: {  	_ =	shalt  }
.Lfunc_end0:
.L_simem_size_0:
called_computation_lowered:
.L_overlay_start_0:
0x88: {  	s2 =	sld [smem:$0x3FD9]  }
0x89: {  	s3 =	sld [smem:$0x3FFE];
	_ =	sdelay $0x1  }
0x8a: {  	s1 =	srdreg.scid  }
0x8b: {  	s0 =	sand.u32 $0x1, s1  }
0x8c: {  	s17 =	sshll.u32 s0, $0xA;
	s2 =	sadd.s32 s3, s2  }
0x8d: {  	s2 =	sadd.s32 s2, s17  }
0x8e: {  	[smem:$0x3FC6] =	sst s2  }
0x8f: {  	_ = 	snop  }
0x90: {  	s2 =	sld [smem:$0x3FD0];
	(tm) =	ssettm $0x1  }
0x91: {  	s18 =	sld [smem:$0x3FFB];
	_ =	sdelay $0x3  }
0x92: {  	_ =	strace s18  }
0x93: {  	s3 =	sld [smem:$0x3FFC];
	_ =	sdelay $0x3  }
0x94: {  	_ =	strace s3  }
0x95: {  	s3 =	sld [smem:$0x3FFD];
	_ =	sdelay $0x3  }
0x96: {  	_ =	strace s3  }
0x97: {  	_ =	strace $0x8FFFFFFF  }
0x98: {  	s19 =	sld [smem:$0x3FDB];
	_ =	sdelay $0x1  }
0x99: {  	s4 =	simm.s32 $_scs_section_size  }
0x9a: {  	s5 =	simm.s32 $_size__tile_overlayer_lowered;
	s6 =	simm.s32 $_tile_overlayer_lowered  }
0x9b: {  	s22 =	simm.s32 $0x1BFF;
	s21 =	sshll.u32 s6, $0x1;
	s3 =	sadd.s32 s4, s19  }
0x9c: {  	s7 =	simm.s32 $0x0;
	s20 =	sshll.u32 s5, $0x1;
	s5 =	sadd.s32 s21, s3  }
0x9d: {  	[timem:s7], [sflag:s22] =	dma.local [hbm:s5], s20  }
0x9e: {  	_ =	swait.ge [sflag:s22], s20  }
0x9f: {  	s4 =	ssub.s32 $0x0, s20;
	[sflag:s22] =	ssyncset.done $0x0  }
0xa0: {  	[sflag:s22] =	ssyncadd.s32 s4;
	_ =	sdelay $0x1  }
0xa1: {  	s23 =	simm.s32 $0x1B8B  }
0xa2: {  	_ =	swait.ge [sflag:s23], $0x1  }
0xa3: {  	[sflag:s23] =	ssyncset.done $0x0  }
0xa4: {  	s25 =	simm.s32 $0x1B8E;
	s24 =	sld [smem:$0x3FFE];
	[sflag:s23] =	ssyncadd.s32 $0xFFFFFFFF  }
0xa5: {  	s26 =	simm.s32 $execute0_lowered;
	[smem:$0x3FD2] =	sst s25  }
0xa6: {  	s5 =	sshll.u32 s26, $0x1;
	_ =	strace $0x80000046;
	[dreg:$0x1] =	wrdreg $0xFFFFFFFF  }
0xa7: {  	s28 =	simm.s32 $_size_execute0_lowered;
	s3 =	sadd.s32 s3, s5;
	[dreg:$0x0] =	wrdreg $0x0  }
0xa8: {  	s5 =	sshll.u32 s28, $0x1;
	[dreg:$0x2] =	wrdreg s3  }
0xa9: {  	[dreg:$0x3] =	wrdreg s5  }
0xaa: {  	[dreg:$0x4] =	wrdreg $0xC0  }
0xab: {  	_ =	task [dreg:s7], $0x5FFFF  }
0xac: {  	[dreg:$0x1] =	wrdreg $0xFFFFFFFF  }
0xad: {  	[dreg:$0x0] =	wrdreg $0x60  }
0xae: {  	[dreg:$0x2] =	wrdreg s24  }
0xaf: {  	[dreg:$0x3] =	wrdreg s2  }
0xb0: {  	[dreg:$0x4] =	wrdreg $0x9  }
0xb1: {  	_ =	task.clear_ibuf [dreg:s7], $0x5FFFF;
	_ =	strace $0x90000046  }
0xb2: {  	s29 =	simm.s32 $0x9;
	_ =	strace $0x80000048  }
0xb3: {  	_ =	swait.ge [sflag:s29], $0x1  }
0xb4: {  	[sflag:s29] =	ssyncadd.s32 $0xFFFFFFFF  }
0xb5: {  	_ =	strace $0x90000048  }
0xb6: {  	_ =	sfence  }
0xb7: {  	s30 =	sld [smem:$0x0];
	_ =	sdelay $0x2  }
0xb8: {  	s31 =	sshll.u32 s1, $0xD;
	s1 =	sshrl.u32 s1, $0x2  }
0xb9: {  	s3 =	sand.u32 $0x4000, s31;
	s1 =	sadd.s32 s1, s30  }
0xba: {  	s0 =	sor.u32 s3, s0;
	s1 =	sshll.u32 s1, $0x11  }
0xbb: {  	s0 =	sor.u32 s1, s0  }
0xbc: {  	s0 =	sadd.s32 $0x8F2B, s0  }
0xbd: {  	[sflag:s0] =	ssyncadd.remote.s32 $0x1  }
0xbe: {  	_ =	sfence.sel $0xFFFF  }
0xbf: {  	[dreg:$0x0] =	wrdreg $0xFFFFFFFF;
	(pc) =	sbr.abs _section_cstart, $3  }
0xc0: {  	[dreg:$0x1] =	wrdreg $0xFFFFFFFF  }
0xc1: {  	_ =	task.clear_ibuf [dreg:s7], $0x2FFFF;
	_ =	strace $0x9FFFFFFF  }
0xc2: {  	(tm) =	ssettm $0x7FFFFFFF  }
0xc3: {  	_ =	shalt  }
tec
execute0_lowered:
.L_overlay_start_1:
0x0: {  	(tag) =	ssettag $0x1  }
0x1: {  	v0 =	vimm.s32 $0x238F  }
0x2: {  	vm15 =	vcmask $0x300;
	vm14 =	vcmask $0x704;
	vm13 =	vcmask $0xB08  }
0x3: {  	vm12 =	vcmask $0xF0C;
	vm11 =	vcmask $0x1310;
	vm10 =	vcmask $0x1714  }
0x4: {  	vm9 =	vcmask $0x1B18;
	vm8 =	vcmask $0x1F1C;
	vm7 =	vcmask $0x2320  }
0x5: {  	vm5 =	vcmask $0x2724;
	vm4 =	vcmask $0x2B28;
	v1 =	vimm.s32 $0xF  }
0x6: {  	vm3 =	vcmask $0x2F2C;
	vm2 =	vcmask $0x3330;
	vm1 =	vcmask $0x3734  }
0x7: {  	v2 =	vimm.s32 $0xFEDCBA9;
	v3 =	vimm.s32 $0x87654321;
	v5 =	vimm.s32 $0x8F  }
0x8: {  	vm6 =	vcmask $0x3B38;
	v6 =	vimm.s32 $0x210FEDCB;
	v7 =	vimm.s32 $0xA9876543  }
0x9: {  	v44 =	vimm.s32 $0x18F;
	v48 =	vimm.s32 $0x3210FEDC;
	v9 =	vimm.s32 $0xBA987654  }
0xa: {  	v49 =	vimm.s32 $0x20F;
	v52 =	vimm.s32 $0x43210FED;
	v11 =	vimm.s32 $0xCBA98765  }
0xb: {  	v12 =	vimm.s32 $0x28F;
	v13 =	vimm.s32 $0x30F;
	v0 =	vsel vm15, $0x0, v0  }
0xc: {  	v14 =	vimm.s32 $0xDCBA9876;
	v58 =	vimm.s32 $0x6543210F;
	v0 =	vsel vm14, $0x81, v0  }
0xd: {  	v59 =	vimm.s32 $0xEDCBA987;
	v16 =	vimm.s32 $0x38F;
	v0 =	vsel vm13, $0x102, v0  }
0xe: {  	v17 =	vimm.s32 $0x76543210;
	v1 =	vsel vm15, $0x80, v1;
	v0 =	vsel vm12, $0x183, v0  }
0xf: {  	v2 =	vunpack.c.l.s4.s8 v2;
	v3 =	vunpack.c.l.s4.s8 v3;
	v0 =	vsel vm11, $0x204, v0  }
0x10: {  	v6 =	vunpack.c.l.s4.s8 v6;
	v7 =	vunpack.c.l.s4.s8 v7;
	v0 =	vsel vm10, $0x285, v0  }
0x11: {  	v9 =	vunpack.c.l.s4.s8 v9;
	v11 =	vunpack.c.l.s4.s8 v11;
	v0 =	vsel vm9, $0x306, v0  }
0x12: {  	v53 =	vsel vm15, $0x300, v12;
	v13 =	vsel vm15, $0x380, v13;
	v0 =	vsel vm8, $0x387, v0  }
0x13: {  	v14 =	vunpack.c.l.s4.s8 v14;
	v1 =	vsel vm14, $0x101, v1;
	v0 =	vsel vm7, $0x2008, v0  }
0x14: {  	v63 =	vsel vm15, $0x2000, v16;
	v1 =	vsel vm13, $0x182, v1;
	v0 =	vsel vm5, $0x2089, v0  }
0x15: {  	v21 =	vunpack.c.0.s8.s32 v6;
	v22 =	vunpack.c.0.s8.s32 v7;
	v0 =	vsel vm4, $0x210A, v0  }
0x16: {  	v6 =	vsel vm15, $0x200, v44;
	v1 =	vsel vm12, $0x203, v1;
	v0 =	vsel vm3, $0x218B, v0  }
0x17: {  	v24 =	vunpack.c.0.s8.s32 v9;
	v1 =	vsel vm11, $0x284, v1;
	v0 =	vsel vm2, $0x220C, v0  }
0x18: {  	v1 =	vsel vm10, $0x305, v1;
	v4 =	vsel vm1, $0x228D, v0;
	v0 =	vunpack.c.0.s8.s32 v2  }
0x19: {  	v2 =	vsel vm9, $0x386, v1;
	v1 =	vunpack.c.0.s8.s32 v3;
	v3 =	vsel vm15, $0x100, v5  }
0x1a: {  	v46 =	vsel vm14, $0x281, v6;
	v2 =	vsel vm8, $0x2007, v2;
	v3 =	vsel vm14, $0x181, v3  }
0x1b: {  	v2 =	vsel vm7, $0x2088, v2;
	v5 =	vcombine.low v1, v0;
	v3 =	vsel vm13, $0x202, v3  }
0x1c: {  	v4 =	vsel vm6, $0x230E, v4;
	v2 =	vsel vm5, $0x2109, v2;
	v3 =	vsel vm12, $0x283, v3  }
0x1d: {  	[tilespmem:$0x1FB90] =	vst v4;
	v2 =	vsel vm4, $0x218A, v2;
	v4 =	vand.u32 $0xF, v5;
	v3 =	vsel vm11, $0x304, v3  }
0x1e: {  	v5 =	vimm.s32 $0x98765432;
	[tilespmem:$0x1FBA0] =	vst v4;
	v2 =	vsel vm3, $0x220B, v2;
	v4 =	vimm.s32 $0x10FEDCBA  }
0x1f: {  	v3 =	vsel vm10, $0x385, v3;
	v2 =	vsel vm2, $0x228C, v2;
	v4 =	vunpack.c.l.s4.s8 v4  }
0x20: {  	v5 =	vunpack.c.l.s4.s8 v5;
	v3 =	vsel vm9, $0x2006, v3;
	v2 =	vsel vm1, $0x230D, v2  }
0x21: {  	v3 =	vsel vm8, $0x2087, v3;
	v19 =	vunpack.c.0.s8.s32 v4;
	v4 =	vimm.s32 $0x10F  }
0x22: {  	v20 =	vunpack.c.0.s8.s32 v5;
	v3 =	vsel vm7, $0x2108, v3;
	v4 =	vsel vm15, $0x180, v4  }
0x23: {  	v2 =	vsel vm6, $0x238E, v2;
	v5 =	vsel vm5, $0x2189, v3;
	v4 =	vsel vm14, $0x201, v4  }
0x24: {  	[tilespmem:$0x1FBB0] =	vst v2;
	v2 =	vsel vm4, $0x220A, v5;
	v5 =	vcombine.low v20, v19;
	v4 =	vsel vm13, $0x282, v4  }
0x25: {  	v7 =	vcombine.low v22, v21;
	v2 =	vsel vm3, $0x228B, v2;
	v4 =	vsel vm12, $0x303, v4  }
0x26: {  	v2 =	vsel vm2, $0x230C, v2;
	v8 =	vsel vm11, $0x384, v4;
	v4 =	vand.u32 $0xF, v5  }
0x27: {  	v2 =	vsel vm1, $0x238D, v2;
	v5 =	vsel vm10, $0x2005, v8;
	v8 =	vunpack.c.l.s4.s8 v48  }
0x28: {  	v47 =	vsel vm13, $0x302, v46;
	[tilespmem:$0x1FBC0] =	vst v4;
	v4 =	vsel vm6, $0xE, v2;
	v5 =	vsel vm9, $0x2086, v5  }
0x29: {  	v5 =	vsel vm8, $0x2107, v5;
	v23 =	vunpack.c.0.s8.s32 v8;
	v8 =	vsel vm15, $0x280, v49  }
0x2a: {  	v45 =	vsel vm7, $0x2188, v5;
	v5 =	vand.u32 $0xF, v7;
	v7 =	vsel vm12, $0x383, v47  }
0x2b: {  	v8 =	vsel vm14, $0x301, v8;
	v2 =	vsel vm5, $0x2209, v45;
	v7 =	vsel vm11, $0x2004, v7  }
0x2c: {  	v9 =	vcombine.low v24, v23;
	v2 =	vsel vm4, $0x228A, v2;
	v7 =	vsel vm10, $0x2085, v7  }
0x2d: {  	v8 =	vsel vm13, $0x382, v8;
	v2 =	vsel vm3, $0x230B, v2;
	v7 =	vsel vm9, $0x2106, v7  }
0x2e: {  	v50 =	vsel vm12, $0x2003, v8;
	v2 =	vsel vm2, $0x238C, v2;
	v7 =	vsel vm8, $0x2187, v7  }
0x2f: {  	v51 =	vsel vm11, $0x2084, v50;
	v2 =	vsel vm1, $0xD, v2;
	v7 =	vsel vm7, $0x2208, v7  }
0x30: {  	v10 =	vsel vm5, $0x2289, v7;
	v7 =	vand.u32 $0xF, v9;
	v9 =	vsel vm10, $0x2105, v51  }
0x31: {  	v13 =	vsel vm14, $0x2001, v13;
	v6 =	vsel vm6, $0x8E, v2;
	v9 =	vsel vm9, $0x2186, v9  }
0x32: {  	v2 =	vsel vm4, $0x230A, v10;
	v10 =	vunpack.c.l.s4.s8 v52;
	v9 =	vsel vm8, $0x2207, v9  }
0x33: {  	v57 =	vsel vm13, $0x2082, v13;
	v2 =	vsel vm3, $0x238B, v2;
	v9 =	vsel vm7, $0x2288, v9  }
0x34: {  	v26 =	vunpack.c.0.s8.s32 v10;
	v10 =	vsel vm14, $0x381, v53;
	v9 =	vsel vm5, $0x2309, v9  }
0x35: {  	v2 =	vsel vm2, $0xC, v2;
	v10 =	vsel vm13, $0x2002, v10;
	v9 =	vsel vm4, $0x238A, v9  }
0x36: {  	v2 =	vsel vm1, $0x8D, v2;
	v10 =	vsel vm12, $0x2083, v10;
	v54 =	vsel vm3, $0xB, v9  }
0x37: {  	v8 =	vsel vm6, $0x10E, v2;
	v55 =	vsel vm11, $0x2104, v10;
	v2 =	vsel vm2, $0x8C, v54  }
0x38: {  	v31 =	vunpack.c.0.s8.s32 v14;
	v12 =	vsel vm10, $0x2185, v55;
	v2 =	vsel vm1, $0x10D, v2  }
0x39: {  	v13 =	vunpack.c.l.s4.s8 v58;
	v12 =	vsel vm9, $0x2206, v12;
	v2 =	vsel vm6, $0x18E, v2  }
0x3a: {  	v14 =	vunpack.c.l.s4.s8 v59;
	v12 =	vsel vm8, $0x2287, v12;
	[tilespmem:$0x1FBE0] =	vst v2;
	v2 =	vimm.s32 $0x543210FE  }
0x3b: {  	v17 =	vunpack.c.l.s4.s8 v17;
	v12 =	vsel vm7, $0x2308, v12;
	v2 =	vunpack.c.l.s4.s8 v2  }
0x3c: {  	v29 =	vunpack.c.0.s8.s32 v13;
	v30 =	vunpack.c.0.s8.s32 v14;
	v12 =	vsel vm5, $0x2389, v12  }
0x3d: {  	v28 =	vunpack.c.0.s8.s32 v2;
	v2 =	vsel vm4, $0xA, v12;
	v12 =	vsel vm12, $0x2103, v57  }
0x3e: {  	v27 =	vunpack.c.0.s8.s32 v11;
	v17 =	vunpack.c.0.s8.s32 v17;
	v12 =	vsel vm11, $0x2184, v12  }
0x3f: {  	v14 =	vcombine.low v30, v29;
	v0 =	vcombine.low v0, v1;
	v12 =	vsel vm10, $0x2205, v12  }
0x40: {  	v11 =	vcombine.low v27, v26;
	v2 =	vsel vm3, $0x8B, v2;
	v12 =	vsel vm9, $0x2286, v12  }
0x41: {  	v9 =	vand.u32 $0xF, v14;
	v2 =	vsel vm2, $0x10C, v2;
	v60 =	vsel vm8, $0x2307, v12  }
0x42: {  	v15 =	vcombine.low v31, v28;
	v2 =	vsel vm1, $0x18D, v2;
	v13 =	vsel vm7, $0x2388, v60  }
0x43: {  	v10 =	vimm.s32 $0xFEDCBA98;
	v2 =	vsel vm6, $0x20E, v2;
	v62 =	vsel vm5, $0x9, v13  }
0x44: {  	v61 =	vand.u32 $0xF, v15;
	v15 =	vsel vm14, $0x2081, v63;
	[tilespmem:$0x1FC00] =	vst v2;
	v2 =	vsel vm4, $0x8A, v62  }
0x45: {  	v56 =	vand.u32 $0xF, v11;
	v15 =	vsel vm13, $0x2102, v15;
	v2 =	vsel vm3, $0x10B, v2  }
0x46: {  	v16 =	vunpack.c.l.s4.s8 v10;
	v15 =	vsel vm12, $0x2183, v15;
	v2 =	vsel vm2, $0x18C, v2  }
0x47: {  	v12 =	vimm.s32 $0x200F;
	v18 =	vsel vm11, $0x2204, v15;
	v2 =	vsel vm1, $0x20D, v2  }
0x48: {  	v11 =	vsel vm10, $0x2285, v18;
	v10 =	vsel vm6, $0x28E, v2;
	v2 =	vunpack.c.0.s8.s32 v16  }
0x49: {  	v14 =	vimm.s32 $0x208F;
	v18 =	vsel vm15, $0x2080, v12;
	v16 =	vsel vm9, $0x2306, v11  }
0x4a: {  	v13 =	vsel vm14, $0x2101, v18;
	v25 =	vsel vm8, $0x2387, v16;
	v2 =	vand.u32 $0xF, v2  }
0x4b: {  	v11 =	vcombine.low v2, v17;
	v2 =	vsel vm7, $0x8, v25;
	v17 =	vsel vm13, $0x2182, v13  }
0x4c: {  	v18 =	vsel vm15, $0x2100, v14;
	v2 =	vsel vm5, $0x89, v2;
	v17 =	vsel vm12, $0x2203, v17  }
0x4d: {  	v18 =	vsel vm14, $0x2181, v18;
	v2 =	vsel vm4, $0x10A, v2;
	v17 =	vsel vm11, $0x2284, v17  }
0x4e: {  	v18 =	vsel vm13, $0x2202, v18;
	v2 =	vsel vm3, $0x18B, v2;
	v17 =	vsel vm10, $0x2305, v17  }
0x4f: {  	v18 =	vsel vm12, $0x2283, v18;
	v2 =	vsel vm2, $0x20C, v2;
	v17 =	vsel vm9, $0x2386, v17  }
0x50: {  	v18 =	vsel vm11, $0x2304, v18;
	v2 =	vsel vm1, $0x28D, v2;
	v1 =	vsel vm8, $0x7, v17  }
0x51: {  	v12 =	vsel vm6, $0x30E, v2;
	v1 =	vsel vm7, $0x88, v1;
	v2 =	vsel vm10, $0x2385, v18  }
0x52: {  	v13 =	vand.u32 $0xF, v0;
	v0 =	vsel vm5, $0x109, v1;
	v1 =	vsel vm9, $0x6, v2  }
0x53: {  	v2 =	vimm.s32 $0x210F;
	v1 =	vsel vm8, $0x87, v1  }
0x54: {  	v0 =	vsel vm4, $0x18A, v0;
	v2 =	vsel vm15, $0x2180, v2;
	v1 =	vsel vm7, $0x108, v1  }
0x55: {  	v0 =	vsel vm3, $0x20B, v0;
	v2 =	vsel vm14, $0x2201, v2;
	v1 =	vsel vm5, $0x189, v1  }
0x56: {  	v0 =	vsel vm2, $0x28C, v0;
	v2 =	vsel vm13, $0x2282, v2;
	v1 =	vsel vm4, $0x20A, v1  }
0x57: {  	v0 =	vsel vm1, $0x30D, v0;
	v2 =	vsel vm12, $0x2303, v2;
	v1 =	vsel vm3, $0x28B, v1  }
0x58: {  	v14 =	vsel vm6, $0x38E, v0;
	v0 =	vsel vm2, $0x30C, v1;
	v1 =	vsel vm11, $0x2384, v2  }
0x59: {  	v20 =	vcombine.low v19, v20;
	v19 =	vimm.s32 $0x218F;
	v1 =	vsel vm10, $0x5, v1  }
0x5a: {  	v2 =	vcombine.low v21, v22;
	v0 =	vsel vm1, $0x38D, v0;
	v1 =	vsel vm9, $0x86, v1  }
0x5b: {  	v25 =	vsel vm6, $0x200E, v0;
	v0 =	vsel vm8, $0x107, v1;
	v1 =	vsel vm15, $0x2200, v19  }
0x5c: {  	v1 =	vsel vm14, $0x2281, v1  }
0x5d: {  	v16 =	vand.u32 $0xF, v2;
	v0 =	vsel vm7, $0x188, v0;
	v1 =	vsel vm13, $0x2302, v1  }
0x5e: {  	v2 =	vimm.s32 $0x220F;
	v0 =	vsel vm5, $0x209, v0;
	v1 =	vsel vm12, $0x2383, v1  }
0x5f: {  	v2 =	vsel vm15, $0x2280, v2;
	v0 =	vsel vm4, $0x28A, v0;
	v1 =	vsel vm11, $0x4, v1  }
0x60: {  	v2 =	vsel vm14, $0x2301, v2;
	v0 =	vsel vm3, $0x30B, v0;
	v1 =	vsel vm10, $0x85, v1  }
0x61: {  	v2 =	vsel vm13, $0x2382, v2;
	v0 =	vsel vm2, $0x38C, v0;
	v1 =	vsel vm9, $0x106, v1  }
0x62: {  	v2 =	vsel vm12, $0x3, v2;
	v0 =	vsel vm1, $0x200D, v0;
	v1 =	vsel vm8, $0x187, v1  }
0x63: {  	v2 =	vsel vm11, $0x84, v2;
	v17 =	vsel vm6, $0x208E, v0;
	v0 =	vsel vm7, $0x208, v1  }
0x64: {  	v24 =	vcombine.low v23, v24;
	v1 =	vsel vm10, $0x105, v2;
	v0 =	vsel vm5, $0x289, v0  }
0x65: {  	v1 =	vsel vm9, $0x186, v1;
	v0 =	vsel vm4, $0x30A, v0  }
0x66: {  	v2 =	vand.u32 $0xF, v24;
	v1 =	vsel vm8, $0x207, v1;
	v0 =	vsel vm3, $0x38B, v0  }
0x67: {  	[tilespmem:$0x1FC10] =	vst v2;
	v2 =	vimm.s32 $0x228F;
	v1 =	vsel vm7, $0x288, v1;
	v0 =	vsel vm2, $0x200C, v0  }
0x68: {  	v2 =	vsel vm15, $0x2300, v2;
	v1 =	vsel vm5, $0x309, v1;
	v0 =	vsel vm1, $0x208D, v0  }
0x69: {  	v2 =	vsel vm14, $0x2381, v2;
	v1 =	vsel vm4, $0x38A, v1;
	v0 =	vsel vm6, $0x210E, v0  }
0x6a: {  	v2 =	vsel vm13, $0x2, v2;
	[tilespmem:$0x1FC20] =	vst v0;
	v0 =	vsel vm3, $0x200B, v1  }
0x6b: {  	v1 =	vsel vm12, $0x83, v2;
	v0 =	vsel vm2, $0x208C, v0  }
0x6c: {  	v2 =	vcombine.low v26, v27;
	v1 =	vsel vm11, $0x104, v1;
	v0 =	vsel vm1, $0x210D, v0  }
0x6d: {  	v30 =	vcombine.low v29, v30;
	v1 =	vsel vm10, $0x185, v1;
	v0 =	vsel vm6, $0x218E, v0  }
0x6e: {  	v2 =	vand.u32 $0xF, v2;
	[tilespmem:$0x1FC40] =	vst v0;
	v0 =	vsel vm9, $0x206, v1;
	v1 =	vimm.s32 $0x230F  }
0x6f: {  	[tilespmem:$0x1FC30] =	vst v2;
	v2 =	vimm.s32 $0x638F;
	v0 =	vsel vm8, $0x287, v0;
	v1 =	vsel vm15, $0x2380, v1  }
0x70: {  	v2 =	vsel vm15, $0x4000, v2;
	v0 =	vsel vm7, $0x308, v0;
	v1 =	vsel vm14, $0x1, v1  }
0x71: {  	v2 =	vsel vm14, $0x4081, v2;
	v0 =	vsel vm5, $0x389, v0;
	v1 =	vsel vm13, $0x82, v1  }
0x72: {  	v2 =	vsel vm13, $0x4102, v2;
	v0 =	vsel vm4, $0x200A, v0;
	v1 =	vsel vm12, $0x103, v1  }
0x73: {  	v2 =	vsel vm12, $0x4183, v2;
	v0 =	vsel vm3, $0x208B, v0;
	v1 =	vsel vm11, $0x184, v1  }
0x74: {  	v2 =	vsel vm11, $0x4204, v2;
	v0 =	vsel vm2, $0x210C, v0;
	v1 =	vsel vm10, $0x205, v1  }
0x75: {  	v2 =	vsel vm10, $0x4285, v2;
	v0 =	vsel vm1, $0x218D, v0;
	v1 =	vsel vm9, $0x286, v1  }
0x76: {  	v37 =	vsel vm6, $0x220E, v0;
	v0 =	vsel vm8, $0x307, v1;
	v1 =	vsel vm9, $0x4306, v2  }
0x77: {  	v42 =	vand.u32 $0xF, v30;
	v0 =	vsel vm7, $0x388, v0;
	v1 =	vsel vm8, $0x4387, v1  }
0x78: {  	v2 =	vimm.s32 $0x400F;
	v0 =	vsel vm5, $0x2009, v0;
	v1 =	vsel vm7, $0x6008, v1  }
0x79: {  	v2 =	vsel vm15, $0x4080, v2;
	v0 =	vsel vm4, $0x208A, v0;
	v1 =	vsel vm5, $0x6089, v1  }
0x7a: {  	v2 =	vsel vm14, $0x4101, v2;
	v0 =	vsel vm3, $0x210B, v0;
	v1 =	vsel vm4, $0x610A, v1  }
0x7b: {  	v2 =	vsel vm13, $0x4182, v2;
	v0 =	vsel vm2, $0x218C, v0;
	v1 =	vsel vm3, $0x618B, v1  }
0x7c: {  	v2 =	vsel vm12, $0x4203, v2;
	v0 =	vsel vm1, $0x220D, v0;
	v1 =	vsel vm2, $0x620C, v1  }
0x7d: {  	v47 =	vsel vm6, $0x228E, v0;
	v0 =	vsel vm1, $0x628D, v1;
	v1 =	vsel vm11, $0x4284, v2  }
0x7e: {  	v28 =	vcombine.low v28, v31;
	v52 =	vsel vm6, $0x630E, v0;
	v0 =	vsel vm10, $0x4305, v1  }
0x7f: {  	v2 =	vimm.s32 $0x101F1E1D;
	v1 =	vimm.s32 $0x1C1B1A19;
	v0 =	vsel vm9, $0x4386, v0  }
0x80: {  	v30 =	vunpack.c.0.s8.s32 v2;
	v2 =	vimm.s32 $0x408F;
	v0 =	vsel vm8, $0x6007, v0  }
0x81: {  	v29 =	vunpack.c.0.s8.s32 v1;
	v1 =	vimm.s32 $0x14131211;
	v0 =	vsel vm7, $0x6088, v0  }
0x82: {  	v31 =	vunpack.c.0.s8.s32 v1;
	v1 =	vsel vm15, $0x4100, v2;
	v0 =	vsel vm5, $0x6109, v0  }
0x83: {  	v1 =	vsel vm14, $0x4181, v1;
	v0 =	vsel vm4, $0x618A, v0  }
0x84: {  	v1 =	vsel vm13, $0x4202, v1;
	v0 =	vsel vm3, $0x620B, v0  }
0x85: {  	v1 =	vsel vm12, $0x4283, v1;
	v0 =	vsel vm2, $0x628C, v0  }
0x86: {  	v1 =	vsel vm11, $0x4304, v1;
	v0 =	vsel vm1, $0x630D, v0  }
0x87: {  	v53 =	vsel vm6, $0x638E, v0;
	v0 =	vsel vm10, $0x4385, v1  }
0x88: {  	v0 =	vsel vm9, $0x6006, v0  }
0x89: {  	v0 =	vsel vm8, $0x6087, v0  }
0x8a: {  	v0 =	vsel vm7, $0x6108, v0  }
0x8b: {  	v0 =	vsel vm5, $0x6189, v0  }
0x8c: {  	v0 =	vsel vm4, $0x620A, v0  }
0x8d: {  	v0 =	vsel vm3, $0x628B, v0  }
0x8e: {  	v0 =	vsel vm2, $0x630C, v0  }
0x8f: {  	v0 =	vsel vm1, $0x638D, v0  }
0x90: {  	v54 =	vsel vm6, $0x400E, v0;
	v0 =	vimm.s32 $0x1E1D1C1B  }
0x91: {  	v2 =	vimm.s32 $0x18171615;
	v0 =	vunpack.c.0.s8.s32 v0  }
0x92: {  	v44 =	vunpack.c.0.s8.s32 v2;
	v2 =	vimm.s32 $0x410F  }
0x93: {  	v2 =	vsel vm15, $0x4180, v2;
	[tilespmem:$0x1FC50] =	vst v0;
	v0 =	vimm.s32 $0x1211101F  }
0x94: {  	v1 =	vsel vm14, $0x4201, v2;
	v0 =	vunpack.c.0.s8.s32 v0  }
0x95: {  	v1 =	vsel vm13, $0x4282, v1  }
0x96: {  	v1 =	vsel vm12, $0x4303, v1;
	[tilespmem:$0x1FC60] =	vst v0;
	v0 =	vimm.s32 $0x16151413  }
0x97: {  	v1 =	vsel vm11, $0x4384, v1;
	v0 =	vunpack.c.0.s8.s32 v0  }
0x98: {  	v1 =	vsel vm10, $0x6005, v1  }
0x99: {  	v1 =	vsel vm9, $0x6086, v1;
	[tilespmem:$0x1FC70] =	vst v0;
	v0 =	vimm.s32 $0x1A191817  }
0x9a: {  	v1 =	vsel vm8, $0x6107, v1;
	v0 =	vunpack.c.0.s8.s32 v0  }
0x9b: {  	v1 =	vsel vm7, $0x6188, v1  }
0x9c: {  	v1 =	vsel vm5, $0x6209, v1;
	[tilespmem:$0x1FC80] =	vst v0;
	v0 =	vimm.s32 $0x1F1E1D1C  }
0x9d: {  	v1 =	vsel vm4, $0x628A, v1;
	v0 =	vunpack.c.0.s8.s32 v0  }
0x9e: {  	vm0 =	vcmask $0x1F10;
	v3 =	vlaneseq.u32;
	v1 =	vsel vm3, $0x630B, v1  }
0x9f: {  	v35 =	vmul.u32 $0x20, v3;
	v1 =	vsel vm2, $0x638C, v1;
	[tilespmem:$0x1FC90] =	vst v0;
	v0 =	vimm.s32 $0x13121110  }
0xa0: {  	v32 =	vand.u32 $0xF, v28;
	v1 =	vsel vm1, $0x400D, v1;
	v0 =	vunpack.c.0.s8.s32 v0  }
0xa1: {  	v2 =	vimm.s32 $0x1D1C1B1A;
	v55 =	vsel vm6, $0x408E, v1;
	v1 =	vimm.s32 $0x17161514  }
0xa2: {  	v45 =	vunpack.c.0.s8.s32 v2;
	v2 =	vimm.s32 $0x11101F1E;
	[tilespmem:$0x1FCA0] =	vst v0;
	v0 =	vunpack.c.0.s8.s32 v1  }
0xa3: {  	v15 =	vand.u32 $0xF, v20;
	v46 =	vunpack.c.0.s8.s32 v2;
	v2 =	vimm.s32 $0x15141312  }
0xa4: {  	v48 =	vunpack.c.0.s8.s32 v2;
	v2 =	vimm.s32 $0x19181716;
	[tilespmem:$0x1FCB0] =	vst v0;
	v0 =	vimm.s32 $0x1B1A1918  }
0xa5: {  	v49 =	vunpack.c.0.s8.s32 v2;
	v1 =	vimm.s32 $0x420F;
	v0 =	vunpack.c.0.s8.s32 v0  }
0xa6: {  	v2 =	vimm.s32 $0x428F;
	v50 =	vsel vm0, v46, v45;
	v1 =	vsel vm15, $0x4280, v1  }
0xa7: {  	v2 =	vsel vm15, $0x4300, v2;
	v1 =	vsel vm14, $0x4301, v1;
	[tilespmem:$0x1FCC0] =	vst v0;
	v0 =	vimm.s32 $0x418F  }
0xa8: {  	v2 =	vsel vm14, $0x4381, v2;
	v1 =	vsel vm13, $0x4382, v1;
	v0 =	vsel vm15, $0x4200, v0  }
0xa9: {  	v51 =	vsel vm0, v49, v48;
	v1 =	vsel vm12, $0x6003, v1;
	v0 =	vsel vm14, $0x4281, v0  }
0xaa: {  	v2 =	vsel vm13, $0x6002, v2;
	v1 =	vsel vm11, $0x6084, v1;
	v0 =	vsel vm13, $0x4302, v0  }
0xab: {  	v2 =	vsel vm12, $0x6083, v2;
	v1 =	vsel vm10, $0x6105, v1;
	v0 =	vsel vm12, $0x4383, v0  }
0xac: {  	v2 =	vsel vm11, $0x6104, v2;
	v1 =	vsel vm9, $0x6186, v1;
	v0 =	vsel vm11, $0x6004, v0  }
0xad: {  	v2 =	vsel vm10, $0x6185, v2;
	v1 =	vsel vm8, $0x6207, v1;
	v0 =	vsel vm10, $0x6085, v0  }
0xae: {  	v2 =	vsel vm9, $0x6206, v2;
	v1 =	vsel vm7, $0x6288, v1;
	v0 =	vsel vm9, $0x6106, v0  }
0xaf: {  	v2 =	vsel vm8, $0x6287, v2;
	v1 =	vsel vm5, $0x6309, v1;
	v0 =	vsel vm8, $0x6187, v0  }
0xb0: {  	v2 =	vsel vm7, $0x6308, v2;
	v1 =	vsel vm4, $0x638A, v1;
	v0 =	vsel vm7, $0x6208, v0  }
0xb1: {  	v2 =	vsel vm5, $0x6389, v2;
	v1 =	vsel vm3, $0x400B, v1;
	v0 =	vsel vm5, $0x6289, v0  }
0xb2: {  	v2 =	vsel vm4, $0x400A, v2;
	v1 =	vsel vm2, $0x408C, v1;
	v0 =	vsel vm4, $0x630A, v0  }
0xb3: {  	v2 =	vsel vm3, $0x408B, v2;
	v1 =	vsel vm1, $0x410D, v1;
	v0 =	vsel vm3, $0x638B, v0  }
0xb4: {  	v57 =	vsel vm6, $0x418E, v1;
	v1 =	vimm.s32 $0x438F;
	v0 =	vsel vm2, $0x400C, v0  }
0xb5: {  	v2 =	vsel vm2, $0x410C, v2;
	v1 =	vsel vm15, $0x6000, v1;
	v0 =	vsel vm1, $0x408D, v0  }
0xb6: {  	[tilespmem:$0x1FBD0] =	vst v56;
	v1 =	vsel vm14, $0x6081, v1;
	v56 =	vsel vm6, $0x410E, v0;
	v0 =	vsel vm1, $0x418D, v2  }
0xb7: {  	v1 =	vsel vm13, $0x6102, v1;
	v58 =	vsel vm6, $0x420E, v0;
	v0 =	vimm.s32 $0x430F  }
0xb8: {  	s0 =	rddreg [dreg:$0x0];
	s3 =	simm.s32 $0x0;
	v1 =	vsel vm12, $0x6183, v1;
	v2 =	vimm.s32 $0x600F;
	v0 =	vsel vm15, $0x4380, v0  }
0xb9: {  	[smem:$0x7FF] =	sst s3;
	[tilespmem:$0x1FBF0] =	vst v61;
	v1 =	vsel vm11, $0x6204, v1;
	v2 =	vsel vm15, $0x6080, v2;
	v0 =	vsel vm14, $0x6001, v0  }
0xba: {  	s1 =	rddreg [dreg:$0x1];
	_ =	strace $0x80000047;
	[tilespmem:$0x1FCD0] =	vst v29;
	v1 =	vsel vm10, $0x6285, v1;
	v2 =	vsel vm14, $0x6101, v2;
	v0 =	vsel vm13, $0x6082, v0  }
0xbb: {  	[tilespmem:$0x1FCE0] =	vst v30;
	v1 =	vsel vm9, $0x6306, v1;
	v2 =	vsel vm13, $0x6182, v2;
	v0 =	vsel vm12, $0x6103, v0  }
0xbc: {  	[tilespmem:$0x1FCF0] =	vst v31;
	v1 =	vsel vm8, $0x6387, v1;
	v2 =	vsel vm12, $0x6203, v2;
	v0 =	vsel vm11, $0x6184, v0  }
0xbd: {  	[tilespmem:$0x1FD00] =	vst v44;
	v1 =	vsel vm7, $0x4008, v1;
	v2 =	vsel vm11, $0x6284, v2;
	v0 =	vsel vm10, $0x6205, v0  }
0xbe: {  	[tilespmem:$0x1FD10] =	vst v45;
	v1 =	vsel vm5, $0x4089, v1;
	v2 =	vsel vm10, $0x6305, v2;
	v0 =	vsel vm9, $0x6286, v0  }
0xbf: {  	[tilespmem:$0x1FD20] =	vst v46;
	v1 =	vsel vm4, $0x410A, v1;
	v2 =	vsel vm9, $0x6386, v2;
	v0 =	vsel vm8, $0x6307, v0  }
0xc0: {  	[tilespmem:$0x1FD30] =	vst v48;
	v1 =	vsel vm3, $0x418B, v1;
	v2 =	vsel vm8, $0x4007, v2;
	v0 =	vsel vm7, $0x6388, v0  }
0xc1: {  	[tilespmem:$0x1FD40] =	vst v49;
	v1 =	vsel vm2, $0x420C, v1;
	v2 =	vsel vm7, $0x4088, v2;
	v0 =	vsel vm5, $0x4009, v0  }
0xc2: {  	[tilespmem:$0x1FD90] =	vst v50;
	v1 =	vsel vm1, $0x428D, v1;
	v2 =	vsel vm5, $0x4109, v2;
	v0 =	vsel vm4, $0x408A, v0  }
0xc3: {  	[tilespmem:$0x1FDA0] =	vst v51;
	v60 =	vsel vm6, $0x430E, v1;
	v2 =	vsel vm4, $0x418A, v2;
	v0 =	vsel vm3, $0x410B, v0  }
0xc4: {  	[tilespmem:$0x1FDC0] =	vst v4;
	v1 =	vimm.s32 $0x610F;
	v2 =	vsel vm3, $0x420B, v2;
	v0 =	vsel vm2, $0x418C, v0  }
0xc5: {  	[tilespmem:$0x1FDD0] =	vst v5;
	v1 =	vsel vm15, $0x6180, v1;
	v2 =	vsel vm2, $0x428C, v2;
	v0 =	vsel vm1, $0x420D, v0  }
0xc6: {  	[tilespmem:$0x1FDE0] =	vst v6;
	v1 =	vsel vm14, $0x6201, v1;
	v59 =	vsel vm6, $0x428E, v0;
	v0 =	vsel vm1, $0x430D, v2  }
0xc7: {  	[tilespmem:$0x1FDF0] =	vst v7;
	v1 =	vsel vm13, $0x6282, v1;
	v61 =	vsel vm6, $0x438E, v0;
	v0 =	vimm.s32 $0x608F  }
0xc8: {  	[tilespmem:$0x1FE00] =	vst v8;
	v1 =	vsel vm12, $0x6303, v1;
	v2 =	vimm.s32 $0x618F;
	v0 =	vsel vm15, $0x6100, v0  }
0xc9: {  	[tilespmem:$0x1FE10] =	vst v9;
	v1 =	vsel vm11, $0x6384, v1;
	v2 =	vsel vm15, $0x6200, v2;
	v0 =	vsel vm14, $0x6181, v0  }
0xca: {  	[tilespmem:$0x1FE20] =	vst v10;
	v1 =	vsel vm10, $0x4005, v1;
	v2 =	vsel vm14, $0x6281, v2;
	v0 =	vsel vm13, $0x6202, v0  }
0xcb: {  	[tilespmem:$0x1FE30] =	vst v11;
	v1 =	vsel vm9, $0x4086, v1;
	v2 =	vsel vm13, $0x6302, v2;
	v0 =	vsel vm12, $0x6283, v0  }
0xcc: {  	[tilespmem:$0x1FE40] =	vst v12;
	v1 =	vsel vm8, $0x4107, v1;
	v2 =	vsel vm12, $0x6383, v2;
	v0 =	vsel vm11, $0x6304, v0  }
0xcd: {  	[tilespmem:$0x1FE50] =	vst v13;
	v1 =	vsel vm7, $0x4188, v1;
	v2 =	vsel vm11, $0x4004, v2;
	v0 =	vsel vm10, $0x6385, v0  }
0xce: {  	[tilespmem:$0x1FE60] =	vst v14;
	v1 =	vsel vm5, $0x4209, v1;
	v2 =	vsel vm10, $0x4085, v2;
	v0 =	vsel vm9, $0x4006, v0  }
0xcf: {  	[tilespmem:$0x1FE70] =	vst v15;
	v1 =	vsel vm4, $0x428A, v1;
	v2 =	vsel vm9, $0x4106, v2;
	v0 =	vsel vm8, $0x4087, v0  }
0xd0: {  	[tilespmem:$0x1FE80] =	vst v25;
	v1 =	vsel vm3, $0x430B, v1;
	v2 =	vsel vm8, $0x4187, v2;
	v0 =	vsel vm7, $0x4108, v0  }
0xd1: {  	[tilespmem:$0x1FE90] =	vst v16;
	v1 =	vsel vm2, $0x438C, v1;
	v2 =	vsel vm7, $0x4208, v2;
	v0 =	vsel vm5, $0x4189, v0  }
0xd2: {  	[tilespmem:$0x1FEA0] =	vst v17;
	v1 =	vsel vm1, $0x600D, v1;
	v2 =	vsel vm5, $0x4289, v2;
	v0 =	vsel vm4, $0x420A, v0  }
0xd3: {  	[tilespmem:$0x1FEB0] =	vst v32;
	v63 =	vsel vm6, $0x608E, v1;
	v2 =	vsel vm4, $0x430A, v2;
	v0 =	vsel vm3, $0x428B, v0  }
0xd4: {  	[tilespmem:$0x1FEC0] =	vst v37;
	v1 =	vimm.s32 $0x628F;
	v2 =	vsel vm3, $0x438B, v2;
	v0 =	vsel vm2, $0x430C, v0  }
0xd5: {  	[tilespmem:$0x1FED0] =	vst v42;
	v1 =	vsel vm15, $0x6300, v1;
	v2 =	vsel vm2, $0x600C, v2;
	v0 =	vsel vm1, $0x438D, v0  }
0xd6: {  	[tilespmem:$0x1FEE0] =	vst v47;
	v1 =	vsel vm14, $0x6381, v1;
	v62 =	vsel vm6, $0x600E, v0;
	v0 =	vsel vm1, $0x608D, v2  }
0xd7: {  	[tilespmem:$0x1FEF0] =	vst v52;
	v1 =	vsel vm13, $0x4002, v1;
	v33 =	vsel vm6, $0x610E, v0;
	v0 =	vimm.s32 $0x620F  }
0xd8: {  	[tilespmem:$0x1FF00] =	vst v53;
	v1 =	vsel vm12, $0x4083, v1;
	v2 =	vimm.s32 $0x630F;
	v0 =	vsel vm15, $0x6280, v0  }
0xd9: {  	[tilespmem:$0x1FF10] =	vst v54;
	v1 =	vsel vm11, $0x4104, v1;
	v2 =	vsel vm15, $0x6380, v2;
	v0 =	vsel vm14, $0x6301, v0  }
0xda: {  	[tilespmem:$0x1FF20] =	vst v55;
	v1 =	vsel vm10, $0x4185, v1;
	v2 =	vsel vm14, $0x4001, v2;
	v0 =	vsel vm13, $0x6382, v0  }
0xdb: {  	[tilespmem:$0x1FFF0] =	vst v35;
	v1 =	vsel vm9, $0x4206, v1;
	v2 =	vsel vm13, $0x4082, v2;
	v0 =	vsel vm12, $0x4003, v0  }
0xdc: {  	s2 =	srdreg.scid;
	[tilespmem:$0x1FF40] =	vst v57;
	v1 =	vsel vm8, $0x4287, v1;
	v2 =	vsel vm12, $0x4103, v2;
	v0 =	vsel vm11, $0x4084, v0  }
0xdd: {  	s4 =	stileid.u32;
	s20 =	simm.s32 $0x400;
	s21 =	simm.s32 $0x800;
	[tilespmem:$0x1FF30] =	vst v56;
	v1 =	vsel vm7, $0x4308, v1;
	v2 =	vsel vm11, $0x4184, v2;
	v0 =	vsel vm10, $0x4105, v0  }
0xde: {  	s28 =	simm.s32 $0x16800;
	s2 =	sand.u32 $0x1, s2;
	s4 =	sshll.u32 s4, $0x1;
	[tilespmem:$0x1FF50] =	vst v58;
	v1 =	vsel vm5, $0x4389, v1;
	v2 =	vsel vm10, $0x4205, v2;
	v0 =	vsel vm9, $0x4186, v0  }
0xdf: {  	s19 =	simm.s32 $0x3;
	s6 =	sadd.s32 $0xF42A00, s0;
	s7 =	sor.u32 s2, s4;
	[tilespmem:$0x1FF70] =	vst v60;
	v1 =	vsel vm4, $0x600A, v1;
	v2 =	vsel vm9, $0x4286, v2;
	v0 =	vsel vm8, $0x4207, v0  }
0xe0: {  	s29 =	simm.s32 $0x2;
	s5 =	sadd.s32 $0x600, s0;
	s4 =	smul.u32 $0x19, s7;
	[tilespmem:$0x1FF60] =	vst v59;
	v1 =	vsel vm3, $0x608B, v1;
	v2 =	vsel vm8, $0x4307, v2;
	v0 =	vsel vm7, $0x4288, v0  }
0xe1: {  	s30 =	simm.s32 $0x0;
	s10 =	sadd.s32 $0x2000, s1;
	s8 =	smul.u32 $0x6400, s7;
	[tilespmem:$0x1FF80] =	vst v61;
	v1 =	vsel vm2, $0x610C, v1;
	v2 =	vsel vm7, $0x4388, v2;
	v0 =	vsel vm5, $0x4309, v0  }
0xe2: {  	s11 =	sadd.s32 $0x3000, s1;
	s2 =	ssub.s32 $0x2, s2;
	s9 =	smul.u32 $0x320, s7;
	[tilespmem:$0x1FFA0] =	vst v63;
	v1 =	vsel vm1, $0x618D, v1;
	v2 =	vsel vm5, $0x6009, v2;
	v0 =	vsel vm4, $0x438A, v0  }
0xe3: {  	s22 =	sshrl.u32 s2, $0x1;
	s23 =	smul.u32 $0xC80, s7;
	s7 =	sshll.u32 s7, $0x3;
	[tilespmem:$0x1FF90] =	vst v62;
	v40 =	vsel vm6, $0x620E, v1;
	v2 =	vsel vm4, $0x608A, v2;
	v0 =	vsel vm3, $0x600B, v0  }
0xe4: {  	s0 =	ssub.s32 s2, s22;
	s7 =	sand.u32 $0x18, s7;
	s22 =	simm.s32 $0x8800;
	[tilespmem:$0x1FFB0] =	vst v33;
	v1 =	vsel vm0, v30, v29;
	v2 =	vsel vm3, $0x610B, v2;
	v0 =	vsel vm2, $0x608C, v0  }
0xe5: {  	s8 =	sshrl.u32 s8, $0x3;
	s9 =	sand.u32 $0x7F80, s9;
	s2 =	sadd.s32 s5, s23;
	[tilespmem:$0x1FD60] =	vst v1;
	v2 =	vsel vm2, $0x618C, v2;
	v0 =	vsel vm1, $0x610D, v0  }
0xe6: {  	s12 =	sadd.s32 $0x2, s4;
	s13 =	sadd.s32 $0x3, s4;
	s18 =	smax.u32 s0, $0x1;
	[tilespmem:$0x1FFD0] =	vst v40;
	v39 =	vsel vm6, $0x618E, v0;
	v0 =	vsel vm1, $0x620D, v2;
	v2 =	vsel vm0, v44, v31  }
0xe7: {  	s23 =	simm.s32 $0x1;
	s24 =	sadd.s32 s5, s8;
	s7 =	sor.u32 s7, s9;
	v41 =	vsel vm6, $0x628E, v0;
	v0 =	vor.u32 $0x10, v3;
	[tilespmem:$0x1FD70] =	vst v2  }
0xe8: {  	s25 =	sshll.u32 s7, $0x7;
	[dreg:$0x3] =	wrdreg s2;
	s2 =	sadd.s32 $0x80, s24;
	[tilespmem:$0x1FD50] =	vst v0;
	v0 =	vcombine.low v2, v1  }
0xe9: {  	s9 =	sadd.s32 $0x1000, s1;
	[dreg:$0x4] =	wrdreg s2;
	s2 =	sadd.s32 $0x18000, s25;
	[tilespmem:$0x1FFC0] =	vst v39  }
0xea: {  	s24 =	simm.s32 $0x10800;
	s25 =	simm.s32 $0x12800;
	s26 =	sadd.s32 s1, s2;
	[tilespmem:$0x1FD80] =	vst v0;
	v0 =	vcombine.low v51, v50  }
0xeb: {  	s31 =	sadd.s32 s2, s9;
	s16 =	sadd.s32 s2, s10;
	[dreg:$0x5] =	wrdreg s26;
	[tilespmem:$0x1FFE0] =	vst v41  }
0xec: {  	s17 =	sadd.s32 s2, s11;
	[dreg:$0x6] =	wrdreg s31;
	s26 =	simm.s32 $0x14800;
	[tilespmem:$0x1FDB0] =	vst v0  }
.LBB2_1:
0xed: {  	s0 =	rddreg [dreg:$0x3]  }
0xee: {  	[tilespmem:s3], [sflag:$0x3] =	stream.linear.gather [hbm4b:s0+s3], $0x400, $0x38;
	[tilespmem:$0x18800] =	vst v63  }
0xef: {  	_ =	swait.ge [sflag:s19], $0x400  }
0xf0: {  	[sflag:s19] =	ssyncset.done $0x0  }
0xf1: {  	[sflag:s19] =	ssyncadd.s32 $0xFFFFFC00  }
0xf2: {  	[tilespmem:s21], [sflag:$0x1] =	stream.indirect.gather [hbm4b:s6+s20], $0x20, s3, s20, $0xb8;
	[tilespmem:$0x18800] =	vst v63  }
0xf3: {  	s15 =	rddreg [dreg:$0x4]  }
0xf4: {  	[tilespmem:s20], [sflag:$0x3] =	stream.linear.gather [hbm4b:s15+s3], $0x400, $0x38;
	[tilespmem:$0x18800] =	vst v63  }
0xf5: {  	_ =	swait.ge [sflag:s19], $0x400  }
0xf6: {  	v2 =	vld [tilespmem:$0x1FB90]  }
0xf7: {  	v5 =	vld [tilespmem:$0x1FBA0]  }
0xf8: {  	[sflag:s19] =	ssyncset.done $0x0;
	v4 =	vld [tilespmem:$0x1FD50]  }
0xf9: {  	s31 =	simm.s32 $0x0;
	v36 =	vld [tilespmem:$0x1FD80];
	[sflag:s19] =	ssyncadd.s32 $0xFFFFFC00  }
0xfa: {  	v38 =	vld [tilespmem:$0x1FDB0];
	[tilespmem:s22], [sflag:$0x2] =	stream.indirect.gather [hbm4b:s6+s20], $0x20, s20, s20, $0xb8  }
.LBB2_2:
0xfb: {  	s0 =	simm.s32 $0x0  }
0xfc: {  	v0 =	vmov s0  }
0xfd: {  	v0 =	vshll.u32 v0, $0x5  }
0xfe: {  	v1 =	vor.u32 v35, v0  }
0xff: {  	v0 =	vor.u32 v3, v1;
	_ =	sdelay $0x1  }
0x100: {  	_ =	swait.ge [sflag:s23], $0x8000  }
0x101: {  	[sflag:s23] =	ssyncset.done $0x0;
	s2 =	sand.u32 $0x1C00, s0;
	s7 =	sand.u32 $0x70, s0  }
0x102: {  	[sflag:s23] =	ssyncadd.s32 $0xFFFF8000;
	s2 =	sor.u32 s7, s2  }
0x103: {  	v2 =	vor.u32 s2, v2;
	v0 =	vld.idx.msk [tilespmem:v0+s21+$0x0], $0xffff  }
0x104: {  	v7 =	vld [tilespmem:$0x1FBB0];
	v34 =	vor.u32 v5, v1  }
0x105: {  	v8 =	vld [tilespmem:$0x1FBC0];
	_ =	sdelay $0x2  }
0x106: {  	[tilespmem:v2+s24+$0x0] =	vst.idx.msk $0xffff, v0  }
0x107: {  	v2 =	vor.u32 s2, v7;
	v0 =	vld.idx.msk [tilespmem:v34+s21+$0x0], $0xffff  }
0x108: {  	v9 =	vld [tilespmem:$0x1FDC0];
	v46 =	vor.u32 v8, v1  }
0x109: {  	v10 =	vld [tilespmem:$0x1FDD0];
	_ =	sdelay $0x2  }
0x10a: {  	[tilespmem:v2+s24+$0x0] =	vst.idx.msk $0xffff, v0  }
0x10b: {  	v2 =	vor.u32 s2, v9;
	v0 =	vld.idx.msk [tilespmem:v46+s21+$0x0], $0xffff  }
0x10c: {  	v11 =	vld [tilespmem:$0x1FDE0];
	v47 =	vor.u32 v10, v1  }
0x10d: {  	v12 =	vld [tilespmem:$0x1FDF0];
	_ =	sdelay $0x2  }
0x10e: {  	[tilespmem:v2+s24+$0x0] =	vst.idx.msk $0xffff, v0  }
0x10f: {  	v2 =	vor.u32 s2, v11;
	v0 =	vld.idx.msk [tilespmem:v47+s21+$0x0], $0xffff  }
0x110: {  	v13 =	vld [tilespmem:$0x1FE00];
	v48 =	vor.u32 v12, v1  }
0x111: {  	v14 =	vld [tilespmem:$0x1FBD0];
	_ =	sdelay $0x2  }
0x112: {  	[tilespmem:v2+s24+$0x0] =	vst.idx.msk $0xffff, v0  }
0x113: {  	v2 =	vor.u32 s2, v13;
	v0 =	vld.idx.msk [tilespmem:v48+s21+$0x0], $0xffff  }
0x114: {  	v15 =	vld [tilespmem:$0x1FBE0];
	v49 =	vor.u32 v14, v1  }
0x115: {  	v16 =	vld [tilespmem:$0x1FBF0];
	_ =	sdelay $0x2  }
0x116: {  	[tilespmem:v2+s24+$0x0] =	vst.idx.msk $0xffff, v0  }
0x117: {  	v2 =	vor.u32 s2, v15;
	v0 =	vld.idx.msk [tilespmem:v49+s21+$0x0], $0xffff  }
0x118: {  	v17 =	vld [tilespmem:$0x1FC00];
	v50 =	vor.u32 v16, v1  }
0x119: {  	v18 =	vld [tilespmem:$0x1FE10];
	_ =	sdelay $0x2  }
0x11a: {  	[tilespmem:v2+s24+$0x0] =	vst.idx.msk $0xffff, v0  }
0x11b: {  	v2 =	vor.u32 s2, v17;
	v0 =	vld.idx.msk [tilespmem:v50+s21+$0x0], $0xffff  }
0x11c: {  	v19 =	vld [tilespmem:$0x1FE20];
	v51 =	vor.u32 v18, v1  }
0x11d: {  	v20 =	vld [tilespmem:$0x1FE30];
	_ =	sdelay $0x2  }
0x11e: {  	[tilespmem:v2+s24+$0x0] =	vst.idx.msk $0xffff, v0  }
0x11f: {  	v2 =	vor.u32 s2, v19;
	v0 =	vld.idx.msk [tilespmem:v51+s21+$0x0], $0xffff  }
0x120: {  	v21 =	vld [tilespmem:$0x1FE40];
	v52 =	vor.u32 v20, v1  }
0x121: {  	v22 =	vld [tilespmem:$0x1FE50];
	_ =	sdelay $0x2  }
0x122: {  	[tilespmem:v2+s24+$0x0] =	vst.idx.msk $0xffff, v0  }
0x123: {  	v2 =	vor.u32 s2, v21;
	v0 =	vld.idx.msk [tilespmem:v52+s21+$0x0], $0xffff  }
0x124: {  	v23 =	vld [tilespmem:$0x1FE60];
	v53 =	vor.u32 v22, v1  }
0x125: {  	v24 =	vld [tilespmem:$0x1FE70];
	_ =	sdelay $0x2  }
0x126: {  	[tilespmem:v2+s24+$0x0] =	vst.idx.msk $0xffff, v0  }
0x127: {  	v2 =	vor.u32 s2, v23;
	v0 =	vld.idx.msk [tilespmem:v53+s21+$0x0], $0xffff  }
0x128: {  	v25 =	vld [tilespmem:$0x1FE80];
	v54 =	vor.u32 v24, v1  }
0x129: {  	v26 =	vld [tilespmem:$0x1FE90];
	_ =	sdelay $0x2  }
0x12a: {  	[tilespmem:v2+s24+$0x0] =	vst.idx.msk $0xffff, v0  }
0x12b: {  	v2 =	vor.u32 s2, v25;
	v0 =	vld.idx.msk [tilespmem:v54+s21+$0x0], $0xffff  }
0x12c: {  	v27 =	vld [tilespmem:$0x1FEA0];
	v55 =	vor.u32 v26, v1  }
0x12d: {  	v28 =	vld [tilespmem:$0x1FC10];
	_ =	sdelay $0x2  }
0x12e: {  	[tilespmem:v2+s24+$0x0] =	vst.idx.msk $0xffff, v0  }
0x12f: {  	v2 =	vor.u32 s2, v27;
	v0 =	vld.idx.msk [tilespmem:v55+s21+$0x0], $0xffff  }
0x130: {  	v29 =	vld [tilespmem:$0x1FC20];
	v56 =	vor.u32 v28, v1  }
0x131: {  	v30 =	vld [tilespmem:$0x1FC30];
	_ =	sdelay $0x2  }
0x132: {  	[tilespmem:v2+s24+$0x0] =	vst.idx.msk $0xffff, v0  }
0x133: {  	v2 =	vor.u32 s2, v29;
	v0 =	vld.idx.msk [tilespmem:v56+s21+$0x0], $0xffff  }
0x134: {  	v31 =	vld [tilespmem:$0x1FC40];
	v57 =	vor.u32 v30, v1  }
0x135: {  	v32 =	vld [tilespmem:$0x1FEB0];
	_ =	sdelay $0x2  }
0x136: {  	[tilespmem:v2+s24+$0x0] =	vst.idx.msk $0xffff, v0  }
0x137: {  	v2 =	vor.u32 s2, v31;
	v0 =	vld.idx.msk [tilespmem:v57+s21+$0x0], $0xffff  }
0x138: {  	v37 =	vld [tilespmem:$0x1FEC0];
	v58 =	vor.u32 v32, v1  }
0x139: {  	v42 =	vld [tilespmem:$0x1FED0];
	_ =	sdelay $0x2  }
0x13a: {  	[tilespmem:v2+s24+$0x0] =	vst.idx.msk $0xffff, v0  }
0x13b: {  	v2 =	vor.u32 s2, v37;
	v0 =	vld.idx.msk [tilespmem:v58+s21+$0x0], $0xffff  }
0x13c: {  	v59 =	vor.u32 v42, v1;
	v47 =	vld [tilespmem:$0x1FEE0];
	_ =	sdelay $0x3  }
0x13d: {  	[tilespmem:v2+s24+$0x0] =	vst.idx.msk $0xffff, v0  }
0x13e: {  	v2 =	vor.u32 s2, v47;
	v0 =	vld.idx.msk [tilespmem:v59+s21+$0x0], $0xffff  }
0x13f: {  	v60 =	vor.u32 v4, v1;
	v52 =	vld [tilespmem:$0x1FEF0];
	_ =	sdelay $0x3  }
0x140: {  	[tilespmem:v2+s24+$0x0] =	vst.idx.msk $0xffff, v0  }
0x141: {  	v2 =	vor.u32 s2, v52;
	v0 =	vld.idx.msk [tilespmem:v60+s21+$0x0], $0xffff  }
0x142: {  	v61 =	vor.u32 v36, v1;
	v53 =	vld [tilespmem:$0x1FF00]  }
0x143: {  	v39 =	vld [tilespmem:$0x1FC50]  }
0x144: {  	v40 =	vld [tilespmem:$0x1FC60]  }
0x145: {  	v48 =	vld [tilespmem:$0x1FC70]  }
0x146: {  	v49 =	vld [tilespmem:$0x1FC80];
	[tilespmem:v2+s24+$0x0] =	vst.idx.msk $0xffff, v0  }
0x147: {  	v2 =	vor.u32 s2, v53;
	v0 =	vld.idx.msk [tilespmem:v61+s21+$0x0], $0xffff  }
0x148: {  	v3 =	vor.u32 v38, v1  }
0x149: {  	v54 =	vld [tilespmem:$0x1FF10]  }
0x14a: {  	v6 =	vld [tilespmem:$0x1FCC0]  }
0x14b: {  	v43 =	vsel vm0, v40, v39;
	v44 =	vsel vm0, v49, v48;
	v50 =	vld [tilespmem:$0x1FC90]  }
0x14c: {  	v5 =	vcombine.low v44, v43;
	v51 =	vld [tilespmem:$0x1FCA0];
	[tilespmem:v2+s24+$0x0] =	vst.idx.msk $0xffff, v0  }
0x14d: {  	v0 =	vld.idx.msk [tilespmem:v3+s21+$0x0], $0xffff  }
0x14e: {  	[tilespmem:$0x1FB00] =	vst v5;
	v2 =	vor.u32 s2, v54;
	v3 =	vor.u32 v5, v1;
	v5 =	vld [tilespmem:$0x1FCB0];
	_ =	sdelay $0x4  }
0x14f: {  	v45 =	vsel vm0, v51, v50;
	v46 =	vsel vm0, v6, v5;
	[tilespmem:v2+s24+$0x0] =	vst.idx.msk $0xffff, v0  }
0x150: {  	v34 =	vmov v4;
	v4 =	vcombine.low v46, v45;
	v0 =	vld.idx.msk [tilespmem:v3+s21+$0x0], $0xffff  }
0x151: {  	v3 =	vld [tilespmem:$0x1FCE0]  }
0x152: {  	[tilespmem:$0x1FB10] =	vst v4;
	v33 =	vor.u32 v4, v1;
	v4 =	vld [tilespmem:$0x1FCF0];
	_ =	sdelay $0x4  }
0x153: {  	v41 =	vsel vm0, v4, v3;
	v3 =	vld [tilespmem:$0x1FCD0]  }
0x154: {  	v4 =	vld [tilespmem:$0x1FD00]  }
0x155: {  	v55 =	vld [tilespmem:$0x1FF20];
	_ =	sdelay $0x3  }
0x156: {  	v3 =	vsel vm0, v3, v4  }
0x157: {  	v2 =	vor.u32 s2, v55;
	[tilespmem:$0x1FB40] =	vst v3;
	v3 =	vcombine.low v3, v41  }
0x158: {  	v4 =	vld [tilespmem:$0x1FD30]  }
0x159: {  	[tilespmem:$0x1FB20] =	vst v3;
	v62 =	vor.u32 v3, v1;
	v3 =	vld [tilespmem:$0x1FD20]  }
0x15a: {  	v56 =	vld [tilespmem:$0x1FF30];
	_ =	sdelay $0x1  }
0x15b: {  	[tilespmem:v2+s24+$0x0] =	vst.idx.msk $0xffff, v0  }
0x15c: {  	v0 =	vld.idx.msk [tilespmem:v33+s21+$0x0], $0xffff  }
0x15d: {  	v63 =	vsel vm0, v4, v3;
	v3 =	vld [tilespmem:$0x1FD10]  }
0x15e: {  	v2 =	vor.u32 s2, v56;
	v4 =	vld [tilespmem:$0x1FD40]  }
0x15f: {  	v57 =	vld [tilespmem:$0x1FF40];
	_ =	sdelay $0x3  }
0x160: {  	[tilespmem:v2+s24+$0x0] =	vst.idx.msk $0xffff, v0;
	v3 =	vsel vm0, v3, v4  }
0x161: {  	v2 =	vor.u32 s2, v57;
	v0 =	vld.idx.msk [tilespmem:v62+s21+$0x0], $0xffff;
	[tilespmem:$0x1FB60] =	vst v3;
	v3 =	vcombine.low v3, v63;
	_ =	sdelay $0x1  }
0x162: {  	v58 =	vld [tilespmem:$0x1FF50];
	[tilespmem:$0x1FB30] =	vst v3;
	v3 =	vor.u32 v3, v1;
	_ =	sdelay $0x1  }
0x163: {  	[tilespmem:$0x1FB50] =	vst v41  }
0x164: {  	v41 =	vsel vm0, v39, v49;
	v4 =	vsel vm0, v48, v40;
	[tilespmem:v2+s24+$0x0] =	vst.idx.msk $0xffff, v0  }
0x165: {  	[tilespmem:$0x1FB80] =	vst v4;
	v4 =	vcombine.low v41, v4  }
0x166: {  	v2 =	vor.u32 s2, v58;
	v0 =	vld.idx.msk [tilespmem:v3+s21+$0x0], $0xffff  }
0x167: {  	v59 =	vld [tilespmem:$0x1FF60];
	v48 =	vmov v4;
	v4 =	vor.u32 v4, v1;
	_ =	sdelay $0x3  }
0x168: {  	[tilespmem:v2+s24+$0x0] =	vst.idx.msk $0xffff, v0  }
0x169: {  	v2 =	vor.u32 s2, v59;
	v0 =	vld.idx.msk [tilespmem:v4+s21+$0x0], $0xffff;
	_ =	sdelay $0x2  }
0x16a: {  	v3 =	vsel vm0, v5, v51;
	v5 =	vsel vm0, v50, v6  }
0x16b: {  	v60 =	vld [tilespmem:$0x1FF70];
	v3 =	vcombine.low v5, v3  }
0x16c: {  	[tilespmem:v2+s24+$0x0] =	vst.idx.msk $0xffff, v0;
	v0 =	vld [tilespmem:$0x1FD60]  }
0x16d: {  	v51 =	vmov v3;
	v3 =	vor.u32 v3, v1;
	v2 =	vld [tilespmem:$0x1FD70];
	_ =	sdelay $0x4  }
0x16e: {  	v4 =	vcombine.low v0, v2;
	v0 =	vld.idx.msk [tilespmem:v3+s21+$0x0], $0xffff;
	v2 =	vor.u32 s2, v60;
	_ =	sdelay $0x4  }
0x16f: {  	[tilespmem:v2+s24+$0x0] =	vst.idx.msk $0xffff, v0;
	v0 =	vld [tilespmem:$0x1FD90]  }
0x170: {  	v2 =	vld [tilespmem:$0x1FDA0]  }
0x171: {  	v61 =	vld [tilespmem:$0x1FF80];
	v3 =	vor.u32 v4, v1;
	_ =	sdelay $0x3  }
0x172: {  	v49 =	vmov v4;
	v4 =	vcombine.low v0, v2  }
0x173: {  	v0 =	vld.idx.msk [tilespmem:v3+s21+$0x0], $0xffff;
	v2 =	vor.u32 s2, v61  }
0x174: {  	v62 =	vld [tilespmem:$0x1FF90];
	v3 =	vor.u32 v4, v1;
	_ =	sdelay $0x3  }
0x175: {  	v50 =	vmov v4;
	v4 =	vcombine.low v43, v44;
	[tilespmem:v2+s24+$0x0] =	vst.idx.msk $0xffff, v0  }
0x176: {  	v2 =	vor.u32 s2, v62;
	v5 =	vld.idx.msk [tilespmem:v3+s21+$0x0], $0xffff  }
0x177: {  	[tilespmem:$0x1FB70] =	vst v63;
	v63 =	vld [tilespmem:$0x1FFA0];
	v3 =	vor.u32 v4, v1;
	_ =	sdelay $0x3  }
0x178: {  	[tilespmem:v2+s24+$0x0] =	vst.idx.msk $0xffff, v5  }
0x179: {  	v0 =	vmov v4;
	v2 =	vor.u32 s2, v63;
	v4 =	vld.idx.msk [tilespmem:v3+s21+$0x0], $0xffff;
	_ =	sdelay $0x3  }
0x17a: {  	v33 =	vld [tilespmem:$0x1FFB0];
	v5 =	vcombine.low v45, v46  }
0x17b: {  	[tilespmem:v2+s24+$0x0] =	vst.idx.msk $0xffff, v4;
	v2 =	vld [tilespmem:$0x1FB40]  }
0x17c: {  	v3 =	vor.u32 v5, v1;
	v4 =	vld [tilespmem:$0x1FB50];
	_ =	sdelay $0x4  }
0x17d: {  	v3 =	vld.idx.msk [tilespmem:v3+s21+$0x0], $0xffff;
	v4 =	vcombine.low v4, v2;
	v2 =	vor.u32 s2, v33;
	_ =	sdelay $0x4  }
0x17e: {  	[tilespmem:v2+s24+$0x0] =	vst.idx.msk $0xffff, v3;
	v2 =	vld [tilespmem:$0x1FB60]  }
0x17f: {  	v3 =	vld [tilespmem:$0x1FB70]  }
0x180: {  	v39 =	vld [tilespmem:$0x1FFC0];
	v44 =	vmov v4;
	v4 =	vor.u32 v4, v1;
	_ =	sdelay $0x3  }
0x181: {  	v3 =	vcombine.low v3, v2  }
0x182: {  	v4 =	vld.idx.msk [tilespmem:v4+s21+$0x0], $0xffff;
	v2 =	vor.u32 s2, v39  }
0x183: {  	v45 =	vmov v3;
	v3 =	vor.u32 v3, v1;
	_ =	sdelay $0x2  }
0x184: {  	v40 =	vld [tilespmem:$0x1FFD0]  }
0x185: {  	[tilespmem:v2+s24+$0x0] =	vst.idx.msk $0xffff, v4  }
0x186: {  	v4 =	vld.idx.msk [tilespmem:v3+s21+$0x0], $0xffff  }
0x187: {  	v3 =	vld [tilespmem:$0x1FB80];
	_ =	sdelay $0x1  }
0x188: {  	v2 =	vor.u32 s2, v40;
	_ =	sdelay $0x2  }
0x189: {  	v6 =	vld [tilespmem:$0x1FBA0];
	v3 =	vcombine.low v3, v41  }
0x18a: {  	s7 =	simm.s32 $0x10;
	v43 =	vmov v5;
	v5 =	vld [tilespmem:$0x1FB90]  }
0x18b: {  	s8 =	simm.s32 $0x20;
	[tilespmem:v2+s24+$0x0] =	vst.idx.msk $0xffff, v4;
	v2 =	vmov s7;
	v41 =	vld [tilespmem:$0x1FFE0];
	v46 =	vmov v3;
	v1 =	vor.u32 v3, v1  }
.LBB2_3:
0x18c: {  	_ =	sdelay $0x2  }
0x18d: {  	v2 =	vshll.u32 v2, $0x5  }
0x18e: {  	v3 =	vld.idx.msk [tilespmem:v1+s21+$0x0], $0xffff;
	v4 =	vlaneseq.u32;
	v1 =	vor.u32 v35, v2;
	v2 =	vor.u32 s2, v41  }
0x18f: {  	v4 =	vor.u32 v4, v1;
	_ =	sdelay $0x1  }
0x190: {  	s0 =	sadd.s32 $0x80, s0  }
0x191: {  	s14 =	sand.u32 $0x70, s7;
	s15 =	sand.u32 $0x1C00, s0  }
0x192: {  	s2 =	sor.u32 s14, s15;
	[tilespmem:v2+s24+$0x0] =	vst.idx.msk $0xffff, v3  }
0x193: {  	v3 =	vor.u32 s2, v5;
	v2 =	vld.idx.msk [tilespmem:v4+s21+$0x0], $0xffff  }
0x194: {  	v4 =	vor.u32 v6, v1;
	_ =	sdelay $0x3  }
0x195: {  	[tilespmem:v3+s24+$0x0] =	vst.idx.msk $0xffff, v2  }
0x196: {  	v3 =	vor.u32 s2, v7;
	v2 =	vld.idx.msk [tilespmem:v4+s21+$0x0], $0xffff  }
0x197: {  	v4 =	vor.u32 v8, v1;
	_ =	sdelay $0x3  }
0x198: {  	[tilespmem:v3+s24+$0x0] =	vst.idx.msk $0xffff, v2  }
0x199: {  	v3 =	vor.u32 s2, v9;
	v2 =	vld.idx.msk [tilespmem:v4+s21+$0x0], $0xffff  }
0x19a: {  	v4 =	vor.u32 v10, v1;
	_ =	sdelay $0x3  }
0x19b: {  	[tilespmem:v3+s24+$0x0] =	vst.idx.msk $0xffff, v2  }
0x19c: {  	v3 =	vor.u32 s2, v11;
	v2 =	vld.idx.msk [tilespmem:v4+s21+$0x0], $0xffff  }
0x19d: {  	v4 =	vor.u32 v12, v1;
	_ =	sdelay $0x3  }
0x19e: {  	[tilespmem:v3+s24+$0x0] =	vst.idx.msk $0xffff, v2  }
0x19f: {  	v3 =	vor.u32 s2, v13;
	v2 =	vld.idx.msk [tilespmem:v4+s21+$0x0], $0xffff  }
0x1a0: {  	v4 =	vor.u32 v14, v1;
	_ =	sdelay $0x3  }
0x1a1: {  	[tilespmem:v3+s24+$0x0] =	vst.idx.msk $0xffff, v2  }
0x1a2: {  	v3 =	vor.u32 s2, v15;
	v2 =	vld.idx.msk [tilespmem:v4+s21+$0x0], $0xffff  }
0x1a3: {  	v4 =	vor.u32 v16, v1;
	_ =	sdelay $0x3  }
0x1a4: {  	[tilespmem:v3+s24+$0x0] =	vst.idx.msk $0xffff, v2  }
0x1a5: {  	v3 =	vor.u32 s2, v17;
	v2 =	vld.idx.msk [tilespmem:v4+s21+$0x0], $0xffff  }
0x1a6: {  	v4 =	vor.u32 v18, v1;
	_ =	sdelay $0x3  }
0x1a7: {  	[tilespmem:v3+s24+$0x0] =	vst.idx.msk $0xffff, v2  }
0x1a8: {  	v3 =	vor.u32 s2, v19;
	v2 =	vld.idx.msk [tilespmem:v4+s21+$0x0], $0xffff  }
0x1a9: {  	v4 =	vor.u32 v20, v1;
	_ =	sdelay $0x3  }
0x1aa: {  	[tilespmem:v3+s24+$0x0] =	vst.idx.msk $0xffff, v2  }
0x1ab: {  	v3 =	vor.u32 s2, v21;
	v2 =	vld.idx.msk [tilespmem:v4+s21+$0x0], $0xffff  }
0x1ac: {  	v4 =	vor.u32 v22, v1;
	_ =	sdelay $0x3  }
0x1ad: {  	[tilespmem:v3+s24+$0x0] =	vst.idx.msk $0xffff, v2  }
0x1ae: {  	v3 =	vor.u32 s2, v23;
	v2 =	vld.idx.msk [tilespmem:v4+s21+$0x0], $0xffff  }
0x1af: {  	v4 =	vor.u32 v24, v1;
	_ =	sdelay $0x3  }
0x1b0: {  	[tilespmem:v3+s24+$0x0] =	vst.idx.msk $0xffff, v2  }
0x1b1: {  	v3 =	vor.u32 s2, v25;
	v2 =	vld.idx.msk [tilespmem:v4+s21+$0x0], $0xffff  }
0x1b2: {  	v4 =	vor.u32 v26, v1;
	_ =	sdelay $0x3  }
0x1b3: {  	[tilespmem:v3+s24+$0x0] =	vst.idx.msk $0xffff, v2  }
0x1b4: {  	v3 =	vor.u32 s2, v27;
	v2 =	vld.idx.msk [tilespmem:v4+s21+$0x0], $0xffff  }
0x1b5: {  	v4 =	vor.u32 v28, v1;
	_ =	sdelay $0x3  }
0x1b6: {  	[tilespmem:v3+s24+$0x0] =	vst.idx.msk $0xffff, v2  }
0x1b7: {  	v3 =	vor.u32 s2, v29;
	v2 =	vld.idx.msk [tilespmem:v4+s21+$0x0], $0xffff  }
0x1b8: {  	v4 =	vor.u32 v30, v1;
	_ =	sdelay $0x3  }
0x1b9: {  	[tilespmem:v3+s24+$0x0] =	vst.idx.msk $0xffff, v2  }
0x1ba: {  	v3 =	vor.u32 s2, v31;
	v2 =	vld.idx.msk [tilespmem:v4+s21+$0x0], $0xffff  }
0x1bb: {  	v4 =	vor.u32 v32, v1;
	_ =	sdelay $0x3  }
0x1bc: {  	[tilespmem:v3+s24+$0x0] =	vst.idx.msk $0xffff, v2  }
0x1bd: {  	v3 =	vor.u32 s2, v37;
	v2 =	vld.idx.msk [tilespmem:v4+s21+$0x0], $0xffff  }
0x1be: {  	v4 =	vor.u32 v42, v1;
	_ =	sdelay $0x3  }
0x1bf: {  	[tilespmem:v3+s24+$0x0] =	vst.idx.msk $0xffff, v2  }
0x1c0: {  	v3 =	vor.u32 s2, v47;
	v2 =	vld.idx.msk [tilespmem:v4+s21+$0x0], $0xffff  }
0x1c1: {  	v4 =	vor.u32 v34, v1;
	_ =	sdelay $0x3  }
0x1c2: {  	[tilespmem:v3+s24+$0x0] =	vst.idx.msk $0xffff, v2  }
0x1c3: {  	v3 =	vor.u32 s2, v52;
	v2 =	vld.idx.msk [tilespmem:v4+s21+$0x0], $0xffff  }
0x1c4: {  	v4 =	vor.u32 v36, v1;
	_ =	sdelay $0x3  }
0x1c5: {  	[tilespmem:v3+s24+$0x0] =	vst.idx.msk $0xffff, v2  }
0x1c6: {  	v3 =	vor.u32 s2, v53;
	v2 =	vld.idx.msk [tilespmem:v4+s21+$0x0], $0xffff  }
0x1c7: {  	v4 =	vor.u32 v38, v1;
	_ =	sdelay $0x3  }
0x1c8: {  	[tilespmem:v3+s24+$0x0] =	vst.idx.msk $0xffff, v2  }
0x1c9: {  	v2 =	vld.idx.msk [tilespmem:v4+s21+$0x0], $0xffff  }
0x1ca: {  	v4 =	vld [tilespmem:$0x1FB00];
	_ =	sdelay $0x3  }
0x1cb: {  	v3 =	vor.u32 s2, v54  }
0x1cc: {  	v4 =	vor.u32 v4, v1;
	_ =	sdelay $0x3  }
0x1cd: {  	[tilespmem:v3+s24+$0x0] =	vst.idx.msk $0xffff, v2  }
0x1ce: {  	v2 =	vld.idx.msk [tilespmem:v4+s21+$0x0], $0xffff  }
0x1cf: {  	v4 =	vld [tilespmem:$0x1FB10];
	_ =	sdelay $0x3  }
0x1d0: {  	v3 =	vor.u32 s2, v55  }
0x1d1: {  	v4 =	vor.u32 v4, v1;
	_ =	sdelay $0x3  }
0x1d2: {  	[tilespmem:v3+s24+$0x0] =	vst.idx.msk $0xffff, v2  }
0x1d3: {  	v2 =	vld.idx.msk [tilespmem:v4+s21+$0x0], $0xffff  }
0x1d4: {  	v4 =	vld [tilespmem:$0x1FB20];
	_ =	sdelay $0x3  }
0x1d5: {  	v3 =	vor.u32 s2, v56  }
0x1d6: {  	v4 =	vor.u32 v4, v1;
	_ =	sdelay $0x3  }
0x1d7: {  	[tilespmem:v3+s24+$0x0] =	vst.idx.msk $0xffff, v2  }
0x1d8: {  	v2 =	vld.idx.msk [tilespmem:v4+s21+$0x0], $0xffff  }
0x1d9: {  	v4 =	vld [tilespmem:$0x1FB30];
	_ =	sdelay $0x3  }
0x1da: {  	v3 =	vor.u32 s2, v57  }
0x1db: {  	v4 =	vor.u32 v4, v1;
	_ =	sdelay $0x3  }
0x1dc: {  	[tilespmem:v3+s24+$0x0] =	vst.idx.msk $0xffff, v2  }
0x1dd: {  	v3 =	vor.u32 s2, v58;
	v2 =	vld.idx.msk [tilespmem:v4+s21+$0x0], $0xffff  }
0x1de: {  	v4 =	vor.u32 v48, v1;
	_ =	sdelay $0x3  }
0x1df: {  	[tilespmem:v3+s24+$0x0] =	vst.idx.msk $0xffff, v2  }
0x1e0: {  	v3 =	vor.u32 s2, v59;
	v2 =	vld.idx.msk [tilespmem:v4+s21+$0x0], $0xffff  }
0x1e1: {  	v4 =	vor.u32 v51, v1;
	_ =	sdelay $0x3  }
0x1e2: {  	[tilespmem:v3+s24+$0x0] =	vst.idx.msk $0xffff, v2  }
0x1e3: {  	v3 =	vor.u32 s2, v60;
	v2 =	vld.idx.msk [tilespmem:v4+s21+$0x0], $0xffff  }
0x1e4: {  	v4 =	vor.u32 v49, v1;
	_ =	sdelay $0x3  }
0x1e5: {  	[tilespmem:v3+s24+$0x0] =	vst.idx.msk $0xffff, v2  }
0x1e6: {  	v3 =	vor.u32 s2, v61;
	v2 =	vld.idx.msk [tilespmem:v4+s21+$0x0], $0xffff  }
0x1e7: {  	v4 =	vor.u32 v50, v1;
	_ =	sdelay $0x3  }
0x1e8: {  	[tilespmem:v3+s24+$0x0] =	vst.idx.msk $0xffff, v2  }
0x1e9: {  	v3 =	vor.u32 s2, v62;
	v2 =	vld.idx.msk [tilespmem:v4+s21+$0x0], $0xffff  }
0x1ea: {  	v4 =	vor.u32 v0, v1;
	_ =	sdelay $0x3  }
0x1eb: {  	[tilespmem:v3+s24+$0x0] =	vst.idx.msk $0xffff, v2  }
0x1ec: {  	v3 =	vor.u32 s2, v63;
	v2 =	vld.idx.msk [tilespmem:v4+s21+$0x0], $0xffff  }
0x1ed: {  	v4 =	vor.u32 v43, v1;
	_ =	sdelay $0x3  }
0x1ee: {  	[tilespmem:v3+s24+$0x0] =	vst.idx.msk $0xffff, v2  }
0x1ef: {  	v3 =	vor.u32 s2, v33;
	v2 =	vld.idx.msk [tilespmem:v4+s21+$0x0], $0xffff  }
0x1f0: {  	v4 =	vor.u32 v44, v1;
	_ =	sdelay $0x3  }
0x1f1: {  	[tilespmem:v3+s24+$0x0] =	vst.idx.msk $0xffff, v2  }
0x1f2: {  	v3 =	vor.u32 s2, v39;
	v2 =	vld.idx.msk [tilespmem:v4+s21+$0x0], $0xffff  }
0x1f3: {  	v4 =	vor.u32 v45, v1;
	_ =	sdelay $0x3  }
0x1f4: {  	[tilespmem:v3+s24+$0x0] =	vst.idx.msk $0xffff, v2  }
0x1f5: {  	p0 =	sne.s32 s8, $0x3F0;
	v3 =	vld.idx.msk [tilespmem:v4+s21+$0x0], $0xffff;
	v4 =	vor.u32 s2, v40  }
.Ltmp0:
0x1f6: {  	_ = 	snop;
	(pc) =	sbr.rel @p0 .LBB2_3-.Ltmp0, $3  }
0x1f7: {  	_ =	sdelay $0x1  }
0x1f8: {  	s7 =	smov.u32 s8  }
0x1f9: {  	s8 =	sadd.s32 $0x10, s8;
	v1 =	vor.u32 v46, v1;
	v2 =	vmov s7;
	[tilespmem:v4+s24+$0x0] =	vst.idx.msk $0xffff, v3  }
0x1fa: {  	_ =	sdelay $0x2  }
0x1fb: {  	v2 =	vshll.u32 v2, $0x5  }
0x1fc: {  	v3 =	vld.idx.msk [tilespmem:v1+s21+$0x0], $0xffff;
	v4 =	vlaneseq.u32;
	v1 =	vor.u32 v35, v2;
	v2 =	vor.u32 s2, v41  }
0x1fd: {  	v4 =	vor.u32 v4, v1;
	_ =	sdelay $0x1  }
0x1fe: {  	s0 =	sadd.s32 $0x80, s0  }
0x1ff: {  	s8 =	sand.u32 $0x70, s7;
	s0 =	sand.u32 $0x1C00, s0  }
0x200: {  	s2 =	sor.u32 s8, s0;
	[tilespmem:v2+s24+$0x0] =	vst.idx.msk $0xffff, v3  }
0x201: {  	v3 =	vor.u32 s2, v5;
	v2 =	vld.idx.msk [tilespmem:v4+s21+$0x0], $0xffff  }
0x202: {  	v4 =	vor.u32 v6, v1;
	_ =	sdelay $0x3  }
0x203: {  	[tilespmem:v3+s24+$0x0] =	vst.idx.msk $0xffff, v2  }
0x204: {  	v3 =	vor.u32 s2, v7;
	v2 =	vld.idx.msk [tilespmem:v4+s21+$0x0], $0xffff  }
0x205: {  	v4 =	vor.u32 v8, v1;
	_ =	sdelay $0x3  }
0x206: {  	[tilespmem:v3+s24+$0x0] =	vst.idx.msk $0xffff, v2  }
0x207: {  	v3 =	vor.u32 s2, v9;
	v2 =	vld.idx.msk [tilespmem:v4+s21+$0x0], $0xffff  }
0x208: {  	v4 =	vor.u32 v10, v1;
	_ =	sdelay $0x3  }
0x209: {  	[tilespmem:v3+s24+$0x0] =	vst.idx.msk $0xffff, v2  }
0x20a: {  	v3 =	vor.u32 s2, v11;
	v2 =	vld.idx.msk [tilespmem:v4+s21+$0x0], $0xffff  }
0x20b: {  	v4 =	vor.u32 v12, v1;
	_ =	sdelay $0x3  }
0x20c: {  	[tilespmem:v3+s24+$0x0] =	vst.idx.msk $0xffff, v2  }
0x20d: {  	v3 =	vor.u32 s2, v13;
	v2 =	vld.idx.msk [tilespmem:v4+s21+$0x0], $0xffff  }
0x20e: {  	v4 =	vor.u32 v14, v1;
	_ =	sdelay $0x3  }
0x20f: {  	[tilespmem:v3+s24+$0x0] =	vst.idx.msk $0xffff, v2  }
0x210: {  	v3 =	vor.u32 s2, v15;
	v2 =	vld.idx.msk [tilespmem:v4+s21+$0x0], $0xffff  }
0x211: {  	v4 =	vor.u32 v16, v1;
	_ =	sdelay $0x3  }
0x212: {  	[tilespmem:v3+s24+$0x0] =	vst.idx.msk $0xffff, v2  }
0x213: {  	v3 =	vor.u32 s2, v17;
	v2 =	vld.idx.msk [tilespmem:v4+s21+$0x0], $0xffff  }
0x214: {  	v4 =	vor.u32 v18, v1;
	_ =	sdelay $0x3  }
0x215: {  	[tilespmem:v3+s24+$0x0] =	vst.idx.msk $0xffff, v2  }
0x216: {  	v3 =	vor.u32 s2, v19;
	v2 =	vld.idx.msk [tilespmem:v4+s21+$0x0], $0xffff  }
0x217: {  	v4 =	vor.u32 v20, v1;
	_ =	sdelay $0x3  }
0x218: {  	[tilespmem:v3+s24+$0x0] =	vst.idx.msk $0xffff, v2  }
0x219: {  	v3 =	vor.u32 s2, v21;
	v2 =	vld.idx.msk [tilespmem:v4+s21+$0x0], $0xffff  }
0x21a: {  	v4 =	vor.u32 v22, v1;
	_ =	sdelay $0x3  }
0x21b: {  	[tilespmem:v3+s24+$0x0] =	vst.idx.msk $0xffff, v2  }
0x21c: {  	v3 =	vor.u32 s2, v23;
	v2 =	vld.idx.msk [tilespmem:v4+s21+$0x0], $0xffff  }
0x21d: {  	v4 =	vor.u32 v24, v1;
	_ =	sdelay $0x3  }
0x21e: {  	[tilespmem:v3+s24+$0x0] =	vst.idx.msk $0xffff, v2  }
0x21f: {  	v3 =	vor.u32 s2, v25;
	v2 =	vld.idx.msk [tilespmem:v4+s21+$0x0], $0xffff  }
0x220: {  	v4 =	vor.u32 v26, v1;
	_ =	sdelay $0x3  }
0x221: {  	[tilespmem:v3+s24+$0x0] =	vst.idx.msk $0xffff, v2  }
0x222: {  	v3 =	vor.u32 s2, v27;
	v2 =	vld.idx.msk [tilespmem:v4+s21+$0x0], $0xffff  }
0x223: {  	v4 =	vor.u32 v28, v1;
	_ =	sdelay $0x3  }
0x224: {  	[tilespmem:v3+s24+$0x0] =	vst.idx.msk $0xffff, v2  }
0x225: {  	v3 =	vor.u32 s2, v29;
	v2 =	vld.idx.msk [tilespmem:v4+s21+$0x0], $0xffff  }
0x226: {  	v4 =	vor.u32 v30, v1;
	_ =	sdelay $0x3  }
0x227: {  	[tilespmem:v3+s24+$0x0] =	vst.idx.msk $0xffff, v2  }
0x228: {  	v3 =	vor.u32 s2, v31;
	v2 =	vld.idx.msk [tilespmem:v4+s21+$0x0], $0xffff  }
0x229: {  	v4 =	vor.u32 v32, v1;
	_ =	sdelay $0x3  }
0x22a: {  	[tilespmem:v3+s24+$0x0] =	vst.idx.msk $0xffff, v2  }
0x22b: {  	v3 =	vor.u32 s2, v37;
	v2 =	vld.idx.msk [tilespmem:v4+s21+$0x0], $0xffff  }
0x22c: {  	v4 =	vor.u32 v42, v1;
	_ =	sdelay $0x3  }
0x22d: {  	[tilespmem:v3+s24+$0x0] =	vst.idx.msk $0xffff, v2  }
0x22e: {  	v3 =	vor.u32 s2, v47;
	v2 =	vld.idx.msk [tilespmem:v4+s21+$0x0], $0xffff  }
0x22f: {  	v4 =	vor.u32 v34, v1;
	_ =	sdelay $0x3  }
0x230: {  	[tilespmem:v3+s24+$0x0] =	vst.idx.msk $0xffff, v2  }
0x231: {  	v3 =	vor.u32 s2, v52;
	v2 =	vld.idx.msk [tilespmem:v4+s21+$0x0], $0xffff  }
0x232: {  	v4 =	vor.u32 v36, v1;
	_ =	sdelay $0x3  }
0x233: {  	[tilespmem:v3+s24+$0x0] =	vst.idx.msk $0xffff, v2  }
0x234: {  	v3 =	vor.u32 s2, v53;
	v2 =	vld.idx.msk [tilespmem:v4+s21+$0x0], $0xffff  }
0x235: {  	v4 =	vor.u32 v38, v1;
	_ =	sdelay $0x3  }
0x236: {  	[tilespmem:v3+s24+$0x0] =	vst.idx.msk $0xffff, v2  }
0x237: {  	v2 =	vld.idx.msk [tilespmem:v4+s21+$0x0], $0xffff;
	_ =	sdelay $0x4  }
0x238: {  	[tilespmem:$0x1F9B0] =	vst v2;
	v2 =	vld [tilespmem:$0x1FB00];
	_ =	sdelay $0x4  }
0x239: {  	v3 =	vor.u32 s2, v54;
	v4 =	vor.u32 v2, v1;
	v2 =	vld [tilespmem:$0x1F9B0];
	_ =	sdelay $0x4  }
0x23a: {  	[tilespmem:v3+s24+$0x0] =	vst.idx.msk $0xffff, v2  }
0x23b: {  	v2 =	vld.idx.msk [tilespmem:v4+s21+$0x0], $0xffff;
	_ =	sdelay $0x4  }
0x23c: {  	[tilespmem:$0x1F9C0] =	vst v2;
	v2 =	vld [tilespmem:$0x1FB10];
	_ =	sdelay $0x4  }
0x23d: {  	v3 =	vor.u32 s2, v55;
	v4 =	vor.u32 v2, v1;
	v2 =	vld [tilespmem:$0x1F9C0];
	_ =	sdelay $0x4  }
0x23e: {  	[tilespmem:v3+s24+$0x0] =	vst.idx.msk $0xffff, v2  }
0x23f: {  	v2 =	vld.idx.msk [tilespmem:v4+s21+$0x0], $0xffff;
	_ =	sdelay $0x4  }
0x240: {  	[tilespmem:$0x1F9D0] =	vst v2;
	v2 =	vld [tilespmem:$0x1FB20];
	_ =	sdelay $0x4  }
0x241: {  	v3 =	vor.u32 s2, v56;
	v4 =	vor.u32 v2, v1;
	v2 =	vld [tilespmem:$0x1F9D0];
	_ =	sdelay $0x4  }
0x242: {  	[tilespmem:v3+s24+$0x0] =	vst.idx.msk $0xffff, v2  }
0x243: {  	v2 =	vld.idx.msk [tilespmem:v4+s21+$0x0], $0xffff;
	_ =	sdelay $0x4  }
0x244: {  	[tilespmem:$0x1F9E0] =	vst v2;
	v2 =	vld [tilespmem:$0x1FB30];
	_ =	sdelay $0x4  }
0x245: {  	v3 =	vor.u32 s2, v57;
	v4 =	vor.u32 v2, v1;
	v2 =	vld [tilespmem:$0x1F9E0];
	_ =	sdelay $0x4  }
0x246: {  	[tilespmem:v3+s24+$0x0] =	vst.idx.msk $0xffff, v2  }
0x247: {  	v2 =	vld.idx.msk [tilespmem:v4+s21+$0x0], $0xffff;
	_ =	sdelay $0x4  }
0x248: {  	[tilespmem:$0x1F9F0] =	vst v2  }
0x249: {  	v3 =	vor.u32 s2, v58;
	v2 =	vld [tilespmem:$0x1F9F0]  }
0x24a: {  	v4 =	vor.u32 v48, v1;
	_ =	sdelay $0x3  }
0x24b: {  	[tilespmem:v3+s24+$0x0] =	vst.idx.msk $0xffff, v2  }
0x24c: {  	v2 =	vld.idx.msk [tilespmem:v4+s21+$0x0], $0xffff;
	_ =	sdelay $0x4  }
0x24d: {  	[tilespmem:$0x1FA00] =	vst v2  }
0x24e: {  	v3 =	vor.u32 s2, v59;
	v2 =	vld [tilespmem:$0x1FA00]  }
0x24f: {  	v4 =	vor.u32 v51, v1;
	_ =	sdelay $0x3  }
0x250: {  	[tilespmem:v3+s24+$0x0] =	vst.idx.msk $0xffff, v2  }
0x251: {  	v2 =	vld.idx.msk [tilespmem:v4+s21+$0x0], $0xffff;
	_ =	sdelay $0x4  }
0x252: {  	[tilespmem:$0x1FA10] =	vst v2  }
0x253: {  	v3 =	vor.u32 s2, v60;
	v2 =	vld [tilespmem:$0x1FA10]  }
0x254: {  	v4 =	vor.u32 v49, v1;
	_ =	sdelay $0x3  }
0x255: {  	[tilespmem:v3+s24+$0x0] =	vst.idx.msk $0xffff, v2  }
0x256: {  	v2 =	vld.idx.msk [tilespmem:v4+s21+$0x0], $0xffff;
	_ =	sdelay $0x4  }
0x257: {  	[tilespmem:$0x1FA20] =	vst v2  }
0x258: {  	v3 =	vor.u32 s2, v61;
	v2 =	vld [tilespmem:$0x1FA20]  }
0x259: {  	v4 =	vor.u32 v50, v1;
	_ =	sdelay $0x3  }
0x25a: {  	[tilespmem:v3+s24+$0x0] =	vst.idx.msk $0xffff, v2  }
0x25b: {  	v2 =	vld.idx.msk [tilespmem:v4+s21+$0x0], $0xffff;
	_ =	sdelay $0x4  }
0x25c: {  	[tilespmem:$0x1FA30] =	vst v2  }
0x25d: {  	v3 =	vor.u32 s2, v62;
	v2 =	vld [tilespmem:$0x1FA30]  }
0x25e: {  	v4 =	vor.u32 v0, v1;
	_ =	sdelay $0x3  }
0x25f: {  	[tilespmem:v3+s24+$0x0] =	vst.idx.msk $0xffff, v2  }
0x260: {  	v2 =	vld.idx.msk [tilespmem:v4+s21+$0x0], $0xffff;
	_ =	sdelay $0x4  }
0x261: {  	[tilespmem:$0x1FA40] =	vst v2  }
0x262: {  	v3 =	vor.u32 s2, v63;
	v2 =	vld [tilespmem:$0x1FA40]  }
0x263: {  	v4 =	vor.u32 v43, v1;
	_ =	sdelay $0x3  }
0x264: {  	[tilespmem:v3+s24+$0x0] =	vst.idx.msk $0xffff, v2  }
0x265: {  	v2 =	vld.idx.msk [tilespmem:v4+s21+$0x0], $0xffff;
	_ =	sdelay $0x4  }
0x266: {  	[tilespmem:$0x1FA50] =	vst v2  }
0x267: {  	v3 =	vor.u32 s2, v33;
	v2 =	vld [tilespmem:$0x1FA50]  }
0x268: {  	v4 =	vor.u32 v44, v1;
	_ =	sdelay $0x3  }
0x269: {  	[tilespmem:v3+s24+$0x0] =	vst.idx.msk $0xffff, v2  }
0x26a: {  	v2 =	vld.idx.msk [tilespmem:v4+s21+$0x0], $0xffff;
	_ =	sdelay $0x4  }
0x26b: {  	[tilespmem:$0x1FA60] =	vst v2  }
0x26c: {  	v3 =	vor.u32 s2, v39;
	v2 =	vld [tilespmem:$0x1FA60]  }
0x26d: {  	v4 =	vor.u32 v45, v1;
	_ =	sdelay $0x3  }
0x26e: {  	[tilespmem:v3+s24+$0x0] =	vst.idx.msk $0xffff, v2  }
0x26f: {  	v3 =	vor.u32 s2, v40;
	v2 =	vld.idx.msk [tilespmem:v4+s21+$0x0], $0xffff  }
0x270: {  	[tilespmem:$0x1FA70] =	vst v48;
	v1 =	vor.u32 v46, v1  }
0x271: {  	[tilespmem:$0x1FA80] =	vst v51  }
0x272: {  	[tilespmem:$0x1FA90] =	vst v49  }
0x273: {  	[tilespmem:$0x1FAA0] =	vst v50;
	s0 =	sshll.u32 s31, $0x1  }
0x274: {  	s14 =	sadd.s32 s4, s0;
	[tilespmem:v3+s24+$0x0] =	vst.idx.msk $0xffff, v2  }
0x275: {  	[tilespmem:$0x1FAB0] =	vst v0;
	s15 =	sshll.u32 s14, $0x3;
	v2 =	vor.u32 s2, v41;
	v1 =	vld.idx.msk [tilespmem:v1+s21+$0x0], $0xffff  }
0x276: {  	[tilespmem:$0x1FAC0] =	vst v43;
	s7 =	sshll.u32 s14, $0x5;
	s8 =	sand.u32 $0x18, s15  }
0x277: {  	[tilespmem:$0x1FAD0] =	vst v44;
	s2 =	sor.u32 s7, s8  }
0x278: {  	[tilespmem:$0x1FAE0] =	vst v45;
	s2 =	sshll.u32 s2, $0x7  }
0x279: {  	[tilespmem:$0x1FAF0] =	vst v46;
	s14 =	sand.u32 $0x1FFFCC00, s2  }
0x27a: {  	s2 =	simm.s32 $0x0;
	s15 =	sadd.s32 s1, s14;
	[tilespmem:v2+s24+$0x0] =	vst.idx.msk $0xffff, v1  }
0x27b: {  	[hbm4b:s15+s2] =	stream.linear.scatter [tilespmem:s24], [sflag:$0x3], $0x2000, $0x38;
	[tilespmem:$0x18800] =	vst v63  }
0x27c: {  	_ =	swait.ge [sflag:s19], $0x2000  }
0x27d: {  	[sflag:s19] =	ssyncset.done $0x0  }
0x27e: {  	s15 =	sadd.s32 s14, s9;
	[sflag:s19] =	ssyncadd.s32 $0xFFFFE000  }
0x27f: {  	[hbm4b:s15+s2] =	stream.linear.scatter [tilespmem:s25], [sflag:$0x3], $0x2000, $0x38;
	[tilespmem:$0x18800] =	vst v63  }
0x280: {  	_ =	swait.ge [sflag:s19], $0x2000  }
0x281: {  	[sflag:s19] =	ssyncset.done $0x0  }
0x282: {  	s7 =	sand.u32 $0x3FFF80, s7;
	s14 =	sadd.s32 s14, s10;
	[sflag:s19] =	ssyncadd.s32 $0xFFFFE000  }
0x283: {  	[hbm4b:s14+s2] =	stream.linear.scatter [tilespmem:s26], [sflag:$0x3], $0x2000, $0x38;
	[tilespmem:$0x18800] =	vst v63  }
0x284: {  	s7 =	sor.u32 s8, s7;
	_ =	swait.ge [sflag:s19], $0x2000  }
0x285: {  	s7 =	sshll.u32 s7, $0x7;
	[sflag:s19] =	ssyncset.done $0x0  }
0x286: {  	s8 =	sadd.s32 s0, s12;
	s7 =	sadd.s32 s7, s11;
	[sflag:s19] =	ssyncadd.s32 $0xFFFFE000  }
0x287: {  	[hbm4b:s7+s2] =	stream.linear.scatter [tilespmem:s28], [sflag:$0x3], $0x2000, $0x38;
	[tilespmem:$0x18800] =	vst v63  }
0x288: {  	s7 =	sshll.u32 s8, $0x7;
	_ =	swait.ge [sflag:s19], $0x2000  }
0x289: {  	s7 =	sand.u32 $0x1FFFFF80, s7;
	[sflag:s19] =	ssyncset.done $0x0  }
0x28a: {  	s7 =	sadd.s32 s5, s7;
	[sflag:s19] =	ssyncadd.s32 $0xFFFFE000  }
0x28b: {  	v1 =	vmov s2;
	[tilespmem:s2], [sflag:$0x3] =	stream.linear.gather [hbm4b:s7+s2], $0x400, $0x38;
	[tilespmem:$0x18800] =	vst v63  }
0x28c: {  	v1 =	vshll.u32 v1, $0x5;
	_ =	swait.ge [sflag:s19], $0x400  }
0x28d: {  	v2 =	vlaneseq.u32;
	v1 =	vor.u32 v35, v1;
	[sflag:s19] =	ssyncset.done $0x0  }
0x28e: {  	v2 =	vor.u32 v2, v1;
	[sflag:s19] =	ssyncadd.s32 $0xFFFFFC00  }
0x28f: {  	[tilespmem:s21], [sflag:$0x1] =	stream.indirect.gather [hbm4b:s6+s20], $0x20, s2, s20, $0xb8;
	[tilespmem:$0x18800] =	vst v63  }
0x290: {  	_ =	swait.ge [sflag:s29], $0x8000  }
0x291: {  	s15 =	sand.u32 $0x70, s2;
	s14 =	sand.u32 $0x1C00, s2;
	[sflag:s29] =	ssyncset.done $0x0  }
0x292: {  	s7 =	sor.u32 s15, s14;
	[sflag:s29] =	ssyncadd.s32 $0xFFFF8000  }
0x293: {  	v3 =	vor.u32 s7, v5;
	v2 =	vld.idx.msk [tilespmem:v2+s22+$0x0], $0xffff  }
0x294: {  	v4 =	vor.u32 v6, v1;
	_ =	sdelay $0x3  }
0x295: {  	[tilespmem:v3+s24+$0x0] =	vst.idx.msk $0xffff, v2  }
0x296: {  	v3 =	vor.u32 s7, v7;
	v2 =	vld.idx.msk [tilespmem:v4+s22+$0x0], $0xffff  }
0x297: {  	v4 =	vor.u32 v8, v1;
	_ =	sdelay $0x3  }
0x298: {  	[tilespmem:v3+s24+$0x0] =	vst.idx.msk $0xffff, v2  }
0x299: {  	v3 =	vor.u32 s7, v9;
	v2 =	vld.idx.msk [tilespmem:v4+s22+$0x0], $0xffff  }
0x29a: {  	v4 =	vor.u32 v10, v1;
	_ =	sdelay $0x3  }
0x29b: {  	[tilespmem:v3+s24+$0x0] =	vst.idx.msk $0xffff, v2  }
0x29c: {  	v3 =	vor.u32 s7, v11;
	v2 =	vld.idx.msk [tilespmem:v4+s22+$0x0], $0xffff  }
0x29d: {  	v4 =	vor.u32 v12, v1;
	_ =	sdelay $0x3  }
0x29e: {  	[tilespmem:v3+s24+$0x0] =	vst.idx.msk $0xffff, v2  }
0x29f: {  	v3 =	vor.u32 s7, v13;
	v2 =	vld.idx.msk [tilespmem:v4+s22+$0x0], $0xffff  }
0x2a0: {  	v4 =	vor.u32 v14, v1;
	_ =	sdelay $0x3  }
0x2a1: {  	[tilespmem:v3+s24+$0x0] =	vst.idx.msk $0xffff, v2  }
0x2a2: {  	v3 =	vor.u32 s7, v15;
	v2 =	vld.idx.msk [tilespmem:v4+s22+$0x0], $0xffff  }
0x2a3: {  	v4 =	vor.u32 v16, v1;
	_ =	sdelay $0x3  }
0x2a4: {  	[tilespmem:v3+s24+$0x0] =	vst.idx.msk $0xffff, v2  }
0x2a5: {  	v3 =	vor.u32 s7, v17;
	v2 =	vld.idx.msk [tilespmem:v4+s22+$0x0], $0xffff  }
0x2a6: {  	v4 =	vor.u32 v18, v1;
	_ =	sdelay $0x3  }
0x2a7: {  	[tilespmem:v3+s24+$0x0] =	vst.idx.msk $0xffff, v2  }
0x2a8: {  	v3 =	vor.u32 s7, v19;
	v2 =	vld.idx.msk [tilespmem:v4+s22+$0x0], $0xffff  }
0x2a9: {  	v4 =	vor.u32 v20, v1;
	_ =	sdelay $0x3  }
0x2aa: {  	[tilespmem:v3+s24+$0x0] =	vst.idx.msk $0xffff, v2  }
0x2ab: {  	v3 =	vor.u32 s7, v21;
	v2 =	vld.idx.msk [tilespmem:v4+s22+$0x0], $0xffff  }
0x2ac: {  	v4 =	vor.u32 v22, v1;
	_ =	sdelay $0x3  }
0x2ad: {  	[tilespmem:v3+s24+$0x0] =	vst.idx.msk $0xffff, v2  }
0x2ae: {  	v3 =	vor.u32 s7, v23;
	v2 =	vld.idx.msk [tilespmem:v4+s22+$0x0], $0xffff  }
0x2af: {  	v4 =	vor.u32 v24, v1;
	_ =	sdelay $0x3  }
0x2b0: {  	[tilespmem:v3+s24+$0x0] =	vst.idx.msk $0xffff, v2  }
0x2b1: {  	v3 =	vor.u32 s7, v25;
	v2 =	vld.idx.msk [tilespmem:v4+s22+$0x0], $0xffff  }
0x2b2: {  	v4 =	vor.u32 v26, v1;
	_ =	sdelay $0x3  }
0x2b3: {  	[tilespmem:v3+s24+$0x0] =	vst.idx.msk $0xffff, v2  }
0x2b4: {  	v3 =	vor.u32 s7, v27;
	v2 =	vld.idx.msk [tilespmem:v4+s22+$0x0], $0xffff  }
0x2b5: {  	v4 =	vor.u32 v28, v1;
	_ =	sdelay $0x3  }
0x2b6: {  	[tilespmem:v3+s24+$0x0] =	vst.idx.msk $0xffff, v2  }
0x2b7: {  	v3 =	vor.u32 s7, v29;
	v2 =	vld.idx.msk [tilespmem:v4+s22+$0x0], $0xffff  }
0x2b8: {  	v4 =	vor.u32 v30, v1;
	_ =	sdelay $0x3  }
0x2b9: {  	[tilespmem:v3+s24+$0x0] =	vst.idx.msk $0xffff, v2  }
0x2ba: {  	v3 =	vor.u32 s7, v31;
	v2 =	vld.idx.msk [tilespmem:v4+s22+$0x0], $0xffff  }
0x2bb: {  	v4 =	vor.u32 v32, v1;
	_ =	sdelay $0x3  }
0x2bc: {  	[tilespmem:v3+s24+$0x0] =	vst.idx.msk $0xffff, v2  }
0x2bd: {  	v3 =	vor.u32 s7, v37;
	v2 =	vld.idx.msk [tilespmem:v4+s22+$0x0], $0xffff  }
0x2be: {  	v4 =	vor.u32 v42, v1;
	_ =	sdelay $0x3  }
0x2bf: {  	[tilespmem:v3+s24+$0x0] =	vst.idx.msk $0xffff, v2  }
0x2c0: {  	v3 =	vor.u32 s7, v47;
	v2 =	vld.idx.msk [tilespmem:v4+s22+$0x0], $0xffff  }
0x2c1: {  	v4 =	vor.u32 v34, v1;
	_ =	sdelay $0x3  }
0x2c2: {  	[tilespmem:v3+s24+$0x0] =	vst.idx.msk $0xffff, v2  }
0x2c3: {  	v3 =	vor.u32 s7, v52;
	v2 =	vld.idx.msk [tilespmem:v4+s22+$0x0], $0xffff  }
0x2c4: {  	v4 =	vor.u32 v36, v1;
	_ =	sdelay $0x3  }
0x2c5: {  	[tilespmem:v3+s24+$0x0] =	vst.idx.msk $0xffff, v2  }
0x2c6: {  	v3 =	vor.u32 s7, v53;
	v2 =	vld.idx.msk [tilespmem:v4+s22+$0x0], $0xffff  }
0x2c7: {  	v4 =	vor.u32 v38, v1;
	_ =	sdelay $0x3  }
0x2c8: {  	[tilespmem:v3+s24+$0x0] =	vst.idx.msk $0xffff, v2  }
0x2c9: {  	v2 =	vld.idx.msk [tilespmem:v4+s22+$0x0], $0xffff  }
0x2ca: {  	v4 =	vld [tilespmem:$0x1FB00];
	_ =	sdelay $0x3  }
0x2cb: {  	v3 =	vor.u32 s7, v54  }
0x2cc: {  	v4 =	vor.u32 v4, v1;
	_ =	sdelay $0x3  }
0x2cd: {  	[tilespmem:v3+s24+$0x0] =	vst.idx.msk $0xffff, v2  }
0x2ce: {  	v2 =	vld.idx.msk [tilespmem:v4+s22+$0x0], $0xffff  }
0x2cf: {  	v4 =	vld [tilespmem:$0x1FB10];
	_ =	sdelay $0x3  }
0x2d0: {  	v3 =	vor.u32 s7, v55  }
0x2d1: {  	v4 =	vor.u32 v4, v1;
	_ =	sdelay $0x3  }
0x2d2: {  	[tilespmem:v3+s24+$0x0] =	vst.idx.msk $0xffff, v2  }
0x2d3: {  	v2 =	vld.idx.msk [tilespmem:v4+s22+$0x0], $0xffff  }
0x2d4: {  	v4 =	vld [tilespmem:$0x1FB20];
	_ =	sdelay $0x3  }
0x2d5: {  	v3 =	vor.u32 s7, v56  }
0x2d6: {  	v4 =	vor.u32 v4, v1;
	_ =	sdelay $0x3  }
0x2d7: {  	[tilespmem:v3+s24+$0x0] =	vst.idx.msk $0xffff, v2  }
0x2d8: {  	v2 =	vld.idx.msk [tilespmem:v4+s22+$0x0], $0xffff  }
0x2d9: {  	v4 =	vld [tilespmem:$0x1FB30];
	_ =	sdelay $0x3  }
0x2da: {  	v3 =	vor.u32 s7, v57  }
0x2db: {  	v4 =	vor.u32 v4, v1;
	_ =	sdelay $0x3  }
0x2dc: {  	[tilespmem:v3+s24+$0x0] =	vst.idx.msk $0xffff, v2  }
0x2dd: {  	v2 =	vld.idx.msk [tilespmem:v4+s22+$0x0], $0xffff  }
0x2de: {  	v4 =	vld [tilespmem:$0x1FA70];
	_ =	sdelay $0x3  }
0x2df: {  	v3 =	vor.u32 s7, v58  }
0x2e0: {  	v4 =	vor.u32 v4, v1;
	_ =	sdelay $0x3  }
0x2e1: {  	[tilespmem:v3+s24+$0x0] =	vst.idx.msk $0xffff, v2  }
0x2e2: {  	v2 =	vld.idx.msk [tilespmem:v4+s22+$0x0], $0xffff  }
0x2e3: {  	v4 =	vld [tilespmem:$0x1FA80];
	_ =	sdelay $0x3  }
0x2e4: {  	v3 =	vor.u32 s7, v59  }
0x2e5: {  	v4 =	vor.u32 v4, v1;
	_ =	sdelay $0x3  }
0x2e6: {  	[tilespmem:v3+s24+$0x0] =	vst.idx.msk $0xffff, v2  }
0x2e7: {  	v2 =	vld.idx.msk [tilespmem:v4+s22+$0x0], $0xffff  }
0x2e8: {  	v4 =	vld [tilespmem:$0x1FA90];
	_ =	sdelay $0x3  }
0x2e9: {  	v3 =	vor.u32 s7, v60  }
0x2ea: {  	v4 =	vor.u32 v4, v1;
	_ =	sdelay $0x3  }
0x2eb: {  	[tilespmem:v3+s24+$0x0] =	vst.idx.msk $0xffff, v2  }
0x2ec: {  	v2 =	vld.idx.msk [tilespmem:v4+s22+$0x0], $0xffff  }
0x2ed: {  	v4 =	vld [tilespmem:$0x1FAA0];
	_ =	sdelay $0x3  }
0x2ee: {  	v3 =	vor.u32 s7, v61  }
0x2ef: {  	v4 =	vor.u32 v4, v1;
	_ =	sdelay $0x3  }
0x2f0: {  	[tilespmem:v3+s24+$0x0] =	vst.idx.msk $0xffff, v2  }
0x2f1: {  	v2 =	vld.idx.msk [tilespmem:v4+s22+$0x0], $0xffff  }
0x2f2: {  	v4 =	vld [tilespmem:$0x1FAB0];
	_ =	sdelay $0x3  }
0x2f3: {  	v3 =	vor.u32 s7, v62  }
0x2f4: {  	v4 =	vor.u32 v4, v1;
	_ =	sdelay $0x3  }
0x2f5: {  	[tilespmem:v3+s24+$0x0] =	vst.idx.msk $0xffff, v2  }
0x2f6: {  	v2 =	vld.idx.msk [tilespmem:v4+s22+$0x0], $0xffff  }
0x2f7: {  	v4 =	vld [tilespmem:$0x1FAC0];
	_ =	sdelay $0x3  }
0x2f8: {  	v3 =	vor.u32 s7, v63  }
0x2f9: {  	v4 =	vor.u32 v4, v1;
	_ =	sdelay $0x3  }
0x2fa: {  	[tilespmem:v3+s24+$0x0] =	vst.idx.msk $0xffff, v2  }
0x2fb: {  	v2 =	vld.idx.msk [tilespmem:v4+s22+$0x0], $0xffff  }
0x2fc: {  	v4 =	vld [tilespmem:$0x1FAD0];
	_ =	sdelay $0x3  }
0x2fd: {  	v3 =	vor.u32 s7, v33  }
0x2fe: {  	v4 =	vor.u32 v4, v1;
	_ =	sdelay $0x3  }
0x2ff: {  	[tilespmem:v3+s24+$0x0] =	vst.idx.msk $0xffff, v2  }
0x300: {  	v2 =	vld.idx.msk [tilespmem:v4+s22+$0x0], $0xffff  }
0x301: {  	v4 =	vld [tilespmem:$0x1FAE0];
	_ =	sdelay $0x3  }
0x302: {  	v3 =	vor.u32 s7, v39  }
0x303: {  	v4 =	vor.u32 v4, v1;
	_ =	sdelay $0x3  }
0x304: {  	[tilespmem:v3+s24+$0x0] =	vst.idx.msk $0xffff, v2  }
0x305: {  	v3 =	vor.u32 s7, v40;
	v2 =	vld.idx.msk [tilespmem:v4+s22+$0x0], $0xffff;
	_ =	sdelay $0x4  }
0x306: {  	[tilespmem:v3+s24+$0x0] =	vst.idx.msk $0xffff, v2;
	v2 =	vld [tilespmem:$0x1FAF0];
	_ =	sdelay $0x3  }
0x307: {  	s8 =	simm.s32 $0x10  }
0x308: {  	s14 =	simm.s32 $0x20;
	v1 =	vor.u32 v2, v1;
	v2 =	vmov s8  }
.LBB2_5:
0x309: {  	_ =	sdelay $0x2  }
0x30a: {  	v2 =	vshll.u32 v2, $0x5  }
0x30b: {  	v3 =	vld.idx.msk [tilespmem:v1+s22+$0x0], $0xffff;
	v4 =	vlaneseq.u32;
	v1 =	vor.u32 v35, v2;
	v2 =	vor.u32 s7, v41  }
0x30c: {  	v4 =	vor.u32 v4, v1;
	_ =	sdelay $0x1  }
0x30d: {  	s2 =	sadd.s32 $0x80, s2  }
0x30e: {  	s15 =	sand.u32 $0x70, s8;
	s7 =	sand.u32 $0x1C00, s2  }
0x30f: {  	s7 =	sor.u32 s15, s7;
	[tilespmem:v2+s24+$0x0] =	vst.idx.msk $0xffff, v3  }
0x310: {  	v3 =	vor.u32 s7, v5;
	v2 =	vld.idx.msk [tilespmem:v4+s22+$0x0], $0xffff  }
0x311: {  	v4 =	vor.u32 v6, v1;
	_ =	sdelay $0x3  }
0x312: {  	[tilespmem:v3+s24+$0x0] =	vst.idx.msk $0xffff, v2  }
0x313: {  	v3 =	vor.u32 s7, v7;
	v2 =	vld.idx.msk [tilespmem:v4+s22+$0x0], $0xffff  }
0x314: {  	v4 =	vor.u32 v8, v1;
	_ =	sdelay $0x3  }
0x315: {  	[tilespmem:v3+s24+$0x0] =	vst.idx.msk $0xffff, v2  }
0x316: {  	v3 =	vor.u32 s7, v9;
	v2 =	vld.idx.msk [tilespmem:v4+s22+$0x0], $0xffff  }
0x317: {  	v4 =	vor.u32 v10, v1;
	_ =	sdelay $0x3  }
0x318: {  	[tilespmem:v3+s24+$0x0] =	vst.idx.msk $0xffff, v2  }
0x319: {  	v3 =	vor.u32 s7, v11;
	v2 =	vld.idx.msk [tilespmem:v4+s22+$0x0], $0xffff  }
0x31a: {  	v4 =	vor.u32 v12, v1;
	_ =	sdelay $0x3  }
0x31b: {  	[tilespmem:v3+s24+$0x0] =	vst.idx.msk $0xffff, v2  }
0x31c: {  	v3 =	vor.u32 s7, v13;
	v2 =	vld.idx.msk [tilespmem:v4+s22+$0x0], $0xffff  }
0x31d: {  	v4 =	vor.u32 v14, v1;
	_ =	sdelay $0x3  }
0x31e: {  	[tilespmem:v3+s24+$0x0] =	vst.idx.msk $0xffff, v2  }
0x31f: {  	v3 =	vor.u32 s7, v15;
	v2 =	vld.idx.msk [tilespmem:v4+s22+$0x0], $0xffff  }
0x320: {  	v4 =	vor.u32 v16, v1;
	_ =	sdelay $0x3  }
0x321: {  	[tilespmem:v3+s24+$0x0] =	vst.idx.msk $0xffff, v2  }
0x322: {  	v3 =	vor.u32 s7, v17;
	v2 =	vld.idx.msk [tilespmem:v4+s22+$0x0], $0xffff  }
0x323: {  	v4 =	vor.u32 v18, v1;
	_ =	sdelay $0x3  }
0x324: {  	[tilespmem:v3+s24+$0x0] =	vst.idx.msk $0xffff, v2  }
0x325: {  	v3 =	vor.u32 s7, v19;
	v2 =	vld.idx.msk [tilespmem:v4+s22+$0x0], $0xffff  }
0x326: {  	v4 =	vor.u32 v20, v1;
	_ =	sdelay $0x3  }
0x327: {  	[tilespmem:v3+s24+$0x0] =	vst.idx.msk $0xffff, v2  }
0x328: {  	v3 =	vor.u32 s7, v21;
	v2 =	vld.idx.msk [tilespmem:v4+s22+$0x0], $0xffff  }
0x329: {  	v4 =	vor.u32 v22, v1;
	_ =	sdelay $0x3  }
0x32a: {  	[tilespmem:v3+s24+$0x0] =	vst.idx.msk $0xffff, v2  }
0x32b: {  	v3 =	vor.u32 s7, v23;
	v2 =	vld.idx.msk [tilespmem:v4+s22+$0x0], $0xffff  }
0x32c: {  	v4 =	vor.u32 v24, v1;
	_ =	sdelay $0x3  }
0x32d: {  	[tilespmem:v3+s24+$0x0] =	vst.idx.msk $0xffff, v2  }
0x32e: {  	v3 =	vor.u32 s7, v25;
	v2 =	vld.idx.msk [tilespmem:v4+s22+$0x0], $0xffff  }
0x32f: {  	v4 =	vor.u32 v26, v1;
	_ =	sdelay $0x3  }
0x330: {  	[tilespmem:v3+s24+$0x0] =	vst.idx.msk $0xffff, v2  }
0x331: {  	v3 =	vor.u32 s7, v27;
	v2 =	vld.idx.msk [tilespmem:v4+s22+$0x0], $0xffff  }
0x332: {  	v4 =	vor.u32 v28, v1;
	_ =	sdelay $0x3  }
0x333: {  	[tilespmem:v3+s24+$0x0] =	vst.idx.msk $0xffff, v2  }
0x334: {  	v3 =	vor.u32 s7, v29;
	v2 =	vld.idx.msk [tilespmem:v4+s22+$0x0], $0xffff  }
0x335: {  	v4 =	vor.u32 v30, v1;
	_ =	sdelay $0x3  }
0x336: {  	[tilespmem:v3+s24+$0x0] =	vst.idx.msk $0xffff, v2  }
0x337: {  	v3 =	vor.u32 s7, v31;
	v2 =	vld.idx.msk [tilespmem:v4+s22+$0x0], $0xffff  }
0x338: {  	v4 =	vor.u32 v32, v1;
	_ =	sdelay $0x3  }
0x339: {  	[tilespmem:v3+s24+$0x0] =	vst.idx.msk $0xffff, v2  }
0x33a: {  	v3 =	vor.u32 s7, v37;
	v2 =	vld.idx.msk [tilespmem:v4+s22+$0x0], $0xffff  }
0x33b: {  	v4 =	vor.u32 v42, v1;
	_ =	sdelay $0x3  }
0x33c: {  	[tilespmem:v3+s24+$0x0] =	vst.idx.msk $0xffff, v2  }
0x33d: {  	v3 =	vor.u32 s7, v47;
	v2 =	vld.idx.msk [tilespmem:v4+s22+$0x0], $0xffff  }
0x33e: {  	v4 =	vor.u32 v34, v1;
	_ =	sdelay $0x3  }
0x33f: {  	[tilespmem:v3+s24+$0x0] =	vst.idx.msk $0xffff, v2  }
0x340: {  	v3 =	vor.u32 s7, v52;
	v2 =	vld.idx.msk [tilespmem:v4+s22+$0x0], $0xffff  }
0x341: {  	v4 =	vor.u32 v36, v1;
	_ =	sdelay $0x3  }
0x342: {  	[tilespmem:v3+s24+$0x0] =	vst.idx.msk $0xffff, v2  }
0x343: {  	v3 =	vor.u32 s7, v53;
	v2 =	vld.idx.msk [tilespmem:v4+s22+$0x0], $0xffff  }
0x344: {  	v4 =	vor.u32 v38, v1;
	_ =	sdelay $0x3  }
0x345: {  	[tilespmem:v3+s24+$0x0] =	vst.idx.msk $0xffff, v2  }
0x346: {  	v2 =	vld.idx.msk [tilespmem:v4+s22+$0x0], $0xffff  }
0x347: {  	v4 =	vld [tilespmem:$0x1FB00];
	_ =	sdelay $0x3  }
0x348: {  	v3 =	vor.u32 s7, v54  }
0x349: {  	v4 =	vor.u32 v4, v1;
	_ =	sdelay $0x3  }
0x34a: {  	[tilespmem:v3+s24+$0x0] =	vst.idx.msk $0xffff, v2  }
0x34b: {  	v2 =	vld.idx.msk [tilespmem:v4+s22+$0x0], $0xffff  }
0x34c: {  	v4 =	vld [tilespmem:$0x1FB10];
	_ =	sdelay $0x3  }
0x34d: {  	v3 =	vor.u32 s7, v55  }
0x34e: {  	v4 =	vor.u32 v4, v1;
	_ =	sdelay $0x3  }
0x34f: {  	[tilespmem:v3+s24+$0x0] =	vst.idx.msk $0xffff, v2  }
0x350: {  	v2 =	vld.idx.msk [tilespmem:v4+s22+$0x0], $0xffff  }
0x351: {  	v4 =	vld [tilespmem:$0x1FB20];
	_ =	sdelay $0x3  }
0x352: {  	v3 =	vor.u32 s7, v56  }
0x353: {  	v4 =	vor.u32 v4, v1;
	_ =	sdelay $0x3  }
0x354: {  	[tilespmem:v3+s24+$0x0] =	vst.idx.msk $0xffff, v2  }
0x355: {  	v2 =	vld.idx.msk [tilespmem:v4+s22+$0x0], $0xffff  }
0x356: {  	v4 =	vld [tilespmem:$0x1FB30];
	_ =	sdelay $0x3  }
0x357: {  	v3 =	vor.u32 s7, v57  }
0x358: {  	v4 =	vor.u32 v4, v1;
	_ =	sdelay $0x3  }
0x359: {  	[tilespmem:v3+s24+$0x0] =	vst.idx.msk $0xffff, v2  }
0x35a: {  	v3 =	vor.u32 s7, v58;
	v2 =	vld.idx.msk [tilespmem:v4+s22+$0x0], $0xffff  }
0x35b: {  	v4 =	vor.u32 v48, v1;
	_ =	sdelay $0x3  }
0x35c: {  	[tilespmem:v3+s24+$0x0] =	vst.idx.msk $0xffff, v2  }
0x35d: {  	v3 =	vor.u32 s7, v59;
	v2 =	vld.idx.msk [tilespmem:v4+s22+$0x0], $0xffff  }
0x35e: {  	v4 =	vor.u32 v51, v1;
	_ =	sdelay $0x3  }
0x35f: {  	[tilespmem:v3+s24+$0x0] =	vst.idx.msk $0xffff, v2  }
0x360: {  	v3 =	vor.u32 s7, v60;
	v2 =	vld.idx.msk [tilespmem:v4+s22+$0x0], $0xffff  }
0x361: {  	v4 =	vor.u32 v49, v1;
	_ =	sdelay $0x3  }
0x362: {  	[tilespmem:v3+s24+$0x0] =	vst.idx.msk $0xffff, v2  }
0x363: {  	v3 =	vor.u32 s7, v61;
	v2 =	vld.idx.msk [tilespmem:v4+s22+$0x0], $0xffff  }
0x364: {  	v4 =	vor.u32 v50, v1;
	_ =	sdelay $0x3  }
0x365: {  	[tilespmem:v3+s24+$0x0] =	vst.idx.msk $0xffff, v2  }
0x366: {  	v3 =	vor.u32 s7, v62;
	v2 =	vld.idx.msk [tilespmem:v4+s22+$0x0], $0xffff  }
0x367: {  	v4 =	vor.u32 v0, v1;
	_ =	sdelay $0x3  }
0x368: {  	[tilespmem:v3+s24+$0x0] =	vst.idx.msk $0xffff, v2  }
0x369: {  	v3 =	vor.u32 s7, v63;
	v2 =	vld.idx.msk [tilespmem:v4+s22+$0x0], $0xffff  }
0x36a: {  	v4 =	vor.u32 v43, v1;
	_ =	sdelay $0x3  }
0x36b: {  	[tilespmem:v3+s24+$0x0] =	vst.idx.msk $0xffff, v2  }
0x36c: {  	v3 =	vor.u32 s7, v33;
	v2 =	vld.idx.msk [tilespmem:v4+s22+$0x0], $0xffff  }
0x36d: {  	v4 =	vor.u32 v44, v1;
	_ =	sdelay $0x3  }
0x36e: {  	[tilespmem:v3+s24+$0x0] =	vst.idx.msk $0xffff, v2  }
0x36f: {  	v3 =	vor.u32 s7, v39;
	v2 =	vld.idx.msk [tilespmem:v4+s22+$0x0], $0xffff  }
0x370: {  	v4 =	vor.u32 v45, v1;
	_ =	sdelay $0x3  }
0x371: {  	[tilespmem:v3+s24+$0x0] =	vst.idx.msk $0xffff, v2  }
0x372: {  	p0 =	sne.s32 s14, $0x3F0;
	v3 =	vld.idx.msk [tilespmem:v4+s22+$0x0], $0xffff;
	v4 =	vor.u32 s7, v40  }
.Ltmp1:
0x373: {  	_ = 	snop;
	(pc) =	sbr.rel @p0 .LBB2_5-.Ltmp1, $3  }
0x374: {  	_ =	sdelay $0x1  }
0x375: {  	s8 =	smov.u32 s14  }
0x376: {  	s14 =	sadd.s32 $0x10, s14;
	v1 =	vor.u32 v46, v1;
	v2 =	vmov s8;
	[tilespmem:v4+s24+$0x0] =	vst.idx.msk $0xffff, v3  }
0x377: {  	_ =	sdelay $0x2  }
0x378: {  	v2 =	vshll.u32 v2, $0x5  }
0x379: {  	v3 =	vld.idx.msk [tilespmem:v1+s22+$0x0], $0xffff;
	v4 =	vlaneseq.u32;
	v1 =	vor.u32 v35, v2;
	v2 =	vor.u32 s7, v41  }
0x37a: {  	v4 =	vor.u32 v4, v1;
	_ =	sdelay $0x1  }
0x37b: {  	s2 =	sadd.s32 $0x80, s2  }
0x37c: {  	s14 =	sand.u32 $0x70, s8;
	s2 =	sand.u32 $0x1C00, s2  }
0x37d: {  	s2 =	sor.u32 s14, s2;
	[tilespmem:v2+s24+$0x0] =	vst.idx.msk $0xffff, v3  }
0x37e: {  	v3 =	vor.u32 s2, v5;
	v2 =	vld.idx.msk [tilespmem:v4+s22+$0x0], $0xffff  }
0x37f: {  	v4 =	vor.u32 v6, v1;
	_ =	sdelay $0x3  }
0x380: {  	[tilespmem:v3+s24+$0x0] =	vst.idx.msk $0xffff, v2  }
0x381: {  	v3 =	vor.u32 s2, v7;
	v2 =	vld.idx.msk [tilespmem:v4+s22+$0x0], $0xffff  }
0x382: {  	v4 =	vor.u32 v8, v1;
	_ =	sdelay $0x3  }
0x383: {  	[tilespmem:v3+s24+$0x0] =	vst.idx.msk $0xffff, v2  }
0x384: {  	v3 =	vor.u32 s2, v9;
	v2 =	vld.idx.msk [tilespmem:v4+s22+$0x0], $0xffff  }
0x385: {  	v4 =	vor.u32 v10, v1;
	_ =	sdelay $0x3  }
0x386: {  	[tilespmem:v3+s24+$0x0] =	vst.idx.msk $0xffff, v2  }
0x387: {  	v3 =	vor.u32 s2, v11;
	v2 =	vld.idx.msk [tilespmem:v4+s22+$0x0], $0xffff  }
0x388: {  	v4 =	vor.u32 v12, v1;
	_ =	sdelay $0x3  }
0x389: {  	[tilespmem:v3+s24+$0x0] =	vst.idx.msk $0xffff, v2  }
0x38a: {  	v3 =	vor.u32 s2, v13;
	v2 =	vld.idx.msk [tilespmem:v4+s22+$0x0], $0xffff  }
0x38b: {  	v4 =	vor.u32 v14, v1;
	_ =	sdelay $0x3  }
0x38c: {  	[tilespmem:v3+s24+$0x0] =	vst.idx.msk $0xffff, v2  }
0x38d: {  	v3 =	vor.u32 s2, v15;
	v2 =	vld.idx.msk [tilespmem:v4+s22+$0x0], $0xffff  }
0x38e: {  	v4 =	vor.u32 v16, v1;
	_ =	sdelay $0x3  }
0x38f: {  	[tilespmem:v3+s24+$0x0] =	vst.idx.msk $0xffff, v2  }
0x390: {  	v3 =	vor.u32 s2, v17;
	v2 =	vld.idx.msk [tilespmem:v4+s22+$0x0], $0xffff  }
0x391: {  	v4 =	vor.u32 v18, v1;
	_ =	sdelay $0x3  }
0x392: {  	[tilespmem:v3+s24+$0x0] =	vst.idx.msk $0xffff, v2  }
0x393: {  	v3 =	vor.u32 s2, v19;
	v2 =	vld.idx.msk [tilespmem:v4+s22+$0x0], $0xffff  }
0x394: {  	v4 =	vor.u32 v20, v1;
	_ =	sdelay $0x3  }
0x395: {  	[tilespmem:v3+s24+$0x0] =	vst.idx.msk $0xffff, v2  }
0x396: {  	v3 =	vor.u32 s2, v21;
	v2 =	vld.idx.msk [tilespmem:v4+s22+$0x0], $0xffff  }
0x397: {  	v4 =	vor.u32 v22, v1;
	_ =	sdelay $0x3  }
0x398: {  	[tilespmem:v3+s24+$0x0] =	vst.idx.msk $0xffff, v2  }
0x399: {  	v3 =	vor.u32 s2, v23;
	v2 =	vld.idx.msk [tilespmem:v4+s22+$0x0], $0xffff  }
0x39a: {  	v4 =	vor.u32 v24, v1;
	_ =	sdelay $0x3  }
0x39b: {  	[tilespmem:v3+s24+$0x0] =	vst.idx.msk $0xffff, v2  }
0x39c: {  	v3 =	vor.u32 s2, v25;
	v2 =	vld.idx.msk [tilespmem:v4+s22+$0x0], $0xffff  }
0x39d: {  	v4 =	vor.u32 v26, v1;
	_ =	sdelay $0x3  }
0x39e: {  	[tilespmem:v3+s24+$0x0] =	vst.idx.msk $0xffff, v2  }
0x39f: {  	v3 =	vor.u32 s2, v27;
	v2 =	vld.idx.msk [tilespmem:v4+s22+$0x0], $0xffff  }
0x3a0: {  	v4 =	vor.u32 v28, v1;
	_ =	sdelay $0x3  }
0x3a1: {  	[tilespmem:v3+s24+$0x0] =	vst.idx.msk $0xffff, v2  }
0x3a2: {  	v3 =	vor.u32 s2, v29;
	v2 =	vld.idx.msk [tilespmem:v4+s22+$0x0], $0xffff  }
0x3a3: {  	v4 =	vor.u32 v30, v1;
	_ =	sdelay $0x3  }
0x3a4: {  	[tilespmem:v3+s24+$0x0] =	vst.idx.msk $0xffff, v2  }
0x3a5: {  	v3 =	vor.u32 s2, v31;
	v2 =	vld.idx.msk [tilespmem:v4+s22+$0x0], $0xffff  }
0x3a6: {  	v4 =	vor.u32 v32, v1;
	_ =	sdelay $0x3  }
0x3a7: {  	[tilespmem:v3+s24+$0x0] =	vst.idx.msk $0xffff, v2  }
0x3a8: {  	v3 =	vor.u32 s2, v37;
	v2 =	vld.idx.msk [tilespmem:v4+s22+$0x0], $0xffff  }
0x3a9: {  	v4 =	vor.u32 v42, v1;
	_ =	sdelay $0x3  }
0x3aa: {  	[tilespmem:v3+s24+$0x0] =	vst.idx.msk $0xffff, v2  }
0x3ab: {  	v3 =	vor.u32 s2, v47;
	v2 =	vld.idx.msk [tilespmem:v4+s22+$0x0], $0xffff  }
0x3ac: {  	v4 =	vor.u32 v34, v1;
	_ =	sdelay $0x3  }
0x3ad: {  	[tilespmem:v3+s24+$0x0] =	vst.idx.msk $0xffff, v2  }
0x3ae: {  	v3 =	vor.u32 s2, v52;
	v2 =	vld.idx.msk [tilespmem:v4+s22+$0x0], $0xffff  }
0x3af: {  	v4 =	vor.u32 v36, v1;
	_ =	sdelay $0x3  }
0x3b0: {  	[tilespmem:v3+s24+$0x0] =	vst.idx.msk $0xffff, v2  }
0x3b1: {  	v3 =	vor.u32 s2, v53;
	v2 =	vld.idx.msk [tilespmem:v4+s22+$0x0], $0xffff  }
0x3b2: {  	v4 =	vor.u32 v38, v1;
	_ =	sdelay $0x3  }
0x3b3: {  	[tilespmem:v3+s24+$0x0] =	vst.idx.msk $0xffff, v2  }
0x3b4: {  	v2 =	vld.idx.msk [tilespmem:v4+s22+$0x0], $0xffff  }
0x3b5: {  	v4 =	vld [tilespmem:$0x1FB00];
	_ =	sdelay $0x3  }
0x3b6: {  	v3 =	vor.u32 s2, v54  }
0x3b7: {  	v4 =	vor.u32 v4, v1;
	_ =	sdelay $0x3  }
0x3b8: {  	[tilespmem:v3+s24+$0x0] =	vst.idx.msk $0xffff, v2  }
0x3b9: {  	v2 =	vld.idx.msk [tilespmem:v4+s22+$0x0], $0xffff  }
0x3ba: {  	v4 =	vld [tilespmem:$0x1FB10];
	_ =	sdelay $0x3  }
0x3bb: {  	v3 =	vor.u32 s2, v55  }
0x3bc: {  	v4 =	vor.u32 v4, v1;
	_ =	sdelay $0x3  }
0x3bd: {  	[tilespmem:v3+s24+$0x0] =	vst.idx.msk $0xffff, v2  }
0x3be: {  	v2 =	vld.idx.msk [tilespmem:v4+s22+$0x0], $0xffff  }
0x3bf: {  	v4 =	vld [tilespmem:$0x1FB20];
	_ =	sdelay $0x3  }
0x3c0: {  	v3 =	vor.u32 s2, v56  }
0x3c1: {  	v4 =	vor.u32 v4, v1;
	_ =	sdelay $0x3  }
0x3c2: {  	[tilespmem:v3+s24+$0x0] =	vst.idx.msk $0xffff, v2  }
0x3c3: {  	v2 =	vld.idx.msk [tilespmem:v4+s22+$0x0], $0xffff  }
0x3c4: {  	v4 =	vld [tilespmem:$0x1FB30];
	_ =	sdelay $0x3  }
0x3c5: {  	v3 =	vor.u32 s2, v57  }
0x3c6: {  	v4 =	vor.u32 v4, v1;
	_ =	sdelay $0x3  }
0x3c7: {  	[tilespmem:v3+s24+$0x0] =	vst.idx.msk $0xffff, v2  }
0x3c8: {  	v3 =	vor.u32 s2, v58;
	v2 =	vld.idx.msk [tilespmem:v4+s22+$0x0], $0xffff  }
0x3c9: {  	v4 =	vor.u32 v48, v1;
	_ =	sdelay $0x3  }
0x3ca: {  	[tilespmem:v3+s24+$0x0] =	vst.idx.msk $0xffff, v2  }
0x3cb: {  	v3 =	vor.u32 s2, v59;
	v2 =	vld.idx.msk [tilespmem:v4+s22+$0x0], $0xffff  }
0x3cc: {  	v4 =	vor.u32 v51, v1;
	_ =	sdelay $0x3  }
0x3cd: {  	[tilespmem:v3+s24+$0x0] =	vst.idx.msk $0xffff, v2  }
0x3ce: {  	v3 =	vor.u32 s2, v60;
	v2 =	vld.idx.msk [tilespmem:v4+s22+$0x0], $0xffff  }
0x3cf: {  	v4 =	vor.u32 v49, v1;
	_ =	sdelay $0x3  }
0x3d0: {  	[tilespmem:v3+s24+$0x0] =	vst.idx.msk $0xffff, v2  }
0x3d1: {  	v3 =	vor.u32 s2, v61;
	v2 =	vld.idx.msk [tilespmem:v4+s22+$0x0], $0xffff  }
0x3d2: {  	v4 =	vor.u32 v50, v1;
	_ =	sdelay $0x3  }
0x3d3: {  	[tilespmem:v3+s24+$0x0] =	vst.idx.msk $0xffff, v2  }
0x3d4: {  	v3 =	vor.u32 s2, v62;
	v2 =	vld.idx.msk [tilespmem:v4+s22+$0x0], $0xffff  }
0x3d5: {  	v4 =	vor.u32 v0, v1;
	_ =	sdelay $0x3  }
0x3d6: {  	[tilespmem:v3+s24+$0x0] =	vst.idx.msk $0xffff, v2  }
0x3d7: {  	v3 =	vor.u32 s2, v63;
	v2 =	vld.idx.msk [tilespmem:v4+s22+$0x0], $0xffff  }
0x3d8: {  	v4 =	vor.u32 v43, v1;
	_ =	sdelay $0x3  }
0x3d9: {  	[tilespmem:v3+s24+$0x0] =	vst.idx.msk $0xffff, v2  }
0x3da: {  	v3 =	vor.u32 s2, v33;
	v2 =	vld.idx.msk [tilespmem:v4+s22+$0x0], $0xffff  }
0x3db: {  	v4 =	vor.u32 v44, v1;
	_ =	sdelay $0x3  }
0x3dc: {  	[tilespmem:v3+s24+$0x0] =	vst.idx.msk $0xffff, v2  }
0x3dd: {  	v3 =	vor.u32 s2, v39;
	v2 =	vld.idx.msk [tilespmem:v4+s22+$0x0], $0xffff  }
0x3de: {  	v4 =	vor.u32 v45, v1;
	_ =	sdelay $0x3  }
0x3df: {  	[tilespmem:v3+s24+$0x0] =	vst.idx.msk $0xffff, v2  }
0x3e0: {  	v3 =	vor.u32 s2, v40;
	v2 =	vld.idx.msk [tilespmem:v4+s22+$0x0], $0xffff  }
0x3e1: {  	v1 =	vor.u32 v46, v1;
	_ =	sdelay $0x2  }
0x3e2: {  	s15 =	sadd.s32 s0, s4  }
0x3e3: {  	s7 =	sadd.s32 $0x1, s15;
	[tilespmem:v3+s24+$0x0] =	vst.idx.msk $0xffff, v2  }
0x3e4: {  	s8 =	sshll.u32 s7, $0x3;
	v2 =	vor.u32 s2, v41;
	v1 =	vld.idx.msk [tilespmem:v1+s22+$0x0], $0xffff  }
0x3e5: {  	s7 =	sshll.u32 s7, $0x5;
	s2 =	sand.u32 $0x18, s8  }
0x3e6: {  	s14 =	sor.u32 s7, s2  }
0x3e7: {  	s8 =	sshll.u32 s14, $0x7  }
0x3e8: {  	s8 =	sand.u32 $0x1FFFCC00, s8  }
0x3e9: {  	s14 =	sadd.s32 s1, s8;
	[tilespmem:v2+s24+$0x0] =	vst.idx.msk $0xffff, v1  }
0x3ea: {  	[hbm4b:s14+s3] =	stream.linear.scatter [tilespmem:s24], [sflag:$0x3], $0x2000, $0x38;
	[tilespmem:$0x18800] =	vst v63  }
0x3eb: {  	_ =	swait.ge [sflag:s19], $0x2000  }
0x3ec: {  	[sflag:s19] =	ssyncset.done $0x0  }
0x3ed: {  	s15 =	sadd.s32 s8, s9;
	[sflag:s19] =	ssyncadd.s32 $0xFFFFE000  }
0x3ee: {  	[hbm4b:s15+s3] =	stream.linear.scatter [tilespmem:s25], [sflag:$0x3], $0x2000, $0x38;
	[tilespmem:$0x18800] =	vst v63  }
0x3ef: {  	_ =	swait.ge [sflag:s19], $0x2000  }
0x3f0: {  	[sflag:s19] =	ssyncset.done $0x0  }
0x3f1: {  	s7 =	sand.u32 $0x3FFF80, s7;
	s8 =	sadd.s32 s8, s10;
	[sflag:s19] =	ssyncadd.s32 $0xFFFFE000  }
0x3f2: {  	[hbm4b:s8+s3] =	stream.linear.scatter [tilespmem:s26], [sflag:$0x3], $0x2000, $0x38;
	[tilespmem:$0x18800] =	vst v63  }
0x3f3: {  	s2 =	sor.u32 s2, s7;
	_ =	swait.ge [sflag:s19], $0x2000  }
0x3f4: {  	p0 =	seq.s32 s31, $0xB;
	s2 =	sshll.u32 s2, $0x7;
	[sflag:s19] =	ssyncset.done $0x0  }
.Ltmp2:
0x3f5: {  	s2 =	sadd.s32 s2, s11;
	[sflag:s19] =	ssyncadd.s32 $0xFFFFE000;
	(pc) =	sbr.rel @p0 .LBB2_8-.Ltmp2, $4  }
0x3f6: {  	[hbm4b:s2+s3] =	stream.linear.scatter [tilespmem:s28], [sflag:$0x3], $0x2000, $0x38;
	[tilespmem:$0x18800] =	vst v63  }
0x3f7: {  	_ =	swait.ge [sflag:s19], $0x2000  }
0x3f8: {  	[sflag:s19] =	ssyncset.done $0x0  }
0x3f9: {  	v4 =	vmov v34;
	[sflag:s19] =	ssyncadd.s32 $0xFFFFE000  }
0x3fa: {  	s0 =	sadd.s32 s0, s13  }
0x3fb: {  	s0 =	sshll.u32 s0, $0x7  }
0x3fc: {  	s0 =	sand.u32 $0x1FFFFF80, s0  }
0x3fd: {  	s0 =	sadd.s32 s5, s0  }
0x3fe: {  	[tilespmem:s20], [sflag:$0x3] =	stream.linear.gather [hbm4b:s0+s3], $0x400, $0x38;
	[tilespmem:$0x18800] =	vst v63  }
.Ltmp3:
0x3ff: {  	_ = 	snop;
	(pc) =	sbr.rel .LBB2_2-.Ltmp3, $4  }
0x400: {  	_ =	swait.ge [sflag:s19], $0x400  }
0x401: {  	[sflag:s19] =	ssyncset.done $0x0;
	v2 =	vld [tilespmem:$0x1FB90]  }
0x402: {  	s31 =	sadd.s32 $0x1, s31;
	v35 =	vld [tilespmem:$0x1FFF0];
	[sflag:s19] =	ssyncadd.s32 $0xFFFFFC00  }
0x403: {  	v3 =	vlaneseq.u32;
	v5 =	vld [tilespmem:$0x1FBA0];
	[tilespmem:s22], [sflag:$0x2] =	stream.indirect.gather [hbm4b:s6+s20], $0x20, s20, s20, $0xb8  }
.LBB2_8:
0x404: {  	v35 =	vld [tilespmem:$0x1FFF0];
	_ =	sdelay $0x1  }
0x405: {  	s0 =	simm.s32 $0x0  }
0x406: {  	v1 =	vmov s0  }
0x407: {  	v1 =	vshll.u32 v1, $0x5  }
0x408: {  	v2 =	vlaneseq.u32;
	_ =	swait.ge [sflag:s23], $0x8000;
	v1 =	vor.u32 v35, v1  }
0x409: {  	v5 =	vld [tilespmem:$0x1FB90];
	v2 =	vor.u32 v2, v1  }
0x40a: {  	v6 =	vld [tilespmem:$0x1FBA0];
	_ =	sdelay $0x1  }
0x40b: {  	[sflag:s23] =	ssyncset.done $0x0;
	s2 =	sand.u32 $0x1C00, s0;
	s7 =	sand.u32 $0x70, s0  }
0x40c: {  	[sflag:s23] =	ssyncadd.s32 $0xFFFF8000;
	s2 =	sor.u32 s7, s2  }
0x40d: {  	v3 =	vor.u32 s2, v5;
	v2 =	vld.idx.msk [tilespmem:v2+s21+$0x0], $0xffff  }
0x40e: {  	v34 =	vmov v4;
	v7 =	vld [tilespmem:$0x1FBB0];
	v4 =	vor.u32 v6, v1  }
0x40f: {  	v8 =	vld [tilespmem:$0x1FBC0];
	_ =	sdelay $0x2  }
0x410: {  	[tilespmem:v3+s24+$0x0] =	vst.idx.msk $0xffff, v2  }
0x411: {  	v3 =	vor.u32 s2, v7;
	v2 =	vld.idx.msk [tilespmem:v4+s21+$0x0], $0xffff  }
0x412: {  	v9 =	vld [tilespmem:$0x1FDC0];
	v4 =	vor.u32 v8, v1  }
0x413: {  	v10 =	vld [tilespmem:$0x1FDD0];
	_ =	sdelay $0x2  }
0x414: {  	[tilespmem:v3+s24+$0x0] =	vst.idx.msk $0xffff, v2  }
0x415: {  	v3 =	vor.u32 s2, v9;
	v2 =	vld.idx.msk [tilespmem:v4+s21+$0x0], $0xffff  }
0x416: {  	v11 =	vld [tilespmem:$0x1FDE0];
	v4 =	vor.u32 v10, v1  }
0x417: {  	v12 =	vld [tilespmem:$0x1FDF0];
	_ =	sdelay $0x2  }
0x418: {  	[tilespmem:v3+s24+$0x0] =	vst.idx.msk $0xffff, v2  }
0x419: {  	v3 =	vor.u32 s2, v11;
	v2 =	vld.idx.msk [tilespmem:v4+s21+$0x0], $0xffff  }
0x41a: {  	v13 =	vld [tilespmem:$0x1FE00];
	v4 =	vor.u32 v12, v1  }
0x41b: {  	v14 =	vld [tilespmem:$0x1FBD0];
	_ =	sdelay $0x2  }
0x41c: {  	[tilespmem:v3+s24+$0x0] =	vst.idx.msk $0xffff, v2  }
0x41d: {  	v3 =	vor.u32 s2, v13;
	v2 =	vld.idx.msk [tilespmem:v4+s21+$0x0], $0xffff  }
0x41e: {  	v15 =	vld [tilespmem:$0x1FBE0];
	v4 =	vor.u32 v14, v1  }
0x41f: {  	v16 =	vld [tilespmem:$0x1FBF0];
	_ =	sdelay $0x2  }
0x420: {  	[tilespmem:v3+s24+$0x0] =	vst.idx.msk $0xffff, v2  }
0x421: {  	v3 =	vor.u32 s2, v15;
	v2 =	vld.idx.msk [tilespmem:v4+s21+$0x0], $0xffff  }
0x422: {  	v17 =	vld [tilespmem:$0x1FC00];
	v4 =	vor.u32 v16, v1  }
0x423: {  	v18 =	vld [tilespmem:$0x1FE10];
	_ =	sdelay $0x2  }
0x424: {  	[tilespmem:v3+s24+$0x0] =	vst.idx.msk $0xffff, v2  }
0x425: {  	v3 =	vor.u32 s2, v17;
	v2 =	vld.idx.msk [tilespmem:v4+s21+$0x0], $0xffff  }
0x426: {  	v19 =	vld [tilespmem:$0x1FE20];
	v4 =	vor.u32 v18, v1  }
0x427: {  	v20 =	vld [tilespmem:$0x1FE30];
	_ =	sdelay $0x2  }
0x428: {  	[tilespmem:v3+s24+$0x0] =	vst.idx.msk $0xffff, v2  }
0x429: {  	v3 =	vor.u32 s2, v19;
	v2 =	vld.idx.msk [tilespmem:v4+s21+$0x0], $0xffff  }
0x42a: {  	v21 =	vld [tilespmem:$0x1FE40];
	v4 =	vor.u32 v20, v1  }
0x42b: {  	v22 =	vld [tilespmem:$0x1FE50];
	_ =	sdelay $0x2  }
0x42c: {  	[tilespmem:v3+s24+$0x0] =	vst.idx.msk $0xffff, v2  }
0x42d: {  	v3 =	vor.u32 s2, v21;
	v2 =	vld.idx.msk [tilespmem:v4+s21+$0x0], $0xffff  }
0x42e: {  	v23 =	vld [tilespmem:$0x1FE60];
	v4 =	vor.u32 v22, v1  }
0x42f: {  	v24 =	vld [tilespmem:$0x1FE70];
	_ =	sdelay $0x2  }
0x430: {  	[tilespmem:v3+s24+$0x0] =	vst.idx.msk $0xffff, v2  }
0x431: {  	v3 =	vor.u32 s2, v23;
	v2 =	vld.idx.msk [tilespmem:v4+s21+$0x0], $0xffff  }
0x432: {  	v25 =	vld [tilespmem:$0x1FE80];
	v4 =	vor.u32 v24, v1  }
0x433: {  	v26 =	vld [tilespmem:$0x1FE90];
	_ =	sdelay $0x2  }
0x434: {  	[tilespmem:v3+s24+$0x0] =	vst.idx.msk $0xffff, v2  }
0x435: {  	v3 =	vor.u32 s2, v25;
	v2 =	vld.idx.msk [tilespmem:v4+s21+$0x0], $0xffff  }
0x436: {  	v27 =	vld [tilespmem:$0x1FEA0];
	v4 =	vor.u32 v26, v1  }
0x437: {  	v28 =	vld [tilespmem:$0x1FC10];
	_ =	sdelay $0x2  }
0x438: {  	[tilespmem:v3+s24+$0x0] =	vst.idx.msk $0xffff, v2  }
0x439: {  	v3 =	vor.u32 s2, v27;
	v2 =	vld.idx.msk [tilespmem:v4+s21+$0x0], $0xffff  }
0x43a: {  	v29 =	vld [tilespmem:$0x1FC20];
	v4 =	vor.u32 v28, v1  }
0x43b: {  	v30 =	vld [tilespmem:$0x1FC30];
	_ =	sdelay $0x2  }
0x43c: {  	[tilespmem:v3+s24+$0x0] =	vst.idx.msk $0xffff, v2  }
0x43d: {  	v3 =	vor.u32 s2, v29;
	v2 =	vld.idx.msk [tilespmem:v4+s21+$0x0], $0xffff  }
0x43e: {  	v31 =	vld [tilespmem:$0x1FC40];
	v4 =	vor.u32 v30, v1  }
0x43f: {  	v32 =	vld [tilespmem:$0x1FEB0];
	_ =	sdelay $0x2  }
0x440: {  	[tilespmem:v3+s24+$0x0] =	vst.idx.msk $0xffff, v2  }
0x441: {  	v3 =	vor.u32 s2, v31;
	v2 =	vld.idx.msk [tilespmem:v4+s21+$0x0], $0xffff  }
0x442: {  	v37 =	vld [tilespmem:$0x1FEC0];
	v4 =	vor.u32 v32, v1  }
0x443: {  	v42 =	vld [tilespmem:$0x1FED0];
	_ =	sdelay $0x2  }
0x444: {  	[tilespmem:v3+s24+$0x0] =	vst.idx.msk $0xffff, v2  }
0x445: {  	v3 =	vor.u32 s2, v37;
	v2 =	vld.idx.msk [tilespmem:v4+s21+$0x0], $0xffff  }
0x446: {  	v47 =	vld [tilespmem:$0x1FEE0];
	v4 =	vor.u32 v42, v1;
	_ =	sdelay $0x3  }
0x447: {  	[tilespmem:v3+s24+$0x0] =	vst.idx.msk $0xffff, v2  }
0x448: {  	v3 =	vor.u32 s2, v47;
	v2 =	vld.idx.msk [tilespmem:v4+s21+$0x0], $0xffff  }
0x449: {  	v52 =	vld [tilespmem:$0x1FEF0];
	v4 =	vor.u32 v34, v1;
	_ =	sdelay $0x3  }
0x44a: {  	[tilespmem:v3+s24+$0x0] =	vst.idx.msk $0xffff, v2  }
0x44b: {  	v3 =	vor.u32 s2, v52;
	v2 =	vld.idx.msk [tilespmem:v4+s21+$0x0], $0xffff  }
0x44c: {  	v53 =	vld [tilespmem:$0x1FF00];
	v4 =	vor.u32 v36, v1;
	_ =	sdelay $0x3  }
0x44d: {  	[tilespmem:v3+s24+$0x0] =	vst.idx.msk $0xffff, v2  }
0x44e: {  	v3 =	vor.u32 s2, v53;
	v2 =	vld.idx.msk [tilespmem:v4+s21+$0x0], $0xffff  }
0x44f: {  	v4 =	vor.u32 v38, v1;
	_ =	sdelay $0x3  }
0x450: {  	v54 =	vld [tilespmem:$0x1FF10];
	[tilespmem:v3+s24+$0x0] =	vst.idx.msk $0xffff, v2  }
0x451: {  	v2 =	vld.idx.msk [tilespmem:v4+s21+$0x0], $0xffff  }
0x452: {  	v4 =	vld [tilespmem:$0x1FB00];
	_ =	sdelay $0x3  }
0x453: {  	v3 =	vor.u32 s2, v54  }
0x454: {  	v4 =	vor.u32 v4, v1;
	_ =	sdelay $0x3  }
0x455: {  	v55 =	vld [tilespmem:$0x1FF20];
	[tilespmem:v3+s24+$0x0] =	vst.idx.msk $0xffff, v2  }
0x456: {  	v2 =	vld.idx.msk [tilespmem:v4+s21+$0x0], $0xffff  }
0x457: {  	v4 =	vld [tilespmem:$0x1FB10];
	_ =	sdelay $0x3  }
0x458: {  	v3 =	vor.u32 s2, v55  }
0x459: {  	v4 =	vor.u32 v4, v1;
	_ =	sdelay $0x3  }
0x45a: {  	v56 =	vld [tilespmem:$0x1FF30];
	[tilespmem:v3+s24+$0x0] =	vst.idx.msk $0xffff, v2  }
0x45b: {  	v2 =	vld.idx.msk [tilespmem:v4+s21+$0x0], $0xffff  }
0x45c: {  	v4 =	vld [tilespmem:$0x1FB20];
	_ =	sdelay $0x3  }
0x45d: {  	v3 =	vor.u32 s2, v56  }
0x45e: {  	v4 =	vor.u32 v4, v1;
	_ =	sdelay $0x3  }
0x45f: {  	v57 =	vld [tilespmem:$0x1FF40];
	[tilespmem:v3+s24+$0x0] =	vst.idx.msk $0xffff, v2  }
0x460: {  	v2 =	vld.idx.msk [tilespmem:v4+s21+$0x0], $0xffff  }
0x461: {  	v4 =	vld [tilespmem:$0x1FB30];
	_ =	sdelay $0x3  }
0x462: {  	v3 =	vor.u32 s2, v57  }
0x463: {  	v58 =	vld [tilespmem:$0x1FF50];
	v4 =	vor.u32 v4, v1;
	_ =	sdelay $0x3  }
0x464: {  	[tilespmem:v3+s24+$0x0] =	vst.idx.msk $0xffff, v2  }
0x465: {  	v3 =	vor.u32 s2, v58;
	v2 =	vld.idx.msk [tilespmem:v4+s21+$0x0], $0xffff  }
0x466: {  	v59 =	vld [tilespmem:$0x1FF60];
	v4 =	vor.u32 v48, v1;
	_ =	sdelay $0x3  }
0x467: {  	[tilespmem:v3+s24+$0x0] =	vst.idx.msk $0xffff, v2  }
0x468: {  	v3 =	vor.u32 s2, v59;
	v2 =	vld.idx.msk [tilespmem:v4+s21+$0x0], $0xffff  }
0x469: {  	v60 =	vld [tilespmem:$0x1FF70];
	v4 =	vor.u32 v51, v1;
	_ =	sdelay $0x3  }
0x46a: {  	[tilespmem:v3+s24+$0x0] =	vst.idx.msk $0xffff, v2  }
0x46b: {  	v3 =	vor.u32 s2, v60;
	v2 =	vld.idx.msk [tilespmem:v4+s21+$0x0], $0xffff  }
0x46c: {  	v61 =	vld [tilespmem:$0x1FF80];
	v4 =	vor.u32 v49, v1;
	_ =	sdelay $0x3  }
0x46d: {  	[tilespmem:v3+s24+$0x0] =	vst.idx.msk $0xffff, v2  }
0x46e: {  	v3 =	vor.u32 s2, v61;
	v2 =	vld.idx.msk [tilespmem:v4+s21+$0x0], $0xffff  }
0x46f: {  	v62 =	vld [tilespmem:$0x1FF90];
	v4 =	vor.u32 v50, v1;
	_ =	sdelay $0x3  }
0x470: {  	[tilespmem:v3+s24+$0x0] =	vst.idx.msk $0xffff, v2  }
0x471: {  	v3 =	vor.u32 s2, v62;
	v2 =	vld.idx.msk [tilespmem:v4+s21+$0x0], $0xffff  }
0x472: {  	v63 =	vld [tilespmem:$0x1FFA0];
	v4 =	vor.u32 v0, v1;
	_ =	sdelay $0x3  }
0x473: {  	[tilespmem:v3+s24+$0x0] =	vst.idx.msk $0xffff, v2  }
0x474: {  	v3 =	vor.u32 s2, v63;
	v2 =	vld.idx.msk [tilespmem:v4+s21+$0x0], $0xffff  }
0x475: {  	v33 =	vld [tilespmem:$0x1FFB0];
	v4 =	vor.u32 v43, v1;
	_ =	sdelay $0x3  }
0x476: {  	[tilespmem:v3+s24+$0x0] =	vst.idx.msk $0xffff, v2  }
0x477: {  	v3 =	vor.u32 s2, v33;
	v2 =	vld.idx.msk [tilespmem:v4+s21+$0x0], $0xffff  }
0x478: {  	v39 =	vld [tilespmem:$0x1FFC0];
	v4 =	vor.u32 v44, v1;
	_ =	sdelay $0x3  }
0x479: {  	[tilespmem:v3+s24+$0x0] =	vst.idx.msk $0xffff, v2  }
0x47a: {  	v3 =	vor.u32 s2, v39;
	v2 =	vld.idx.msk [tilespmem:v4+s21+$0x0], $0xffff  }
0x47b: {  	v40 =	vld [tilespmem:$0x1FFD0];
	v4 =	vor.u32 v45, v1;
	_ =	sdelay $0x3  }
0x47c: {  	[tilespmem:v3+s24+$0x0] =	vst.idx.msk $0xffff, v2  }
0x47d: {  	v3 =	vor.u32 s2, v40;
	v2 =	vld.idx.msk [tilespmem:v4+s21+$0x0], $0xffff;
	_ =	sdelay $0x3  }
0x47e: {  	s7 =	simm.s32 $0x10  }
0x47f: {  	s8 =	simm.s32 $0x20;
	v41 =	vld [tilespmem:$0x1FFE0];
	v1 =	vor.u32 v46, v1;
	[tilespmem:v3+s24+$0x0] =	vst.idx.msk $0xffff, v2;
	v2 =	vmov s7  }
.LBB2_9:
0x480: {  	_ =	sdelay $0x2  }
0x481: {  	v2 =	vshll.u32 v2, $0x5  }
0x482: {  	v3 =	vld.idx.msk [tilespmem:v1+s21+$0x0], $0xffff;
	v4 =	vlaneseq.u32;
	v1 =	vor.u32 v35, v2;
	v2 =	vor.u32 s2, v41  }
0x483: {  	v4 =	vor.u32 v4, v1;
	_ =	sdelay $0x1  }
0x484: {  	s0 =	sadd.s32 $0x80, s0  }
0x485: {  	s14 =	sand.u32 $0x70, s7;
	s31 =	sand.u32 $0x1C00, s0  }
0x486: {  	s2 =	sor.u32 s14, s31;
	[tilespmem:v2+s24+$0x0] =	vst.idx.msk $0xffff, v3  }
0x487: {  	v3 =	vor.u32 s2, v5;
	v2 =	vld.idx.msk [tilespmem:v4+s21+$0x0], $0xffff  }
0x488: {  	v4 =	vor.u32 v6, v1;
	_ =	sdelay $0x3  }
0x489: {  	[tilespmem:v3+s24+$0x0] =	vst.idx.msk $0xffff, v2  }
0x48a: {  	v3 =	vor.u32 s2, v7;
	v2 =	vld.idx.msk [tilespmem:v4+s21+$0x0], $0xffff  }
0x48b: {  	v4 =	vor.u32 v8, v1;
	_ =	sdelay $0x3  }
0x48c: {  	[tilespmem:v3+s24+$0x0] =	vst.idx.msk $0xffff, v2  }
0x48d: {  	v3 =	vor.u32 s2, v9;
	v2 =	vld.idx.msk [tilespmem:v4+s21+$0x0], $0xffff  }
0x48e: {  	v4 =	vor.u32 v10, v1;
	_ =	sdelay $0x3  }
0x48f: {  	[tilespmem:v3+s24+$0x0] =	vst.idx.msk $0xffff, v2  }
0x490: {  	v3 =	vor.u32 s2, v11;
	v2 =	vld.idx.msk [tilespmem:v4+s21+$0x0], $0xffff  }
0x491: {  	v4 =	vor.u32 v12, v1;
	_ =	sdelay $0x3  }
0x492: {  	[tilespmem:v3+s24+$0x0] =	vst.idx.msk $0xffff, v2  }
0x493: {  	v3 =	vor.u32 s2, v13;
	v2 =	vld.idx.msk [tilespmem:v4+s21+$0x0], $0xffff  }
0x494: {  	v4 =	vor.u32 v14, v1;
	_ =	sdelay $0x3  }
0x495: {  	[tilespmem:v3+s24+$0x0] =	vst.idx.msk $0xffff, v2  }
0x496: {  	v3 =	vor.u32 s2, v15;
	v2 =	vld.idx.msk [tilespmem:v4+s21+$0x0], $0xffff  }
0x497: {  	v4 =	vor.u32 v16, v1;
	_ =	sdelay $0x3  }
0x498: {  	[tilespmem:v3+s24+$0x0] =	vst.idx.msk $0xffff, v2  }
0x499: {  	v3 =	vor.u32 s2, v17;
	v2 =	vld.idx.msk [tilespmem:v4+s21+$0x0], $0xffff  }
0x49a: {  	v4 =	vor.u32 v18, v1;
	_ =	sdelay $0x3  }
0x49b: {  	[tilespmem:v3+s24+$0x0] =	vst.idx.msk $0xffff, v2  }
0x49c: {  	v3 =	vor.u32 s2, v19;
	v2 =	vld.idx.msk [tilespmem:v4+s21+$0x0], $0xffff  }
0x49d: {  	v4 =	vor.u32 v20, v1;
	_ =	sdelay $0x3  }
0x49e: {  	[tilespmem:v3+s24+$0x0] =	vst.idx.msk $0xffff, v2  }
0x49f: {  	v3 =	vor.u32 s2, v21;
	v2 =	vld.idx.msk [tilespmem:v4+s21+$0x0], $0xffff  }
0x4a0: {  	v4 =	vor.u32 v22, v1;
	_ =	sdelay $0x3  }
0x4a1: {  	[tilespmem:v3+s24+$0x0] =	vst.idx.msk $0xffff, v2  }
0x4a2: {  	v3 =	vor.u32 s2, v23;
	v2 =	vld.idx.msk [tilespmem:v4+s21+$0x0], $0xffff  }
0x4a3: {  	v4 =	vor.u32 v24, v1;
	_ =	sdelay $0x3  }
0x4a4: {  	[tilespmem:v3+s24+$0x0] =	vst.idx.msk $0xffff, v2  }
0x4a5: {  	v3 =	vor.u32 s2, v25;
	v2 =	vld.idx.msk [tilespmem:v4+s21+$0x0], $0xffff  }
0x4a6: {  	v4 =	vor.u32 v26, v1;
	_ =	sdelay $0x3  }
0x4a7: {  	[tilespmem:v3+s24+$0x0] =	vst.idx.msk $0xffff, v2  }
0x4a8: {  	v3 =	vor.u32 s2, v27;
	v2 =	vld.idx.msk [tilespmem:v4+s21+$0x0], $0xffff  }
0x4a9: {  	v4 =	vor.u32 v28, v1;
	_ =	sdelay $0x3  }
0x4aa: {  	[tilespmem:v3+s24+$0x0] =	vst.idx.msk $0xffff, v2  }
0x4ab: {  	v3 =	vor.u32 s2, v29;
	v2 =	vld.idx.msk [tilespmem:v4+s21+$0x0], $0xffff  }
0x4ac: {  	v4 =	vor.u32 v30, v1;
	_ =	sdelay $0x3  }
0x4ad: {  	[tilespmem:v3+s24+$0x0] =	vst.idx.msk $0xffff, v2  }
0x4ae: {  	v3 =	vor.u32 s2, v31;
	v2 =	vld.idx.msk [tilespmem:v4+s21+$0x0], $0xffff  }
0x4af: {  	v4 =	vor.u32 v32, v1;
	_ =	sdelay $0x3  }
0x4b0: {  	[tilespmem:v3+s24+$0x0] =	vst.idx.msk $0xffff, v2  }
0x4b1: {  	v3 =	vor.u32 s2, v37;
	v2 =	vld.idx.msk [tilespmem:v4+s21+$0x0], $0xffff  }
0x4b2: {  	v4 =	vor.u32 v42, v1;
	_ =	sdelay $0x3  }
0x4b3: {  	[tilespmem:v3+s24+$0x0] =	vst.idx.msk $0xffff, v2  }
0x4b4: {  	v3 =	vor.u32 s2, v47;
	v2 =	vld.idx.msk [tilespmem:v4+s21+$0x0], $0xffff  }
0x4b5: {  	v4 =	vor.u32 v34, v1;
	_ =	sdelay $0x3  }
0x4b6: {  	[tilespmem:v3+s24+$0x0] =	vst.idx.msk $0xffff, v2  }
0x4b7: {  	v3 =	vor.u32 s2, v52;
	v2 =	vld.idx.msk [tilespmem:v4+s21+$0x0], $0xffff  }
0x4b8: {  	v4 =	vor.u32 v36, v1;
	_ =	sdelay $0x3  }
0x4b9: {  	[tilespmem:v3+s24+$0x0] =	vst.idx.msk $0xffff, v2  }
0x4ba: {  	v3 =	vor.u32 s2, v53;
	v2 =	vld.idx.msk [tilespmem:v4+s21+$0x0], $0xffff  }
0x4bb: {  	v4 =	vor.u32 v38, v1;
	_ =	sdelay $0x3  }
0x4bc: {  	[tilespmem:v3+s24+$0x0] =	vst.idx.msk $0xffff, v2  }
0x4bd: {  	v2 =	vld.idx.msk [tilespmem:v4+s21+$0x0], $0xffff  }
0x4be: {  	v4 =	vld [tilespmem:$0x1FB00];
	_ =	sdelay $0x3  }
0x4bf: {  	v3 =	vor.u32 s2, v54  }
0x4c0: {  	v4 =	vor.u32 v4, v1;
	_ =	sdelay $0x3  }
0x4c1: {  	[tilespmem:v3+s24+$0x0] =	vst.idx.msk $0xffff, v2  }
0x4c2: {  	v2 =	vld.idx.msk [tilespmem:v4+s21+$0x0], $0xffff  }
0x4c3: {  	v4 =	vld [tilespmem:$0x1FB10];
	_ =	sdelay $0x3  }
0x4c4: {  	v3 =	vor.u32 s2, v55  }
0x4c5: {  	v4 =	vor.u32 v4, v1;
	_ =	sdelay $0x3  }
0x4c6: {  	[tilespmem:v3+s24+$0x0] =	vst.idx.msk $0xffff, v2  }
0x4c7: {  	v2 =	vld.idx.msk [tilespmem:v4+s21+$0x0], $0xffff  }
0x4c8: {  	v4 =	vld [tilespmem:$0x1FB20];
	_ =	sdelay $0x3  }
0x4c9: {  	v3 =	vor.u32 s2, v56  }
0x4ca: {  	v4 =	vor.u32 v4, v1;
	_ =	sdelay $0x3  }
0x4cb: {  	[tilespmem:v3+s24+$0x0] =	vst.idx.msk $0xffff, v2  }
0x4cc: {  	v2 =	vld.idx.msk [tilespmem:v4+s21+$0x0], $0xffff  }
0x4cd: {  	v4 =	vld [tilespmem:$0x1FB30];
	_ =	sdelay $0x3  }
0x4ce: {  	v3 =	vor.u32 s2, v57  }
0x4cf: {  	v4 =	vor.u32 v4, v1;
	_ =	sdelay $0x3  }
0x4d0: {  	[tilespmem:v3+s24+$0x0] =	vst.idx.msk $0xffff, v2  }
0x4d1: {  	v3 =	vor.u32 s2, v58;
	v2 =	vld.idx.msk [tilespmem:v4+s21+$0x0], $0xffff  }
0x4d2: {  	v4 =	vor.u32 v48, v1;
	_ =	sdelay $0x3  }
0x4d3: {  	[tilespmem:v3+s24+$0x0] =	vst.idx.msk $0xffff, v2  }
0x4d4: {  	v3 =	vor.u32 s2, v59;
	v2 =	vld.idx.msk [tilespmem:v4+s21+$0x0], $0xffff  }
0x4d5: {  	v4 =	vor.u32 v51, v1;
	_ =	sdelay $0x3  }
0x4d6: {  	[tilespmem:v3+s24+$0x0] =	vst.idx.msk $0xffff, v2  }
0x4d7: {  	v3 =	vor.u32 s2, v60;
	v2 =	vld.idx.msk [tilespmem:v4+s21+$0x0], $0xffff  }
0x4d8: {  	v4 =	vor.u32 v49, v1;
	_ =	sdelay $0x3  }
0x4d9: {  	[tilespmem:v3+s24+$0x0] =	vst.idx.msk $0xffff, v2  }
0x4da: {  	v3 =	vor.u32 s2, v61;
	v2 =	vld.idx.msk [tilespmem:v4+s21+$0x0], $0xffff  }
0x4db: {  	v4 =	vor.u32 v50, v1;
	_ =	sdelay $0x3  }
0x4dc: {  	[tilespmem:v3+s24+$0x0] =	vst.idx.msk $0xffff, v2  }
0x4dd: {  	v3 =	vor.u32 s2, v62;
	v2 =	vld.idx.msk [tilespmem:v4+s21+$0x0], $0xffff  }
0x4de: {  	v4 =	vor.u32 v0, v1;
	_ =	sdelay $0x3  }
0x4df: {  	[tilespmem:v3+s24+$0x0] =	vst.idx.msk $0xffff, v2  }
0x4e0: {  	v3 =	vor.u32 s2, v63;
	v2 =	vld.idx.msk [tilespmem:v4+s21+$0x0], $0xffff  }
0x4e1: {  	v4 =	vor.u32 v43, v1;
	_ =	sdelay $0x3  }
0x4e2: {  	[tilespmem:v3+s24+$0x0] =	vst.idx.msk $0xffff, v2  }
0x4e3: {  	v3 =	vor.u32 s2, v33;
	v2 =	vld.idx.msk [tilespmem:v4+s21+$0x0], $0xffff  }
0x4e4: {  	v4 =	vor.u32 v44, v1;
	_ =	sdelay $0x3  }
0x4e5: {  	[tilespmem:v3+s24+$0x0] =	vst.idx.msk $0xffff, v2  }
0x4e6: {  	v3 =	vor.u32 s2, v39;
	v2 =	vld.idx.msk [tilespmem:v4+s21+$0x0], $0xffff  }
0x4e7: {  	v4 =	vor.u32 v45, v1;
	_ =	sdelay $0x3  }
0x4e8: {  	[tilespmem:v3+s24+$0x0] =	vst.idx.msk $0xffff, v2  }
0x4e9: {  	p0 =	sne.s32 s8, $0x3F0;
	v3 =	vld.idx.msk [tilespmem:v4+s21+$0x0], $0xffff;
	v4 =	vor.u32 s2, v40  }
.Ltmp4:
0x4ea: {  	_ = 	snop;
	(pc) =	sbr.rel @p0 .LBB2_9-.Ltmp4, $3  }
0x4eb: {  	_ =	sdelay $0x1  }
0x4ec: {  	s7 =	smov.u32 s8  }
0x4ed: {  	s8 =	sadd.s32 $0x10, s8;
	v1 =	vor.u32 v46, v1;
	v2 =	vmov s7;
	[tilespmem:v4+s24+$0x0] =	vst.idx.msk $0xffff, v3  }
0x4ee: {  	_ =	sdelay $0x2  }
0x4ef: {  	v2 =	vshll.u32 v2, $0x5  }
0x4f0: {  	v3 =	vld.idx.msk [tilespmem:v1+s21+$0x0], $0xffff;
	v4 =	vlaneseq.u32;
	v1 =	vor.u32 v35, v2;
	v2 =	vor.u32 s2, v41  }
0x4f1: {  	v4 =	vor.u32 v4, v1;
	_ =	sdelay $0x1  }
0x4f2: {  	s0 =	sadd.s32 $0x80, s0  }
0x4f3: {  	s14 =	sand.u32 $0x70, s7;
	s0 =	sand.u32 $0x1C00, s0  }
0x4f4: {  	s0 =	sor.u32 s14, s0;
	[tilespmem:v2+s24+$0x0] =	vst.idx.msk $0xffff, v3  }
0x4f5: {  	v3 =	vor.u32 s0, v5;
	v2 =	vld.idx.msk [tilespmem:v4+s21+$0x0], $0xffff  }
0x4f6: {  	v4 =	vor.u32 v6, v1;
	_ =	sdelay $0x3  }
0x4f7: {  	[tilespmem:v3+s24+$0x0] =	vst.idx.msk $0xffff, v2  }
0x4f8: {  	v3 =	vor.u32 s0, v7;
	v2 =	vld.idx.msk [tilespmem:v4+s21+$0x0], $0xffff  }
0x4f9: {  	v4 =	vor.u32 v8, v1;
	_ =	sdelay $0x3  }
0x4fa: {  	[tilespmem:v3+s24+$0x0] =	vst.idx.msk $0xffff, v2  }
0x4fb: {  	v3 =	vor.u32 s0, v9;
	v2 =	vld.idx.msk [tilespmem:v4+s21+$0x0], $0xffff  }
0x4fc: {  	v4 =	vor.u32 v10, v1;
	_ =	sdelay $0x3  }
0x4fd: {  	[tilespmem:v3+s24+$0x0] =	vst.idx.msk $0xffff, v2  }
0x4fe: {  	v3 =	vor.u32 s0, v11;
	v2 =	vld.idx.msk [tilespmem:v4+s21+$0x0], $0xffff  }
0x4ff: {  	v4 =	vor.u32 v12, v1;
	_ =	sdelay $0x3  }
0x500: {  	[tilespmem:v3+s24+$0x0] =	vst.idx.msk $0xffff, v2  }
0x501: {  	v3 =	vor.u32 s0, v13;
	v2 =	vld.idx.msk [tilespmem:v4+s21+$0x0], $0xffff  }
0x502: {  	v4 =	vor.u32 v14, v1;
	_ =	sdelay $0x3  }
0x503: {  	[tilespmem:v3+s24+$0x0] =	vst.idx.msk $0xffff, v2  }
0x504: {  	v3 =	vor.u32 s0, v15;
	v2 =	vld.idx.msk [tilespmem:v4+s21+$0x0], $0xffff  }
0x505: {  	v4 =	vor.u32 v16, v1;
	_ =	sdelay $0x3  }
0x506: {  	[tilespmem:v3+s24+$0x0] =	vst.idx.msk $0xffff, v2  }
0x507: {  	v3 =	vor.u32 s0, v17;
	v2 =	vld.idx.msk [tilespmem:v4+s21+$0x0], $0xffff  }
0x508: {  	v4 =	vor.u32 v18, v1;
	_ =	sdelay $0x3  }
0x509: {  	[tilespmem:v3+s24+$0x0] =	vst.idx.msk $0xffff, v2  }
0x50a: {  	v3 =	vor.u32 s0, v19;
	v2 =	vld.idx.msk [tilespmem:v4+s21+$0x0], $0xffff  }
0x50b: {  	v4 =	vor.u32 v20, v1;
	_ =	sdelay $0x3  }
0x50c: {  	[tilespmem:v3+s24+$0x0] =	vst.idx.msk $0xffff, v2  }
0x50d: {  	v3 =	vor.u32 s0, v21;
	v2 =	vld.idx.msk [tilespmem:v4+s21+$0x0], $0xffff  }
0x50e: {  	v4 =	vor.u32 v22, v1;
	_ =	sdelay $0x3  }
0x50f: {  	[tilespmem:v3+s24+$0x0] =	vst.idx.msk $0xffff, v2  }
0x510: {  	v3 =	vor.u32 s0, v23;
	v2 =	vld.idx.msk [tilespmem:v4+s21+$0x0], $0xffff  }
0x511: {  	v4 =	vor.u32 v24, v1;
	_ =	sdelay $0x3  }
0x512: {  	[tilespmem:v3+s24+$0x0] =	vst.idx.msk $0xffff, v2  }
0x513: {  	v3 =	vor.u32 s0, v25;
	v2 =	vld.idx.msk [tilespmem:v4+s21+$0x0], $0xffff  }
0x514: {  	v4 =	vor.u32 v26, v1;
	_ =	sdelay $0x3  }
0x515: {  	[tilespmem:v3+s24+$0x0] =	vst.idx.msk $0xffff, v2  }
0x516: {  	v3 =	vor.u32 s0, v27;
	v2 =	vld.idx.msk [tilespmem:v4+s21+$0x0], $0xffff  }
0x517: {  	v4 =	vor.u32 v28, v1;
	_ =	sdelay $0x3  }
0x518: {  	[tilespmem:v3+s24+$0x0] =	vst.idx.msk $0xffff, v2  }
0x519: {  	v3 =	vor.u32 s0, v29;
	v2 =	vld.idx.msk [tilespmem:v4+s21+$0x0], $0xffff  }
0x51a: {  	v4 =	vor.u32 v30, v1;
	_ =	sdelay $0x3  }
0x51b: {  	[tilespmem:v3+s24+$0x0] =	vst.idx.msk $0xffff, v2  }
0x51c: {  	v3 =	vor.u32 s0, v31;
	v2 =	vld.idx.msk [tilespmem:v4+s21+$0x0], $0xffff  }
0x51d: {  	v4 =	vor.u32 v32, v1;
	_ =	sdelay $0x3  }
0x51e: {  	[tilespmem:v3+s24+$0x0] =	vst.idx.msk $0xffff, v2  }
0x51f: {  	v3 =	vor.u32 s0, v37;
	v2 =	vld.idx.msk [tilespmem:v4+s21+$0x0], $0xffff  }
0x520: {  	v4 =	vor.u32 v42, v1;
	_ =	sdelay $0x3  }
0x521: {  	[tilespmem:v3+s24+$0x0] =	vst.idx.msk $0xffff, v2  }
0x522: {  	v3 =	vor.u32 s0, v47;
	v2 =	vld.idx.msk [tilespmem:v4+s21+$0x0], $0xffff  }
0x523: {  	v4 =	vor.u32 v34, v1;
	_ =	sdelay $0x3  }
0x524: {  	[tilespmem:v3+s24+$0x0] =	vst.idx.msk $0xffff, v2  }
0x525: {  	v3 =	vor.u32 s0, v52;
	v2 =	vld.idx.msk [tilespmem:v4+s21+$0x0], $0xffff  }
0x526: {  	v4 =	vor.u32 v36, v1;
	_ =	sdelay $0x3  }
0x527: {  	[tilespmem:v3+s24+$0x0] =	vst.idx.msk $0xffff, v2  }
0x528: {  	v3 =	vor.u32 s0, v53;
	v2 =	vld.idx.msk [tilespmem:v4+s21+$0x0], $0xffff  }
0x529: {  	v4 =	vor.u32 v38, v1;
	_ =	sdelay $0x3  }
0x52a: {  	[tilespmem:v3+s24+$0x0] =	vst.idx.msk $0xffff, v2  }
0x52b: {  	v2 =	vld.idx.msk [tilespmem:v4+s21+$0x0], $0xffff  }
0x52c: {  	v4 =	vld [tilespmem:$0x1FB00];
	_ =	sdelay $0x3  }
0x52d: {  	v3 =	vor.u32 s0, v54  }
0x52e: {  	v4 =	vor.u32 v4, v1;
	_ =	sdelay $0x3  }
0x52f: {  	[tilespmem:v3+s24+$0x0] =	vst.idx.msk $0xffff, v2  }
0x530: {  	v2 =	vld.idx.msk [tilespmem:v4+s21+$0x0], $0xffff  }
0x531: {  	v4 =	vld [tilespmem:$0x1FB10];
	_ =	sdelay $0x3  }
0x532: {  	v3 =	vor.u32 s0, v55  }
0x533: {  	v4 =	vor.u32 v4, v1;
	_ =	sdelay $0x3  }
0x534: {  	[tilespmem:v3+s24+$0x0] =	vst.idx.msk $0xffff, v2  }
0x535: {  	v2 =	vld.idx.msk [tilespmem:v4+s21+$0x0], $0xffff  }
0x536: {  	v4 =	vld [tilespmem:$0x1FB20];
	_ =	sdelay $0x3  }
0x537: {  	v3 =	vor.u32 s0, v56  }
0x538: {  	v4 =	vor.u32 v4, v1;
	_ =	sdelay $0x3  }
0x539: {  	[tilespmem:v3+s24+$0x0] =	vst.idx.msk $0xffff, v2  }
0x53a: {  	v2 =	vld.idx.msk [tilespmem:v4+s21+$0x0], $0xffff  }
0x53b: {  	v4 =	vld [tilespmem:$0x1FB30];
	_ =	sdelay $0x3  }
0x53c: {  	v3 =	vor.u32 s0, v57  }
0x53d: {  	v4 =	vor.u32 v4, v1;
	_ =	sdelay $0x3  }
0x53e: {  	[tilespmem:v3+s24+$0x0] =	vst.idx.msk $0xffff, v2  }
0x53f: {  	v3 =	vor.u32 s0, v58;
	v2 =	vld.idx.msk [tilespmem:v4+s21+$0x0], $0xffff  }
0x540: {  	v4 =	vor.u32 v48, v1;
	_ =	sdelay $0x3  }
0x541: {  	[tilespmem:v3+s24+$0x0] =	vst.idx.msk $0xffff, v2  }
0x542: {  	v3 =	vor.u32 s0, v59;
	v2 =	vld.idx.msk [tilespmem:v4+s21+$0x0], $0xffff  }
0x543: {  	v4 =	vor.u32 v51, v1;
	_ =	sdelay $0x3  }
0x544: {  	[tilespmem:v3+s24+$0x0] =	vst.idx.msk $0xffff, v2  }
0x545: {  	v3 =	vor.u32 s0, v60;
	v2 =	vld.idx.msk [tilespmem:v4+s21+$0x0], $0xffff  }
0x546: {  	v4 =	vor.u32 v49, v1;
	_ =	sdelay $0x3  }
0x547: {  	[tilespmem:v3+s24+$0x0] =	vst.idx.msk $0xffff, v2  }
0x548: {  	v3 =	vor.u32 s0, v61;
	v2 =	vld.idx.msk [tilespmem:v4+s21+$0x0], $0xffff  }
0x549: {  	v4 =	vor.u32 v50, v1;
	_ =	sdelay $0x3  }
0x54a: {  	[tilespmem:v3+s24+$0x0] =	vst.idx.msk $0xffff, v2  }
0x54b: {  	v3 =	vor.u32 s0, v62;
	v2 =	vld.idx.msk [tilespmem:v4+s21+$0x0], $0xffff  }
0x54c: {  	v4 =	vor.u32 v0, v1;
	_ =	sdelay $0x3  }
0x54d: {  	[tilespmem:v3+s24+$0x0] =	vst.idx.msk $0xffff, v2  }
0x54e: {  	v3 =	vor.u32 s0, v63;
	v2 =	vld.idx.msk [tilespmem:v4+s21+$0x0], $0xffff  }
0x54f: {  	v4 =	vor.u32 v43, v1;
	_ =	sdelay $0x3  }
0x550: {  	[tilespmem:v3+s24+$0x0] =	vst.idx.msk $0xffff, v2  }
0x551: {  	v3 =	vor.u32 s0, v33;
	v2 =	vld.idx.msk [tilespmem:v4+s21+$0x0], $0xffff  }
0x552: {  	v4 =	vor.u32 v44, v1;
	_ =	sdelay $0x3  }
0x553: {  	[tilespmem:v3+s24+$0x0] =	vst.idx.msk $0xffff, v2  }
0x554: {  	v3 =	vor.u32 s0, v39;
	v2 =	vld.idx.msk [tilespmem:v4+s21+$0x0], $0xffff  }
0x555: {  	v4 =	vor.u32 v45, v1;
	_ =	sdelay $0x3  }
0x556: {  	[tilespmem:v3+s24+$0x0] =	vst.idx.msk $0xffff, v2  }
0x557: {  	v3 =	vor.u32 s0, v40;
	v2 =	vld.idx.msk [tilespmem:v4+s21+$0x0], $0xffff  }
0x558: {  	v0 =	vor.u32 v46, v1;
	_ =	sdelay $0x3  }
0x559: {  	[tilespmem:v3+s24+$0x0] =	vst.idx.msk $0xffff, v2  }
0x55a: {  	v1 =	vor.u32 s0, v41;
	v0 =	vld.idx.msk [tilespmem:v0+s21+$0x0], $0xffff;
	_ =	sdelay $0x4  }
0x55b: {  	s15 =	rddreg [dreg:$0x5];
	[tilespmem:v1+s24+$0x0] =	vst.idx.msk $0xffff, v0  }
0x55c: {  	[hbm4b:s15+s3] =	stream.linear.scatter [tilespmem:s24], [sflag:$0x3], $0x2000, $0x38;
	[tilespmem:$0x18800] =	vst v63  }
0x55d: {  	_ =	swait.ge [sflag:s19], $0x2000  }
0x55e: {  	[sflag:s19] =	ssyncset.done $0x0  }
0x55f: {  	s31 =	rddreg [dreg:$0x6];
	[sflag:s19] =	ssyncadd.s32 $0xFFFFE000  }
0x560: {  	[hbm4b:s31+s3] =	stream.linear.scatter [tilespmem:s25], [sflag:$0x3], $0x2000, $0x38;
	[tilespmem:$0x18800] =	vst v63  }
0x561: {  	_ =	swait.ge [sflag:s19], $0x2000  }
0x562: {  	[sflag:s19] =	ssyncset.done $0x0  }
0x563: {  	[sflag:s19] =	ssyncadd.s32 $0xFFFFE000  }
0x564: {  	[hbm4b:s16+s3] =	stream.linear.scatter [tilespmem:s26], [sflag:$0x3], $0x2000, $0x38;
	[tilespmem:$0x18800] =	vst v63  }
0x565: {  	s30 =	sadd.s32 $0x1, s30;
	_ =	swait.ge [sflag:s19], $0x2000  }
0x566: {  	p0 =	sne.s32 s30, s18;
	[sflag:s19] =	ssyncset.done $0x0  }
.Ltmp5:
0x567: {  	[sflag:s19] =	ssyncadd.s32 $0xFFFFE000;
	(pc) =	sbr.rel @p0 .LBB2_1-.Ltmp5, $4  }
0x568: {  	[hbm4b:s17+s3] =	stream.linear.scatter [tilespmem:s28], [sflag:$0x3], $0x2000, $0x38;
	[tilespmem:$0x18800] =	vst v63  }
0x569: {  	_ =	swait.ge [sflag:s19], $0x2000  }
0x56a: {  	[sflag:s19] =	ssyncset.done $0x0  }
0x56b: {  	v3 =	vlaneseq.u32;
	[sflag:s19] =	ssyncadd.s32 $0xFFFFE000  }
0x56c: {  	_ =	sfence.sel $0x180000  }
0x56d: {  	[bflag:$0x0] =	sbarrier.arrive $0xFFFF  }
0x56e: {  	_ =	strace $0x90000047  }
0x56f: {  	s0 =	stileid.u32;
	[bflag:$0x2] =	sbarrier.arrive $0xFFFF  }
0x570: {  	p0 =	sne.s32 s0, $0x0;
	s0 =	rddreg [dreg:$0x2]  }
0x571: {  	s0 =	sadd.s32 @!p0 $0x100000, s0  }
0x572: {  	[sflag:s0] =	ssyncadd.tile.s32 @!p0 $0x1;
	_ =	shalt  }
.Lfunc_end2:
_tile_overlayer_lowered:
.L_overlay_start_2:
0x573: {  	(tag) =	ssettag $0x2  }
0x574: {  	s0 =	rddreg [dreg:$0x0];
	s2 =	stileid.u32  }
0x575: {  	s1 =	rddreg [dreg:$0x1];
	p0 =	sne.s32 s2, $0x0  }
0x576: {  	s3 =	rddreg [dreg:$0x2];
	[bflag:$0x3] =	sbarrier.arrive $0xFFFF;
	s2 =	simm.s32 @!p0 $0x1C03  }
0x577: {  	[timem:s3], [sflag:s2] =	dma.local @!p0 [hbm:s0], s1  }
0x578: {  	s0 =	simm.s32 @!p0 $0x3  }
0x579: {  	_ =	swait.ge @!p0 [sflag:s0], s1  }
0x57a: {  	s1 =	ssub.s32 @!p0 $0x0, s1;
	[sflag:s0] =	ssyncset.done @!p0 $0x0  }
0x57b: {  	[sflag:s0] =	ssyncadd.s32 @!p0 s1  }
0x57c: {  	[bflag:$0x3] =	sbarrier.arrive $0xFFFF  }
0x57d: {  	_ =	shalt  }

</sc_bundles>
